<compile_context>
chip_gen: v7x
topology: tpu7x:2x2x1
jax: 0.10.2.dev20260603
libtpu: 0.0.44.dev20260713+nightly
codegen_flags: <defaults>
</compile_context>

<pallas_src>
import jax
import jax.numpy as jnp
from jax import lax
from jax.experimental import pallas as pl
from jax.experimental.pallas import tpu as pltpu
from jax.experimental.pallas import tpu_sc as plsc

BSZ, BEAM, VOCAB = 64, 4, 100000
K = 8
L = 16

GELEM = 512
GP_BEAM = 196
VPAD = GP_BEAM * GELEM
NGROUP = BEAM * GP_BEAM
CAND = K * GELEM

NW = 32
ROWS_PER_W = BSZ // NW

NEG = -3.0e38
IMAX = 2147483647



def _tc_body(lp_ref, bias_ref, cand_ref, gid_ref, y2_ref):
    x = lp_ref[0]
    b = bias_ref[0]
    y2_ref[:, :VOCAB] = x + b
    y2_ref[:, VOCAB:] = jnp.full((BEAM, VPAD - VOCAB), NEG, dtype=jnp.float32)
    y2 = y2_ref[...]
    m = jnp.max(y2.reshape(BEAM, GP_BEAM, GELEM), axis=2)
    gids = (jax.lax.broadcasted_iota(jnp.int32, (BEAM, GP_BEAM), 0) * GP_BEAM
            + jax.lax.broadcasted_iota(jnp.int32, (BEAM, GP_BEAM), 1))
    rows4 = jax.lax.broadcasted_iota(jnp.int32, (BEAM, 1), 0)
    io16 = jax.lax.broadcasted_iota(jnp.int32, (1, 1, L), 2)
    gidvec = jnp.full((1, 1, L), IMAX, dtype=jnp.int32)
    for k in range(K):
        gmax = jnp.max(m)
        gid = jnp.min(jnp.where(m == gmax, gids, IMAX))
        m = jnp.where(gids == gid, NEG, m)
        beam = gid // GP_BEAM
        j = gid % GP_BEAM
        chunk4 = y2_ref[:, pl.ds(j * GELEM, GELEM)]
        chunk = jnp.max(jnp.where(rows4 == beam, chunk4, NEG), axis=0)
        cand_ref[0, k] = chunk
        gidvec = jnp.where(io16 == k, gid, gidvec)
    gid_ref[...] = gidvec


_tc_stage = pl.pallas_call(
    _tc_body,
    grid=(BSZ,),
    in_specs=[
        pl.BlockSpec((1, BEAM, VOCAB), lambda i: (i, 0, 0)),
        pl.BlockSpec((1, BEAM, 1), lambda i: (i, 0, 0)),
    ],
    out_specs=[
        pl.BlockSpec((1, K, GELEM), lambda i: (i, 0, 0)),
        pl.BlockSpec((1, 1, L), lambda i: (i, 0, 0)),
    ],
    out_shape=[
        jax.ShapeDtypeStruct((BSZ, K, GELEM), jnp.float32),
        jax.ShapeDtypeStruct((BSZ, 1, L), jnp.int32),
    ],
    scratch_shapes=[pltpu.VMEM((BEAM, VPAD), jnp.float32)],
)



def _sc_body(cand_hbm, gid_hbm, vals_hbm, flats_hbm,
             cbuf, gbuf, ovst, ofst, sem0):
    wid = lax.axis_index("c") * 16 + lax.axis_index("s")
    iota = lax.iota(jnp.int32, L)
    negv = jnp.full((L,), NEG, dtype=jnp.float32)
    zerov = jnp.zeros((L,), dtype=jnp.int32)

    def row_body(r, _):
        row = wid * ROWS_PER_W + r
        c1 = pltpu.async_copy(cand_hbm.at[row], cbuf, sem0)
        pltpu.sync_copy(gid_hbm.at[row], gbuf)
        c1.wait()

        gv = gbuf[...]
        skeys, svals = plsc.sort_key_val(gv, iota)
        ov = jnp.zeros((L,), dtype=jnp.float32)
        of = zerov

        def lanemax(pk):
            def lm_step(v, lm):
                return jnp.maximum(lm, cbuf[pl.ds(pk * GELEM + v * L, L)])
            return lax.fori_loop(0, GELEM // L, lm_step, negv)

        S = negv
        for kk in range(K):
            pk = jnp.min(jnp.where(iota == kk, svals, IMAX))
            S = jnp.where(iota == kk, jnp.max(lanemax(pk)), S)

        for k in range(K):
            gmax = jnp.max(S)
            kstar = jnp.min(jnp.where(S == gmax, iota, IMAX))
            sid = jnp.min(jnp.where(iota == kstar, skeys, IMAX))
            pk = jnp.min(jnp.where(iota == kstar, svals, IMAX))
            beam = sid // GP_BEAM
            j = sid - beam * GP_BEAM
            base = beam * VOCAB + j * GELEM

            def minix_step(v, mi, pk=pk, base=base, gmax=gmax):
                x = cbuf[pl.ds(pk * GELEM + v * L, L)]
                ixv = base + v * L + iota
                return jnp.minimum(mi, jnp.where(x == gmax, ixv, IMAX))

            minIX = lax.fori_loop(0, GELEM // L, minix_step,
                                  jnp.full((L,), IMAX, dtype=jnp.int32))
            istar = jnp.min(minIX)
            pstar = pk * GELEM + (istar - base)
            plsc.store_scatter(cbuf, [jnp.broadcast_to(pstar, (L,))], negv,
                               mask=iota == 0)
            S = jnp.where(iota == kstar, jnp.max(lanemax(pk)), S)
            ov = jnp.where(iota == k, gmax, ov)
            of = jnp.where(iota == k, istar, of)

        ovst[...] = ov
        ofst[...] = of
        pltpu.sync_copy(ovst, vals_hbm.at[row])
        pltpu.sync_copy(ofst, flats_hbm.at[row])
        return 0

    lax.fori_loop(0, ROWS_PER_W, row_body, 0)


_sc_stage = pl.kernel(
    _sc_body,
    out_type=[
        jax.ShapeDtypeStruct((BSZ, L), jnp.float32),
        jax.ShapeDtypeStruct((BSZ, L), jnp.int32),
    ],
    mesh=plsc.VectorSubcoreMesh(core_axis_name="c", subcore_axis_name="s",
                                num_cores=2, num_subcores=16),
    compiler_params=pltpu.CompilerParams(use_tc_tiling_on_sc=False,
                                         needs_layout_passes=False),
    scratch_types=[
        pltpu.VMEM((CAND,), jnp.float32),
        pltpu.VMEM((L,), jnp.int32),
        pltpu.VMEM((L,), jnp.float32),
        pltpu.VMEM((L,), jnp.int32),
        pltpu.SemaphoreType.DMA,
    ],
)


def kernel(step, lprobs, scores):
    bsz, beam, vocab = lprobs.shape
    bias = jnp.take(scores, step - 1, axis=2)
    cand, gids = _tc_stage(lprobs, bias[:, :, None])
    vals, flats = _sc_stage(cand.reshape(bsz, CAND),
                            gids.reshape(bsz, L))
    vals = vals[:, :K]
    flats = flats[:, :K]
    return (vals, flats % vocab, flats // vocab)

# --- scband reference (transcript-rebuilt; emitter-appended) ---
"""Pipeline reference for scband-beam-search-1700807050144 (READ-ONLY COPY).

The authoritative reference and input builder live on the scoring server;
editing this copy changes nothing except your own understanding.
"""

import jax, jax.numpy as jnp
import numpy as np

BSZ, BEAM, VOCAB, STEP = 64, 4, 100000, 5

def setup_inputs(seed: int = 0) -> dict:
    key = jax.random.key(seed)
    k1, k2 = jax.random.split(key)
    lprobs = jax.random.normal(k1, (BSZ, BEAM, VOCAB), dtype=jnp.float32)
    scores = jax.random.normal(k2, (BSZ, BEAM, STEP), dtype=jnp.float32)
    return {"step": STEP, "lprobs": lprobs, "scores": scores}

def reference(step, lprobs, scores):
    bsz, beam_size, vocab_size = lprobs.shape
    step_static = scores.shape[2]
    if step_static == 0:
        lprobs = lprobs[:, ::beam_size, :]
    else:
        lprobs = lprobs + jnp.take(scores, step - 1, axis=2)[:, :, None]
    flat = lprobs.reshape(bsz, -1)
    k = min(beam_size * 2, flat.shape[1] - 1)
    scores_buf, indices_buf = jax.lax.top_k(flat, k)
    beams_buf = indices_buf // vocab_size
    indices_buf = indices_buf % vocab_size
    return (scores_buf, indices_buf, beams_buf)

if __name__ == "__main__":
    import jax
    _d = setup_inputs()
    print(jax.jit(kernel)(*tuple(_d.values())))

</pallas_src>

<mosaic_0001>
#map = affine_map<(d0, d1) -> (0, 0)>
module attributes {stable_mosaic.version = 14 : i64} {
  func.func @_sc_body(%arg0: i32, %arg1: i32, %arg2: memref<64x4096xf32, #tpu.memory_space<hbm>>, %arg3: memref<64x16xi32, #tpu.memory_space<hbm>>, %arg4: memref<64x16xf32, #tpu.memory_space<hbm>>, %arg5: memref<64x16xi32, #tpu.memory_space<hbm>>, %arg6: memref<4096xf32, #tpu.memory_space<vmem>>, %arg7: memref<16xi32, #tpu.memory_space<vmem>>, %arg8: memref<16xf32, #tpu.memory_space<vmem>>, %arg9: memref<16xi32, #tpu.memory_space<vmem>>, %arg10: memref<!tpu.dma_semaphore, #tpu.memory_space<semaphore_mem>>) attributes {dimension_semantics = [#tpu.dimension_semantics<core_parallel>, #tpu.dimension_semantics<subcore_parallel>], iteration_bounds = array<i64: 2, 16>, scalar_prefetch = 0 : i64, scratch_operands = 5 : i64, tpu.core_type = #tpu.core_type<sc_vector_subcore>, window_params = [{transform_indices = #map}, {transform_indices = #map}, {transform_indices = #map}, {transform_indices = #map}]} {
    %mul3A = arith.constant 16 : i32
    %mul3A_0 = arith.muli %arg0, %mul3A : i32
    %add3A = arith.addi %mul3A_0, %arg1 : i32
    %iota3A = tpu.iota {dimensions = array<i32: 0>} : vector<16xi32>
    %broadcast_in_dim3A = arith.constant -3.000000e+38 : f32
    %broadcast_in_dim3A_1 = vector.broadcast %broadcast_in_dim3A : f32 to vector<16xf32>
    %broadcast_in_dim3A_2 = arith.constant 0 : i32
    %broadcast_in_dim3A_3 = vector.broadcast %broadcast_in_dim3A_2 : i32 to vector<16xi32>
    %scan3A = arith.constant 0 : i32
    %scan3A_4 = arith.constant 0 : i32
    %scan3A_5 = arith.constant 2 : i32
    %scan3A_6 = arith.addi %scan3A_4, %scan3A_5 : i32
    %scan3A_7 = arith.constant 1 : i32
    %scan3A_8 = scf.for %scan3A_10 = %scan3A_4 to %scan3A_6 step %scan3A_7 iter_args(%scan3A_11 = %scan3A) -> (i32)  : i32 {
      %mul3A_12 = arith.constant 2 : i32
      %mul3A_13 = arith.muli %add3A, %mul3A_12 : i32
      %add3A_14 = arith.addi %mul3A_13, %scan3A_10 : i32
      %dma_start3A = arith.constant 0 : i32
      %dma_start3A_15 = tpu.memref_slice %arg2[%add3A_14, %dma_start3A] : memref<64x4096xf32, #tpu.memory_space<hbm>> -> memref<1x4096xf32, #tpu.memory_space<hbm>>
      %dma_start3A_16 = tpu.memref_squeeze %dma_start3A_15 : memref<1x4096xf32, #tpu.memory_space<hbm>> -> memref<4096xf32, #tpu.memory_space<hbm>>
      %dma_start3A_17 = arith.constant 0 : i32
      %dma_start3A_18 = tpu.memref_slice %arg2[%add3A_14, %dma_start3A_17] : memref<64x4096xf32, #tpu.memory_space<hbm>> -> memref<1x4096xf32, #tpu.memory_space<hbm>>
      %dma_start3A_19 = tpu.memref_squeeze %dma_start3A_18 : memref<1x4096xf32, #tpu.memory_space<hbm>> -> memref<4096xf32, #tpu.memory_space<hbm>>
      tpu.enqueue_dma source(%dma_start3A_19 : memref<4096xf32, #tpu.memory_space<hbm>>) target(%arg6 : memref<4096xf32, #tpu.memory_space<vmem>>) target_semaphore(%arg10 : memref<!tpu.dma_semaphore, #tpu.memory_space<semaphore_mem>>)
      "tpu.region"() ({
        %run_scoped3A = tpu.sem_alloc : memref<!tpu.dma_semaphore, #tpu.memory_space<semaphore_mem>>
        %dma_start3A_1244 = arith.constant 0 : i32
        %dma_start3A_1245 = tpu.memref_slice %arg3[%add3A_14, %dma_start3A_1244] : memref<64x16xi32, #tpu.memory_space<hbm>> -> memref<1x16xi32, #tpu.memory_space<hbm>>
        %dma_start3A_1246 = tpu.memref_squeeze %dma_start3A_1245 : memref<1x16xi32, #tpu.memory_space<hbm>> -> memref<16xi32, #tpu.memory_space<hbm>>
        %dma_start3A_1247 = arith.constant 0 : i32
        %dma_start3A_1248 = tpu.memref_slice %arg3[%add3A_14, %dma_start3A_1247] : memref<64x16xi32, #tpu.memory_space<hbm>> -> memref<1x16xi32, #tpu.memory_space<hbm>>
        %dma_start3A_1249 = tpu.memref_squeeze %dma_start3A_1248 : memref<1x16xi32, #tpu.memory_space<hbm>> -> memref<16xi32, #tpu.memory_space<hbm>>
        tpu.enqueue_dma source(%dma_start3A_1249 : memref<16xi32, #tpu.memory_space<hbm>>) target(%arg7 : memref<16xi32, #tpu.memory_space<vmem>>) target_semaphore(%run_scoped3A : memref<!tpu.dma_semaphore, #tpu.memory_space<semaphore_mem>>)
        %dma_wait3A_1250 = arith.constant 0 : i32
        %dma_wait3A_1251 = tpu.memref_slice %arg3[%add3A_14, %dma_wait3A_1250] : memref<64x16xi32, #tpu.memory_space<hbm>> -> memref<1x16xi32, #tpu.memory_space<hbm>>
        %dma_wait3A_1252 = tpu.memref_squeeze %dma_wait3A_1251 : memref<1x16xi32, #tpu.memory_space<hbm>> -> memref<16xi32, #tpu.memory_space<hbm>>
        %dma_wait3A_1253 = arith.constant 0 : i32
        %dma_wait3A_1254 = tpu.memref_slice %arg3[%add3A_14, %dma_wait3A_1253] : memref<64x16xi32, #tpu.memory_space<hbm>> -> memref<1x16xi32, #tpu.memory_space<hbm>>
        %dma_wait3A_1255 = tpu.memref_squeeze %dma_wait3A_1254 : memref<1x16xi32, #tpu.memory_space<hbm>> -> memref<16xi32, #tpu.memory_space<hbm>>
        tpu.wait_dma2 semaphore(%run_scoped3A : memref<!tpu.dma_semaphore, #tpu.memory_space<semaphore_mem>>) src(%dma_wait3A_1255 : memref<16xi32, #tpu.memory_space<hbm>>) dst(%arg7 : memref<16xi32, #tpu.memory_space<vmem>>)
        tpu.yield
      }) : () -> ()
      %dma_wait3A = arith.constant 0 : i32
      %dma_wait3A_20 = tpu.memref_slice %arg2[%add3A_14, %dma_wait3A] : memref<64x4096xf32, #tpu.memory_space<hbm>> -> memref<1x4096xf32, #tpu.memory_space<hbm>>
      %dma_wait3A_21 = tpu.memref_squeeze %dma_wait3A_20 : memref<1x4096xf32, #tpu.memory_space<hbm>> -> memref<4096xf32, #tpu.memory_space<hbm>>
      %dma_wait3A_22 = arith.constant 0 : i32
      %dma_wait3A_23 = tpu.memref_slice %arg2[%add3A_14, %dma_wait3A_22] : memref<64x4096xf32, #tpu.memory_space<hbm>> -> memref<1x4096xf32, #tpu.memory_space<hbm>>
      %dma_wait3A_24 = tpu.memref_squeeze %dma_wait3A_23 : memref<1x4096xf32, #tpu.memory_space<hbm>> -> memref<4096xf32, #tpu.memory_space<hbm>>
      tpu.wait_dma2 semaphore(%arg10 : memref<!tpu.dma_semaphore, #tpu.memory_space<semaphore_mem>>) src(%dma_wait3A_24 : memref<4096xf32, #tpu.memory_space<hbm>>) dst(%arg6 : memref<4096xf32, #tpu.memory_space<vmem>>)
      %get3A = arith.constant 0 : index
      %get3A_25 = tpu.vector_load %arg7[%get3A] {strides = array<i32>} : memref<16xi32, #tpu.memory_space<vmem>>, vector<16xi32>,
      %masked_sort3A = arith.constant dense<true> : vector<16xi1>
      %masked_sort3A_26 = arith.constant -2147483648 : i32
      %masked_sort3A_27 = vector.broadcast %masked_sort3A_26 : i32 to vector<16xi32>
      %masked_sort3A_28 = arith.xori %get3A_25, %masked_sort3A_27 : vector<16xi32>
      %masked_sort3A_29, %masked_sort3A_30, %masked_sort3A_31 = tpu.sort %masked_sort3A_28, %iota3A masked %masked_sort3A : (vector<16xi32>, vector<16xi32>, vector<16xi1>) -> (vector<16xi1>, vector<16xi32>, vector<16xi32>)
      %masked_sort3A_32 = arith.xori %masked_sort3A_30, %masked_sort3A_27 : vector<16xi32>
      %broadcast_in_dim3A_33 = arith.constant 0.000000e+00 : f32
      %broadcast_in_dim3A_34 = vector.broadcast %broadcast_in_dim3A_33 : f32 to vector<16xf32>
      %eq3A = arith.constant 0 : i32
      %eq3A_35 = vector.broadcast %eq3A : i32 to vector<16xi32>
      %eq3A_36 = arith.cmpi eq, %iota3A, %eq3A_35 : vector<16xi32>
      %jit3A = arith.constant 2147483647 : i32
      %broadcast_in_dim3A_37 = vector.broadcast %jit3A : i32 to vector<16xi32>
      %select_n3A = arith.select %eq3A_36, %masked_sort3A_31, %broadcast_in_dim3A_37 : vector<16xi1>, vector<16xi32>
      %reduce_min3A = arith.constant true
      %reduce_min3A_38 = vector.broadcast %reduce_min3A : i1 to vector<16xi1>
      %reduce_min3A_39 = arith.constant -2147483648 : i32
      %reduce_min3A_40 = vector.broadcast %reduce_min3A_39 : i32 to vector<16xi32>
      %reduce_min3A_41 = arith.xori %select_n3A, %reduce_min3A_40 : vector<16xi32>
      %reduce_min3A_42 = tpu.scan <min>, %reduce_min3A_41 masked %reduce_min3A_38 : vector<16xi32>, vector<16xi1> -> vector<16xi32>
      %reduce_min3A_43 = arith.xori %reduce_min3A_42, %reduce_min3A_40 : vector<16xi32>
      %reduce_min3A_44 = vector.extract %reduce_min3A_43[15] : i32 from vector<16xi32>
      %eq3A_45 = arith.constant 0 : i32
      %eq3A_46 = vector.broadcast %eq3A_45 : i32 to vector<16xi32>
      %eq3A_47 = arith.cmpi eq, %iota3A, %eq3A_46 : vector<16xi32>
      %scan3A_48 = arith.constant 0 : i32
      %scan3A_49 = arith.constant 32 : i32
      %scan3A_50 = arith.addi %scan3A_48, %scan3A_49 : i32
      %scan3A_51 = arith.constant 1 : i32
      %scan3A_52 = scf.for %scan3A_1244 = %scan3A_48 to %scan3A_50 step %scan3A_51 iter_args(%scan3A_1245 = %broadcast_in_dim3A_1) -> (vector<16xf32>)  : i32 {
        %mul3A_1246 = arith.constant 512 : i32
        %mul3A_1247 = arith.muli %reduce_min3A_44, %mul3A_1246 : i32
        %mul3A_1248 = arith.constant 16 : i32
        %mul3A_1249 = arith.muli %scan3A_1244, %mul3A_1248 : i32
        %add3A_1250 = arith.addi %mul3A_1247, %mul3A_1249 : i32
        %get3A_1251 = arith.index_cast %add3A_1250 : i32 to index
        %get3A_1252 = tpu.vector_load %arg6[%get3A_1251] {strides = array<i32>} : memref<4096xf32, #tpu.memory_space<vmem>>, vector<16xf32>,
        %max3A = arith.maximumf %scan3A_1245, %get3A_1252 : vector<16xf32>
        scf.yield %max3A : vector<16xf32>
      }
      %scan3A_53 = arith.constant 32 : i32
      %reduce_max3A = arith.constant true
      %reduce_max3A_54 = vector.broadcast %reduce_max3A : i1 to vector<16xi1>
      %reduce_max3A_55 = tpu.scan <max>, %scan3A_52 masked %reduce_max3A_54 : vector<16xf32>, vector<16xi1> -> vector<16xf32>
      %reduce_max3A_56 = vector.extract %reduce_max3A_55[15] : f32 from vector<16xf32>
      %broadcast_in_dim3A_57 = vector.broadcast %reduce_max3A_56 : f32 to vector<16xf32>
      %select_n3A_58 = arith.select %eq3A_47, %broadcast_in_dim3A_57, %broadcast_in_dim3A_1 : vector<16xi1>, vector<16xf32>
      %eq3A_59 = arith.constant 1 : i32
      %eq3A_60 = vector.broadcast %eq3A_59 : i32 to vector<16xi32>
      %eq3A_61 = arith.cmpi eq, %iota3A, %eq3A_60 : vector<16xi32>
      %jit3A_62 = arith.constant 2147483647 : i32
      %broadcast_in_dim3A_63 = vector.broadcast %jit3A_62 : i32 to vector<16xi32>
      %select_n3A_64 = arith.select %eq3A_61, %masked_sort3A_31, %broadcast_in_dim3A_63 : vector<16xi1>, vector<16xi32>
      %reduce_min3A_65 = arith.constant true
      %reduce_min3A_66 = vector.broadcast %reduce_min3A_65 : i1 to vector<16xi1>
      %reduce_min3A_67 = arith.constant -2147483648 : i32
      %reduce_min3A_68 = vector.broadcast %reduce_min3A_67 : i32 to vector<16xi32>
      %reduce_min3A_69 = arith.xori %select_n3A_64, %reduce_min3A_68 : vector<16xi32>
      %reduce_min3A_70 = tpu.scan <min>, %reduce_min3A_69 masked %reduce_min3A_66 : vector<16xi32>, vector<16xi1> -> vector<16xi32>
      %reduce_min3A_71 = arith.xori %reduce_min3A_70, %reduce_min3A_68 : vector<16xi32>
      %reduce_min3A_72 = vector.extract %reduce_min3A_71[15] : i32 from vector<16xi32>
      %eq3A_73 = arith.constant 1 : i32
      %eq3A_74 = vector.broadcast %eq3A_73 : i32 to vector<16xi32>
      %eq3A_75 = arith.cmpi eq, %iota3A, %eq3A_74 : vector<16xi32>
      %scan3A_76 = arith.constant 0 : i32
      %scan3A_77 = arith.constant 32 : i32
      %scan3A_78 = arith.addi %scan3A_76, %scan3A_77 : i32
      %scan3A_79 = arith.constant 1 : i32
      %scan3A_80 = scf.for %scan3A_1244 = %scan3A_76 to %scan3A_78 step %scan3A_79 iter_args(%scan3A_1245 = %broadcast_in_dim3A_1) -> (vector<16xf32>)  : i32 {
        %mul3A_1246 = arith.constant 512 : i32
        %mul3A_1247 = arith.muli %reduce_min3A_72, %mul3A_1246 : i32
        %mul3A_1248 = arith.constant 16 : i32
        %mul3A_1249 = arith.muli %scan3A_1244, %mul3A_1248 : i32
        %add3A_1250 = arith.addi %mul3A_1247, %mul3A_1249 : i32
        %get3A_1251 = arith.index_cast %add3A_1250 : i32 to index
        %get3A_1252 = tpu.vector_load %arg6[%get3A_1251] {strides = array<i32>} : memref<4096xf32, #tpu.memory_space<vmem>>, vector<16xf32>,
        %max3A = arith.maximumf %scan3A_1245, %get3A_1252 : vector<16xf32>
        scf.yield %max3A : vector<16xf32>
      }
      %scan3A_81 = arith.constant 32 : i32
      %reduce_max3A_82 = arith.constant true
      %reduce_max3A_83 = vector.broadcast %reduce_max3A_82 : i1 to vector<16xi1>
      %reduce_max3A_84 = tpu.scan <max>, %scan3A_80 masked %reduce_max3A_83 : vector<16xf32>, vector<16xi1> -> vector<16xf32>
      %reduce_max3A_85 = vector.extract %reduce_max3A_84[15] : f32 from vector<16xf32>
      %broadcast_in_dim3A_86 = vector.broadcast %reduce_max3A_85 : f32 to vector<16xf32>
      %select_n3A_87 = arith.select %eq3A_75, %broadcast_in_dim3A_86, %select_n3A_58 : vector<16xi1>, vector<16xf32>
      %eq3A_88 = arith.constant 2 : i32
      %eq3A_89 = vector.broadcast %eq3A_88 : i32 to vector<16xi32>
      %eq3A_90 = arith.cmpi eq, %iota3A, %eq3A_89 : vector<16xi32>
      %jit3A_91 = arith.constant 2147483647 : i32
      %broadcast_in_dim3A_92 = vector.broadcast %jit3A_91 : i32 to vector<16xi32>
      %select_n3A_93 = arith.select %eq3A_90, %masked_sort3A_31, %broadcast_in_dim3A_92 : vector<16xi1>, vector<16xi32>
      %reduce_min3A_94 = arith.constant true
      %reduce_min3A_95 = vector.broadcast %reduce_min3A_94 : i1 to vector<16xi1>
      %reduce_min3A_96 = arith.constant -2147483648 : i32
      %reduce_min3A_97 = vector.broadcast %reduce_min3A_96 : i32 to vector<16xi32>
      %reduce_min3A_98 = arith.xori %select_n3A_93, %reduce_min3A_97 : vector<16xi32>
      %reduce_min3A_99 = tpu.scan <min>, %reduce_min3A_98 masked %reduce_min3A_95 : vector<16xi32>, vector<16xi1> -> vector<16xi32>
      %reduce_min3A_100 = arith.xori %reduce_min3A_99, %reduce_min3A_97 : vector<16xi32>
      %reduce_min3A_101 = vector.extract %reduce_min3A_100[15] : i32 from vector<16xi32>
      %eq3A_102 = arith.constant 2 : i32
      %eq3A_103 = vector.broadcast %eq3A_102 : i32 to vector<16xi32>
      %eq3A_104 = arith.cmpi eq, %iota3A, %eq3A_103 : vector<16xi32>
      %scan3A_105 = arith.constant 0 : i32
      %scan3A_106 = arith.constant 32 : i32
      %scan3A_107 = arith.addi %scan3A_105, %scan3A_106 : i32
      %scan3A_108 = arith.constant 1 : i32
      %scan3A_109 = scf.for %scan3A_1244 = %scan3A_105 to %scan3A_107 step %scan3A_108 iter_args(%scan3A_1245 = %broadcast_in_dim3A_1) -> (vector<16xf32>)  : i32 {
        %mul3A_1246 = arith.constant 512 : i32
        %mul3A_1247 = arith.muli %reduce_min3A_101, %mul3A_1246 : i32
        %mul3A_1248 = arith.constant 16 : i32
        %mul3A_1249 = arith.muli %scan3A_1244, %mul3A_1248 : i32
        %add3A_1250 = arith.addi %mul3A_1247, %mul3A_1249 : i32
        %get3A_1251 = arith.index_cast %add3A_1250 : i32 to index
        %get3A_1252 = tpu.vector_load %arg6[%get3A_1251] {strides = array<i32>} : memref<4096xf32, #tpu.memory_space<vmem>>, vector<16xf32>,
        %max3A = arith.maximumf %scan3A_1245, %get3A_1252 : vector<16xf32>
        scf.yield %max3A : vector<16xf32>
      }
      %scan3A_110 = arith.constant 32 : i32
      %reduce_max3A_111 = arith.constant true
      %reduce_max3A_112 = vector.broadcast %reduce_max3A_111 : i1 to vector<16xi1>
      %reduce_max3A_113 = tpu.scan <max>, %scan3A_109 masked %reduce_max3A_112 : vector<16xf32>, vector<16xi1> -> vector<16xf32>
      %reduce_max3A_114 = vector.extract %reduce_max3A_113[15] : f32 from vector<16xf32>
      %broadcast_in_dim3A_115 = vector.broadcast %reduce_max3A_114 : f32 to vector<16xf32>
      %select_n3A_116 = arith.select %eq3A_104, %broadcast_in_dim3A_115, %select_n3A_87 : vector<16xi1>, vector<16xf32>
      %eq3A_117 = arith.constant 3 : i32
      %eq3A_118 = vector.broadcast %eq3A_117 : i32 to vector<16xi32>
      %eq3A_119 = arith.cmpi eq, %iota3A, %eq3A_118 : vector<16xi32>
      %jit3A_120 = arith.constant 2147483647 : i32
      %broadcast_in_dim3A_121 = vector.broadcast %jit3A_120 : i32 to vector<16xi32>
      %select_n3A_122 = arith.select %eq3A_119, %masked_sort3A_31, %broadcast_in_dim3A_121 : vector<16xi1>, vector<16xi32>
      %reduce_min3A_123 = arith.constant true
      %reduce_min3A_124 = vector.broadcast %reduce_min3A_123 : i1 to vector<16xi1>
      %reduce_min3A_125 = arith.constant -2147483648 : i32
      %reduce_min3A_126 = vector.broadcast %reduce_min3A_125 : i32 to vector<16xi32>
      %reduce_min3A_127 = arith.xori %select_n3A_122, %reduce_min3A_126 : vector<16xi32>
      %reduce_min3A_128 = tpu.scan <min>, %reduce_min3A_127 masked %reduce_min3A_124 : vector<16xi32>, vector<16xi1> -> vector<16xi32>
      %reduce_min3A_129 = arith.xori %reduce_min3A_128, %reduce_min3A_126 : vector<16xi32>
      %reduce_min3A_130 = vector.extract %reduce_min3A_129[15] : i32 from vector<16xi32>
      %eq3A_131 = arith.constant 3 : i32
      %eq3A_132 = vector.broadcast %eq3A_131 : i32 to vector<16xi32>
      %eq3A_133 = arith.cmpi eq, %iota3A, %eq3A_132 : vector<16xi32>
      %scan3A_134 = arith.constant 0 : i32
      %scan3A_135 = arith.constant 32 : i32
      %scan3A_136 = arith.addi %scan3A_134, %scan3A_135 : i32
      %scan3A_137 = arith.constant 1 : i32
      %scan3A_138 = scf.for %scan3A_1244 = %scan3A_134 to %scan3A_136 step %scan3A_137 iter_args(%scan3A_1245 = %broadcast_in_dim3A_1) -> (vector<16xf32>)  : i32 {
        %mul3A_1246 = arith.constant 512 : i32
        %mul3A_1247 = arith.muli %reduce_min3A_130, %mul3A_1246 : i32
        %mul3A_1248 = arith.constant 16 : i32
        %mul3A_1249 = arith.muli %scan3A_1244, %mul3A_1248 : i32
        %add3A_1250 = arith.addi %mul3A_1247, %mul3A_1249 : i32
        %get3A_1251 = arith.index_cast %add3A_1250 : i32 to index
        %get3A_1252 = tpu.vector_load %arg6[%get3A_1251] {strides = array<i32>} : memref<4096xf32, #tpu.memory_space<vmem>>, vector<16xf32>,
        %max3A = arith.maximumf %scan3A_1245, %get3A_1252 : vector<16xf32>
        scf.yield %max3A : vector<16xf32>
      }
      %scan3A_139 = arith.constant 32 : i32
      %reduce_max3A_140 = arith.constant true
      %reduce_max3A_141 = vector.broadcast %reduce_max3A_140 : i1 to vector<16xi1>
      %reduce_max3A_142 = tpu.scan <max>, %scan3A_138 masked %reduce_max3A_141 : vector<16xf32>, vector<16xi1> -> vector<16xf32>
      %reduce_max3A_143 = vector.extract %reduce_max3A_142[15] : f32 from vector<16xf32>
      %broadcast_in_dim3A_144 = vector.broadcast %reduce_max3A_143 : f32 to vector<16xf32>
      %select_n3A_145 = arith.select %eq3A_133, %broadcast_in_dim3A_144, %select_n3A_116 : vector<16xi1>, vector<16xf32>
      %eq3A_146 = arith.constant 4 : i32
      %eq3A_147 = vector.broadcast %eq3A_146 : i32 to vector<16xi32>
      %eq3A_148 = arith.cmpi eq, %iota3A, %eq3A_147 : vector<16xi32>
      %jit3A_149 = arith.constant 2147483647 : i32
      %broadcast_in_dim3A_150 = vector.broadcast %jit3A_149 : i32 to vector<16xi32>
      %select_n3A_151 = arith.select %eq3A_148, %masked_sort3A_31, %broadcast_in_dim3A_150 : vector<16xi1>, vector<16xi32>
      %reduce_min3A_152 = arith.constant true
      %reduce_min3A_153 = vector.broadcast %reduce_min3A_152 : i1 to vector<16xi1>
      %reduce_min3A_154 = arith.constant -2147483648 : i32
      %reduce_min3A_155 = vector.broadcast %reduce_min3A_154 : i32 to vector<16xi32>
      %reduce_min3A_156 = arith.xori %select_n3A_151, %reduce_min3A_155 : vector<16xi32>
      %reduce_min3A_157 = tpu.scan <min>, %reduce_min3A_156 masked %reduce_min3A_153 : vector<16xi32>, vector<16xi1> -> vector<16xi32>
      %reduce_min3A_158 = arith.xori %reduce_min3A_157, %reduce_min3A_155 : vector<16xi32>
      %reduce_min3A_159 = vector.extract %reduce_min3A_158[15] : i32 from vector<16xi32>
      %eq3A_160 = arith.constant 4 : i32
      %eq3A_161 = vector.broadcast %eq3A_160 : i32 to vector<16xi32>
      %eq3A_162 = arith.cmpi eq, %iota3A, %eq3A_161 : vector<16xi32>
      %scan3A_163 = arith.constant 0 : i32
      %scan3A_164 = arith.constant 32 : i32
      %scan3A_165 = arith.addi %scan3A_163, %scan3A_164 : i32
      %scan3A_166 = arith.constant 1 : i32
      %scan3A_167 = scf.for %scan3A_1244 = %scan3A_163 to %scan3A_165 step %scan3A_166 iter_args(%scan3A_1245 = %broadcast_in_dim3A_1) -> (vector<16xf32>)  : i32 {
        %mul3A_1246 = arith.constant 512 : i32
        %mul3A_1247 = arith.muli %reduce_min3A_159, %mul3A_1246 : i32
        %mul3A_1248 = arith.constant 16 : i32
        %mul3A_1249 = arith.muli %scan3A_1244, %mul3A_1248 : i32
        %add3A_1250 = arith.addi %mul3A_1247, %mul3A_1249 : i32
        %get3A_1251 = arith.index_cast %add3A_1250 : i32 to index
        %get3A_1252 = tpu.vector_load %arg6[%get3A_1251] {strides = array<i32>} : memref<4096xf32, #tpu.memory_space<vmem>>, vector<16xf32>,
        %max3A = arith.maximumf %scan3A_1245, %get3A_1252 : vector<16xf32>
        scf.yield %max3A : vector<16xf32>
      }
      %scan3A_168 = arith.constant 32 : i32
      %reduce_max3A_169 = arith.constant true
      %reduce_max3A_170 = vector.broadcast %reduce_max3A_169 : i1 to vector<16xi1>
      %reduce_max3A_171 = tpu.scan <max>, %scan3A_167 masked %reduce_max3A_170 : vector<16xf32>, vector<16xi1> -> vector<16xf32>
      %reduce_max3A_172 = vector.extract %reduce_max3A_171[15] : f32 from vector<16xf32>
      %broadcast_in_dim3A_173 = vector.broadcast %reduce_max3A_172 : f32 to vector<16xf32>
      %select_n3A_174 = arith.select %eq3A_162, %broadcast_in_dim3A_173, %select_n3A_145 : vector<16xi1>, vector<16xf32>
      %eq3A_175 = arith.constant 5 : i32
      %eq3A_176 = vector.broadcast %eq3A_175 : i32 to vector<16xi32>
      %eq3A_177 = arith.cmpi eq, %iota3A, %eq3A_176 : vector<16xi32>
      %jit3A_178 = arith.constant 2147483647 : i32
      %broadcast_in_dim3A_179 = vector.broadcast %jit3A_178 : i32 to vector<16xi32>
      %select_n3A_180 = arith.select %eq3A_177, %masked_sort3A_31, %broadcast_in_dim3A_179 : vector<16xi1>, vector<16xi32>
      %reduce_min3A_181 = arith.constant true
      %reduce_min3A_182 = vector.broadcast %reduce_min3A_181 : i1 to vector<16xi1>
      %reduce_min3A_183 = arith.constant -2147483648 : i32
      %reduce_min3A_184 = vector.broadcast %reduce_min3A_183 : i32 to vector<16xi32>
      %reduce_min3A_185 = arith.xori %select_n3A_180, %reduce_min3A_184 : vector<16xi32>
      %reduce_min3A_186 = tpu.scan <min>, %reduce_min3A_185 masked %reduce_min3A_182 : vector<16xi32>, vector<16xi1> -> vector<16xi32>
      %reduce_min3A_187 = arith.xori %reduce_min3A_186, %reduce_min3A_184 : vector<16xi32>
      %reduce_min3A_188 = vector.extract %reduce_min3A_187[15] : i32 from vector<16xi32>
      %eq3A_189 = arith.constant 5 : i32
      %eq3A_190 = vector.broadcast %eq3A_189 : i32 to vector<16xi32>
      %eq3A_191 = arith.cmpi eq, %iota3A, %eq3A_190 : vector<16xi32>
      %scan3A_192 = arith.constant 0 : i32
      %scan3A_193 = arith.constant 32 : i32
      %scan3A_194 = arith.addi %scan3A_192, %scan3A_193 : i32
      %scan3A_195 = arith.constant 1 : i32
      %scan3A_196 = scf.for %scan3A_1244 = %scan3A_192 to %scan3A_194 step %scan3A_195 iter_args(%scan3A_1245 = %broadcast_in_dim3A_1) -> (vector<16xf32>)  : i32 {
        %mul3A_1246 = arith.constant 512 : i32
        %mul3A_1247 = arith.muli %reduce_min3A_188, %mul3A_1246 : i32
        %mul3A_1248 = arith.constant 16 : i32
        %mul3A_1249 = arith.muli %scan3A_1244, %mul3A_1248 : i32
        %add3A_1250 = arith.addi %mul3A_1247, %mul3A_1249 : i32
        %get3A_1251 = arith.index_cast %add3A_1250 : i32 to index
        %get3A_1252 = tpu.vector_load %arg6[%get3A_1251] {strides = array<i32>} : memref<4096xf32, #tpu.memory_space<vmem>>, vector<16xf32>,
        %max3A = arith.maximumf %scan3A_1245, %get3A_1252 : vector<16xf32>
        scf.yield %max3A : vector<16xf32>
      }
      %scan3A_197 = arith.constant 32 : i32
      %reduce_max3A_198 = arith.constant true
      %reduce_max3A_199 = vector.broadcast %reduce_max3A_198 : i1 to vector<16xi1>
      %reduce_max3A_200 = tpu.scan <max>, %scan3A_196 masked %reduce_max3A_199 : vector<16xf32>, vector<16xi1> -> vector<16xf32>
      %reduce_max3A_201 = vector.extract %reduce_max3A_200[15] : f32 from vector<16xf32>
      %broadcast_in_dim3A_202 = vector.broadcast %reduce_max3A_201 : f32 to vector<16xf32>
      %select_n3A_203 = arith.select %eq3A_191, %broadcast_in_dim3A_202, %select_n3A_174 : vector<16xi1>, vector<16xf32>
      %eq3A_204 = arith.constant 6 : i32
      %eq3A_205 = vector.broadcast %eq3A_204 : i32 to vector<16xi32>
      %eq3A_206 = arith.cmpi eq, %iota3A, %eq3A_205 : vector<16xi32>
      %jit3A_207 = arith.constant 2147483647 : i32
      %broadcast_in_dim3A_208 = vector.broadcast %jit3A_207 : i32 to vector<16xi32>
      %select_n3A_209 = arith.select %eq3A_206, %masked_sort3A_31, %broadcast_in_dim3A_208 : vector<16xi1>, vector<16xi32>
      %reduce_min3A_210 = arith.constant true
      %reduce_min3A_211 = vector.broadcast %reduce_min3A_210 : i1 to vector<16xi1>
      %reduce_min3A_212 = arith.constant -2147483648 : i32
      %reduce_min3A_213 = vector.broadcast %reduce_min3A_212 : i32 to vector<16xi32>
      %reduce_min3A_214 = arith.xori %select_n3A_209, %reduce_min3A_213 : vector<16xi32>
      %reduce_min3A_215 = tpu.scan <min>, %reduce_min3A_214 masked %reduce_min3A_211 : vector<16xi32>, vector<16xi1> -> vector<16xi32>
      %reduce_min3A_216 = arith.xori %reduce_min3A_215, %reduce_min3A_213 : vector<16xi32>
      %reduce_min3A_217 = vector.extract %reduce_min3A_216[15] : i32 from vector<16xi32>
      %eq3A_218 = arith.constant 6 : i32
      %eq3A_219 = vector.broadcast %eq3A_218 : i32 to vector<16xi32>
      %eq3A_220 = arith.cmpi eq, %iota3A, %eq3A_219 : vector<16xi32>
      %scan3A_221 = arith.constant 0 : i32
      %scan3A_222 = arith.constant 32 : i32
      %scan3A_223 = arith.addi %scan3A_221, %scan3A_222 : i32
      %scan3A_224 = arith.constant 1 : i32
      %scan3A_225 = scf.for %scan3A_1244 = %scan3A_221 to %scan3A_223 step %scan3A_224 iter_args(%scan3A_1245 = %broadcast_in_dim3A_1) -> (vector<16xf32>)  : i32 {
        %mul3A_1246 = arith.constant 512 : i32
        %mul3A_1247 = arith.muli %reduce_min3A_217, %mul3A_1246 : i32
        %mul3A_1248 = arith.constant 16 : i32
        %mul3A_1249 = arith.muli %scan3A_1244, %mul3A_1248 : i32
        %add3A_1250 = arith.addi %mul3A_1247, %mul3A_1249 : i32
        %get3A_1251 = arith.index_cast %add3A_1250 : i32 to index
        %get3A_1252 = tpu.vector_load %arg6[%get3A_1251] {strides = array<i32>} : memref<4096xf32, #tpu.memory_space<vmem>>, vector<16xf32>,
        %max3A = arith.maximumf %scan3A_1245, %get3A_1252 : vector<16xf32>
        scf.yield %max3A : vector<16xf32>
      }
      %scan3A_226 = arith.constant 32 : i32
      %reduce_max3A_227 = arith.constant true
      %reduce_max3A_228 = vector.broadcast %reduce_max3A_227 : i1 to vector<16xi1>
      %reduce_max3A_229 = tpu.scan <max>, %scan3A_225 masked %reduce_max3A_228 : vector<16xf32>, vector<16xi1> -> vector<16xf32>
      %reduce_max3A_230 = vector.extract %reduce_max3A_229[15] : f32 from vector<16xf32>
      %broadcast_in_dim3A_231 = vector.broadcast %reduce_max3A_230 : f32 to vector<16xf32>
      %select_n3A_232 = arith.select %eq3A_220, %broadcast_in_dim3A_231, %select_n3A_203 : vector<16xi1>, vector<16xf32>
      %eq3A_233 = arith.constant 7 : i32
      %eq3A_234 = vector.broadcast %eq3A_233 : i32 to vector<16xi32>
      %eq3A_235 = arith.cmpi eq, %iota3A, %eq3A_234 : vector<16xi32>
      %jit3A_236 = arith.constant 2147483647 : i32
      %broadcast_in_dim3A_237 = vector.broadcast %jit3A_236 : i32 to vector<16xi32>
      %select_n3A_238 = arith.select %eq3A_235, %masked_sort3A_31, %broadcast_in_dim3A_237 : vector<16xi1>, vector<16xi32>
      %reduce_min3A_239 = arith.constant true
      %reduce_min3A_240 = vector.broadcast %reduce_min3A_239 : i1 to vector<16xi1>
      %reduce_min3A_241 = arith.constant -2147483648 : i32
      %reduce_min3A_242 = vector.broadcast %reduce_min3A_241 : i32 to vector<16xi32>
      %reduce_min3A_243 = arith.xori %select_n3A_238, %reduce_min3A_242 : vector<16xi32>
      %reduce_min3A_244 = tpu.scan <min>, %reduce_min3A_243 masked %reduce_min3A_240 : vector<16xi32>, vector<16xi1> -> vector<16xi32>
      %reduce_min3A_245 = arith.xori %reduce_min3A_244, %reduce_min3A_242 : vector<16xi32>
      %reduce_min3A_246 = vector.extract %reduce_min3A_245[15] : i32 from vector<16xi32>
      %eq3A_247 = arith.constant 7 : i32
      %eq3A_248 = vector.broadcast %eq3A_247 : i32 to vector<16xi32>
      %eq3A_249 = arith.cmpi eq, %iota3A, %eq3A_248 : vector<16xi32>
      %scan3A_250 = arith.constant 0 : i32
      %scan3A_251 = arith.constant 32 : i32
      %scan3A_252 = arith.addi %scan3A_250, %scan3A_251 : i32
      %scan3A_253 = arith.constant 1 : i32
      %scan3A_254 = scf.for %scan3A_1244 = %scan3A_250 to %scan3A_252 step %scan3A_253 iter_args(%scan3A_1245 = %broadcast_in_dim3A_1) -> (vector<16xf32>)  : i32 {
        %mul3A_1246 = arith.constant 512 : i32
        %mul3A_1247 = arith.muli %reduce_min3A_246, %mul3A_1246 : i32
        %mul3A_1248 = arith.constant 16 : i32
        %mul3A_1249 = arith.muli %scan3A_1244, %mul3A_1248 : i32
        %add3A_1250 = arith.addi %mul3A_1247, %mul3A_1249 : i32
        %get3A_1251 = arith.index_cast %add3A_1250 : i32 to index
        %get3A_1252 = tpu.vector_load %arg6[%get3A_1251] {strides = array<i32>} : memref<4096xf32, #tpu.memory_space<vmem>>, vector<16xf32>,
        %max3A = arith.maximumf %scan3A_1245, %get3A_1252 : vector<16xf32>
        scf.yield %max3A : vector<16xf32>
      }
      %scan3A_255 = arith.constant 32 : i32
      %reduce_max3A_256 = arith.constant true
      %reduce_max3A_257 = vector.broadcast %reduce_max3A_256 : i1 to vector<16xi1>
      %reduce_max3A_258 = tpu.scan <max>, %scan3A_254 masked %reduce_max3A_257 : vector<16xf32>, vector<16xi1> -> vector<16xf32>
      %reduce_max3A_259 = vector.extract %reduce_max3A_258[15] : f32 from vector<16xf32>
      %broadcast_in_dim3A_260 = vector.broadcast %reduce_max3A_259 : f32 to vector<16xf32>
      %select_n3A_261 = arith.select %eq3A_249, %broadcast_in_dim3A_260, %select_n3A_232 : vector<16xi1>, vector<16xf32>
      %reduce_max3A_262 = arith.constant true
      %reduce_max3A_263 = vector.broadcast %reduce_max3A_262 : i1 to vector<16xi1>
      %reduce_max3A_264 = tpu.scan <max>, %select_n3A_261 masked %reduce_max3A_263 : vector<16xf32>, vector<16xi1> -> vector<16xf32>
      %reduce_max3A_265 = vector.extract %reduce_max3A_264[15] : f32 from vector<16xf32>
      %eq3A_266 = vector.broadcast %reduce_max3A_265 : f32 to vector<16xf32>
      %eq3A_267 = arith.cmpf oeq, %select_n3A_261, %eq3A_266 : vector<16xf32>
      %jit3A_268 = arith.constant 2147483647 : i32
      %broadcast_in_dim3A_269 = vector.broadcast %jit3A_268 : i32 to vector<16xi32>
      %select_n3A_270 = arith.select %eq3A_267, %iota3A, %broadcast_in_dim3A_269 : vector<16xi1>, vector<16xi32>
      %reduce_min3A_271 = arith.constant true
      %reduce_min3A_272 = vector.broadcast %reduce_min3A_271 : i1 to vector<16xi1>
      %reduce_min3A_273 = arith.constant -2147483648 : i32
      %reduce_min3A_274 = vector.broadcast %reduce_min3A_273 : i32 to vector<16xi32>
      %reduce_min3A_275 = arith.xori %select_n3A_270, %reduce_min3A_274 : vector<16xi32>
      %reduce_min3A_276 = tpu.scan <min>, %reduce_min3A_275 masked %reduce_min3A_272 : vector<16xi32>, vector<16xi1> -> vector<16xi32>
      %reduce_min3A_277 = arith.xori %reduce_min3A_276, %reduce_min3A_274 : vector<16xi32>
      %reduce_min3A_278 = vector.extract %reduce_min3A_277[15] : i32 from vector<16xi32>
      %eq3A_279 = vector.broadcast %reduce_min3A_278 : i32 to vector<16xi32>
      %eq3A_280 = arith.cmpi eq, %iota3A, %eq3A_279 : vector<16xi32>
      %jit3A_281 = arith.constant 2147483647 : i32
      %broadcast_in_dim3A_282 = vector.broadcast %jit3A_281 : i32 to vector<16xi32>
      %select_n3A_283 = arith.select %eq3A_280, %masked_sort3A_32, %broadcast_in_dim3A_282 : vector<16xi1>, vector<16xi32>
      %reduce_min3A_284 = arith.constant true
      %reduce_min3A_285 = vector.broadcast %reduce_min3A_284 : i1 to vector<16xi1>
      %reduce_min3A_286 = arith.constant -2147483648 : i32
      %reduce_min3A_287 = vector.broadcast %reduce_min3A_286 : i32 to vector<16xi32>
      %reduce_min3A_288 = arith.xori %select_n3A_283, %reduce_min3A_287 : vector<16xi32>
      %reduce_min3A_289 = tpu.scan <min>, %reduce_min3A_288 masked %reduce_min3A_285 : vector<16xi32>, vector<16xi1> -> vector<16xi32>
      %reduce_min3A_290 = arith.xori %reduce_min3A_289, %reduce_min3A_287 : vector<16xi32>
      %reduce_min3A_291 = vector.extract %reduce_min3A_290[15] : i32 from vector<16xi32>
      %eq3A_292 = vector.broadcast %reduce_min3A_278 : i32 to vector<16xi32>
      %eq3A_293 = arith.cmpi eq, %iota3A, %eq3A_292 : vector<16xi32>
      %jit3A_294 = arith.constant 2147483647 : i32
      %broadcast_in_dim3A_295 = vector.broadcast %jit3A_294 : i32 to vector<16xi32>
      %select_n3A_296 = arith.select %eq3A_293, %masked_sort3A_31, %broadcast_in_dim3A_295 : vector<16xi1>, vector<16xi32>
      %reduce_min3A_297 = arith.constant true
      %reduce_min3A_298 = vector.broadcast %reduce_min3A_297 : i1 to vector<16xi1>
      %reduce_min3A_299 = arith.constant -2147483648 : i32
      %reduce_min3A_300 = vector.broadcast %reduce_min3A_299 : i32 to vector<16xi32>
      %reduce_min3A_301 = arith.xori %select_n3A_296, %reduce_min3A_300 : vector<16xi32>
      %reduce_min3A_302 = tpu.scan <min>, %reduce_min3A_301 masked %reduce_min3A_298 : vector<16xi32>, vector<16xi1> -> vector<16xi32>
      %reduce_min3A_303 = arith.xori %reduce_min3A_302, %reduce_min3A_300 : vector<16xi32>
      %reduce_min3A_304 = vector.extract %reduce_min3A_303[15] : i32 from vector<16xi32>
      %jit3A_305 = arith.constant 196 : i32
      %div3A = arith.divsi %reduce_min3A_291, %jit3A_305 : i32
      %sign3A = arith.constant 0 : i32
      %sign3A_306 = arith.cmpi sgt, %reduce_min3A_291, %sign3A : i32
      %sign3A_307 = arith.extui %sign3A_306 : i1 to i32
      %sign3A_308 = arith.constant 0 : i32
      %sign3A_309 = arith.cmpi slt, %reduce_min3A_291, %sign3A_308 : i32
      %sign3A_310 = arith.extui %sign3A_309 : i1 to i32
      %sign3A_311 = arith.subi %sign3A_307, %sign3A_310 : i32
      %sign3A_312 = arith.constant 0 : i32
      %sign3A_313 = arith.cmpi sgt, %jit3A_305, %sign3A_312 : i32
      %sign3A_314 = arith.extui %sign3A_313 : i1 to i32
      %sign3A_315 = arith.constant 0 : i32
      %sign3A_316 = arith.cmpi slt, %jit3A_305, %sign3A_315 : i32
      %sign3A_317 = arith.extui %sign3A_316 : i1 to i32
      %sign3A_318 = arith.subi %sign3A_314, %sign3A_317 : i32
      %ne3A = arith.cmpi ne, %sign3A_311, %sign3A_318 : i32
      %rem3A = arith.remsi %reduce_min3A_291, %jit3A_305 : i32
      %ne3A_319 = arith.constant 0 : i32
      %ne3A_320 = arith.cmpi ne, %rem3A, %ne3A_319 : i32
      %and3A = arith.andi %ne3A, %ne3A_320 : i1
      %sub3A = arith.constant 1 : i32
      %sub3A_321 = arith.subi %div3A, %sub3A : i32
      %select_n3A_322 = arith.select %and3A, %sub3A_321, %div3A : i32
      %mul3A_323 = arith.constant 196 : i32
      %mul3A_324 = arith.muli %select_n3A_322, %mul3A_323 : i32
      %sub3A_325 = arith.subi %reduce_min3A_291, %mul3A_324 : i32
      %mul3A_326 = arith.constant 100000 : i32
      %mul3A_327 = arith.muli %select_n3A_322, %mul3A_326 : i32
      %mul3A_328 = arith.constant 512 : i32
      %mul3A_329 = arith.muli %sub3A_325, %mul3A_328 : i32
      %add3A_330 = arith.addi %mul3A_327, %mul3A_329 : i32
      %broadcast_in_dim3A_331 = arith.constant 2147483647 : i32
      %broadcast_in_dim3A_332 = vector.broadcast %broadcast_in_dim3A_331 : i32 to vector<16xi32>
      %scan3A_333 = arith.constant 0 : i32
      %scan3A_334 = arith.constant 32 : i32
      %scan3A_335 = arith.addi %scan3A_333, %scan3A_334 : i32
      %scan3A_336 = arith.constant 1 : i32
      %scan3A_337 = scf.for %scan3A_1244 = %scan3A_333 to %scan3A_335 step %scan3A_336 iter_args(%scan3A_1245 = %broadcast_in_dim3A_332) -> (vector<16xi32>)  : i32 {
        %mul3A_1246 = arith.constant 512 : i32
        %mul3A_1247 = arith.muli %reduce_min3A_304, %mul3A_1246 : i32
        %mul3A_1248 = arith.constant 16 : i32
        %mul3A_1249 = arith.muli %scan3A_1244, %mul3A_1248 : i32
        %add3A_1250 = arith.addi %mul3A_1247, %mul3A_1249 : i32
        %get3A_1251 = arith.index_cast %add3A_1250 : i32 to index
        %get3A_1252 = tpu.vector_load %arg6[%get3A_1251] {strides = array<i32>} : memref<4096xf32, #tpu.memory_space<vmem>>, vector<16xf32>,
        %mul3A_1253 = arith.constant 16 : i32
        %mul3A_1254 = arith.muli %scan3A_1244, %mul3A_1253 : i32
        %add3A_1255 = arith.addi %add3A_330, %mul3A_1254 : i32
        %add3A_1256 = vector.broadcast %add3A_1255 : i32 to vector<16xi32>
        %add3A_1257 = arith.addi %add3A_1256, %iota3A : vector<16xi32>
        %eq3A_1258 = vector.broadcast %reduce_max3A_265 : f32 to vector<16xf32>
        %eq3A_1259 = arith.cmpf oeq, %get3A_1252, %eq3A_1258 : vector<16xf32>
        %jit3A_1260 = arith.constant 2147483647 : i32
        %broadcast_in_dim3A_1261 = vector.broadcast %jit3A_1260 : i32 to vector<16xi32>
        %select_n3A_1262 = arith.select %eq3A_1259, %add3A_1257, %broadcast_in_dim3A_1261 : vector<16xi1>, vector<16xi32>
        %min3A = arith.minsi %scan3A_1245, %select_n3A_1262 : vector<16xi32>
        scf.yield %min3A : vector<16xi32>
      }
      %scan3A_338 = arith.constant 32 : i32
      %reduce_min3A_339 = arith.constant true
      %reduce_min3A_340 = vector.broadcast %reduce_min3A_339 : i1 to vector<16xi1>
      %reduce_min3A_341 = arith.constant -2147483648 : i32
      %reduce_min3A_342 = vector.broadcast %reduce_min3A_341 : i32 to vector<16xi32>
      %reduce_min3A_343 = arith.xori %scan3A_337, %reduce_min3A_342 : vector<16xi32>
      %reduce_min3A_344 = tpu.scan <min>, %reduce_min3A_343 masked %reduce_min3A_340 : vector<16xi32>, vector<16xi1> -> vector<16xi32>
      %reduce_min3A_345 = arith.xori %reduce_min3A_344, %reduce_min3A_342 : vector<16xi32>
      %reduce_min3A_346 = vector.extract %reduce_min3A_345[15] : i32 from vector<16xi32>
      %mul3A_347 = arith.constant 512 : i32
      %mul3A_348 = arith.muli %reduce_min3A_304, %mul3A_347 : i32
      %sub3A_349 = arith.subi %reduce_min3A_346, %add3A_330 : i32
      %add3A_350 = arith.addi %mul3A_348, %sub3A_349 : i32
      %broadcast_in_dim3A_351 = vector.broadcast %add3A_350 : i32 to vector<16xi32>
      %eq3A_352 = arith.constant 0 : i32
      %eq3A_353 = vector.broadcast %eq3A_352 : i32 to vector<16xi32>
      %eq3A_354 = arith.cmpi eq, %iota3A, %eq3A_353 : vector<16xi32>
      tpu.vector_store_idx %arg6[%broadcast_in_dim3A_351], %broadcast_in_dim3A_1 masked %eq3A_354 : memref<4096xf32, #tpu.memory_space<vmem>>[vector<16xi32>], vector<16xf32>, vector<16xi1>
      %eq3A_355 = vector.broadcast %reduce_min3A_278 : i32 to vector<16xi32>
      %eq3A_356 = arith.cmpi eq, %iota3A, %eq3A_355 : vector<16xi32>
      %scan3A_357 = arith.constant 0 : i32
      %scan3A_358 = arith.constant 32 : i32
      %scan3A_359 = arith.addi %scan3A_357, %scan3A_358 : i32
      %scan3A_360 = arith.constant 1 : i32
      %scan3A_361 = scf.for %scan3A_1244 = %scan3A_357 to %scan3A_359 step %scan3A_360 iter_args(%scan3A_1245 = %broadcast_in_dim3A_1) -> (vector<16xf32>)  : i32 {
        %mul3A_1246 = arith.constant 512 : i32
        %mul3A_1247 = arith.muli %reduce_min3A_304, %mul3A_1246 : i32
        %mul3A_1248 = arith.constant 16 : i32
        %mul3A_1249 = arith.muli %scan3A_1244, %mul3A_1248 : i32
        %add3A_1250 = arith.addi %mul3A_1247, %mul3A_1249 : i32
        %get3A_1251 = arith.index_cast %add3A_1250 : i32 to index
        %get3A_1252 = tpu.vector_load %arg6[%get3A_1251] {strides = array<i32>} : memref<4096xf32, #tpu.memory_space<vmem>>, vector<16xf32>,
        %max3A = arith.maximumf %scan3A_1245, %get3A_1252 : vector<16xf32>
        scf.yield %max3A : vector<16xf32>
      }
      %scan3A_362 = arith.constant 32 : i32
      %reduce_max3A_363 = arith.constant true
      %reduce_max3A_364 = vector.broadcast %reduce_max3A_363 : i1 to vector<16xi1>
      %reduce_max3A_365 = tpu.scan <max>, %scan3A_361 masked %reduce_max3A_364 : vector<16xf32>, vector<16xi1> -> vector<16xf32>
      %reduce_max3A_366 = vector.extract %reduce_max3A_365[15] : f32 from vector<16xf32>
      %broadcast_in_dim3A_367 = vector.broadcast %reduce_max3A_366 : f32 to vector<16xf32>
      %select_n3A_368 = arith.select %eq3A_356, %broadcast_in_dim3A_367, %select_n3A_261 : vector<16xi1>, vector<16xf32>
      %eq3A_369 = arith.constant 0 : i32
      %eq3A_370 = vector.broadcast %eq3A_369 : i32 to vector<16xi32>
      %eq3A_371 = arith.cmpi eq, %iota3A, %eq3A_370 : vector<16xi32>
      %broadcast_in_dim3A_372 = vector.broadcast %reduce_max3A_265 : f32 to vector<16xf32>
      %select_n3A_373 = arith.select %eq3A_371, %broadcast_in_dim3A_372, %broadcast_in_dim3A_34 : vector<16xi1>, vector<16xf32>
      %eq3A_374 = arith.constant 0 : i32
      %eq3A_375 = vector.broadcast %eq3A_374 : i32 to vector<16xi32>
      %eq3A_376 = arith.cmpi eq, %iota3A, %eq3A_375 : vector<16xi32>
      %broadcast_in_dim3A_377 = vector.broadcast %reduce_min3A_346 : i32 to vector<16xi32>
      %select_n3A_378 = arith.select %eq3A_376, %broadcast_in_dim3A_377, %broadcast_in_dim3A_3 : vector<16xi1>, vector<16xi32>
      %reduce_max3A_379 = arith.constant true
      %reduce_max3A_380 = vector.broadcast %reduce_max3A_379 : i1 to vector<16xi1>
      %reduce_max3A_381 = tpu.scan <max>, %select_n3A_368 masked %reduce_max3A_380 : vector<16xf32>, vector<16xi1> -> vector<16xf32>
      %reduce_max3A_382 = vector.extract %reduce_max3A_381[15] : f32 from vector<16xf32>
      %eq3A_383 = vector.broadcast %reduce_max3A_382 : f32 to vector<16xf32>
      %eq3A_384 = arith.cmpf oeq, %select_n3A_368, %eq3A_383 : vector<16xf32>
      %jit3A_385 = arith.constant 2147483647 : i32
      %broadcast_in_dim3A_386 = vector.broadcast %jit3A_385 : i32 to vector<16xi32>
      %select_n3A_387 = arith.select %eq3A_384, %iota3A, %broadcast_in_dim3A_386 : vector<16xi1>, vector<16xi32>
      %reduce_min3A_388 = arith.constant true
      %reduce_min3A_389 = vector.broadcast %reduce_min3A_388 : i1 to vector<16xi1>
      %reduce_min3A_390 = arith.constant -2147483648 : i32
      %reduce_min3A_391 = vector.broadcast %reduce_min3A_390 : i32 to vector<16xi32>
      %reduce_min3A_392 = arith.xori %select_n3A_387, %reduce_min3A_391 : vector<16xi32>
      %reduce_min3A_393 = tpu.scan <min>, %reduce_min3A_392 masked %reduce_min3A_389 : vector<16xi32>, vector<16xi1> -> vector<16xi32>
      %reduce_min3A_394 = arith.xori %reduce_min3A_393, %reduce_min3A_391 : vector<16xi32>
      %reduce_min3A_395 = vector.extract %reduce_min3A_394[15] : i32 from vector<16xi32>
      %eq3A_396 = vector.broadcast %reduce_min3A_395 : i32 to vector<16xi32>
      %eq3A_397 = arith.cmpi eq, %iota3A, %eq3A_396 : vector<16xi32>
      %jit3A_398 = arith.constant 2147483647 : i32
      %broadcast_in_dim3A_399 = vector.broadcast %jit3A_398 : i32 to vector<16xi32>
      %select_n3A_400 = arith.select %eq3A_397, %masked_sort3A_32, %broadcast_in_dim3A_399 : vector<16xi1>, vector<16xi32>
      %reduce_min3A_401 = arith.constant true
      %reduce_min3A_402 = vector.broadcast %reduce_min3A_401 : i1 to vector<16xi1>
      %reduce_min3A_403 = arith.constant -2147483648 : i32
      %reduce_min3A_404 = vector.broadcast %reduce_min3A_403 : i32 to vector<16xi32>
      %reduce_min3A_405 = arith.xori %select_n3A_400, %reduce_min3A_404 : vector<16xi32>
      %reduce_min3A_406 = tpu.scan <min>, %reduce_min3A_405 masked %reduce_min3A_402 : vector<16xi32>, vector<16xi1> -> vector<16xi32>
      %reduce_min3A_407 = arith.xori %reduce_min3A_406, %reduce_min3A_404 : vector<16xi32>
      %reduce_min3A_408 = vector.extract %reduce_min3A_407[15] : i32 from vector<16xi32>
      %eq3A_409 = vector.broadcast %reduce_min3A_395 : i32 to vector<16xi32>
      %eq3A_410 = arith.cmpi eq, %iota3A, %eq3A_409 : vector<16xi32>
      %jit3A_411 = arith.constant 2147483647 : i32
      %broadcast_in_dim3A_412 = vector.broadcast %jit3A_411 : i32 to vector<16xi32>
      %select_n3A_413 = arith.select %eq3A_410, %masked_sort3A_31, %broadcast_in_dim3A_412 : vector<16xi1>, vector<16xi32>
      %reduce_min3A_414 = arith.constant true
      %reduce_min3A_415 = vector.broadcast %reduce_min3A_414 : i1 to vector<16xi1>
      %reduce_min3A_416 = arith.constant -2147483648 : i32
      %reduce_min3A_417 = vector.broadcast %reduce_min3A_416 : i32 to vector<16xi32>
      %reduce_min3A_418 = arith.xori %select_n3A_413, %reduce_min3A_417 : vector<16xi32>
      %reduce_min3A_419 = tpu.scan <min>, %reduce_min3A_418 masked %reduce_min3A_415 : vector<16xi32>, vector<16xi1> -> vector<16xi32>
      %reduce_min3A_420 = arith.xori %reduce_min3A_419, %reduce_min3A_417 : vector<16xi32>
      %reduce_min3A_421 = vector.extract %reduce_min3A_420[15] : i32 from vector<16xi32>
      %jit3A_422 = arith.constant 196 : i32
      %div3A_423 = arith.divsi %reduce_min3A_408, %jit3A_422 : i32
      %sign3A_424 = arith.constant 0 : i32
      %sign3A_425 = arith.cmpi sgt, %reduce_min3A_408, %sign3A_424 : i32
      %sign3A_426 = arith.extui %sign3A_425 : i1 to i32
      %sign3A_427 = arith.constant 0 : i32
      %sign3A_428 = arith.cmpi slt, %reduce_min3A_408, %sign3A_427 : i32
      %sign3A_429 = arith.extui %sign3A_428 : i1 to i32
      %sign3A_430 = arith.subi %sign3A_426, %sign3A_429 : i32
      %sign3A_431 = arith.constant 0 : i32
      %sign3A_432 = arith.cmpi sgt, %jit3A_422, %sign3A_431 : i32
      %sign3A_433 = arith.extui %sign3A_432 : i1 to i32
      %sign3A_434 = arith.constant 0 : i32
      %sign3A_435 = arith.cmpi slt, %jit3A_422, %sign3A_434 : i32
      %sign3A_436 = arith.extui %sign3A_435 : i1 to i32
      %sign3A_437 = arith.subi %sign3A_433, %sign3A_436 : i32
      %ne3A_438 = arith.cmpi ne, %sign3A_430, %sign3A_437 : i32
      %rem3A_439 = arith.remsi %reduce_min3A_408, %jit3A_422 : i32
      %ne3A_440 = arith.constant 0 : i32
      %ne3A_441 = arith.cmpi ne, %rem3A_439, %ne3A_440 : i32
      %and3A_442 = arith.andi %ne3A_438, %ne3A_441 : i1
      %sub3A_443 = arith.constant 1 : i32
      %sub3A_444 = arith.subi %div3A_423, %sub3A_443 : i32
      %select_n3A_445 = arith.select %and3A_442, %sub3A_444, %div3A_423 : i32
      %mul3A_446 = arith.constant 196 : i32
      %mul3A_447 = arith.muli %select_n3A_445, %mul3A_446 : i32
      %sub3A_448 = arith.subi %reduce_min3A_408, %mul3A_447 : i32
      %mul3A_449 = arith.constant 100000 : i32
      %mul3A_450 = arith.muli %select_n3A_445, %mul3A_449 : i32
      %mul3A_451 = arith.constant 512 : i32
      %mul3A_452 = arith.muli %sub3A_448, %mul3A_451 : i32
      %add3A_453 = arith.addi %mul3A_450, %mul3A_452 : i32
      %broadcast_in_dim3A_454 = arith.constant 2147483647 : i32
      %broadcast_in_dim3A_455 = vector.broadcast %broadcast_in_dim3A_454 : i32 to vector<16xi32>
      %scan3A_456 = arith.constant 0 : i32
      %scan3A_457 = arith.constant 32 : i32
      %scan3A_458 = arith.addi %scan3A_456, %scan3A_457 : i32
      %scan3A_459 = arith.constant 1 : i32
      %scan3A_460 = scf.for %scan3A_1244 = %scan3A_456 to %scan3A_458 step %scan3A_459 iter_args(%scan3A_1245 = %broadcast_in_dim3A_455) -> (vector<16xi32>)  : i32 {
        %mul3A_1246 = arith.constant 512 : i32
        %mul3A_1247 = arith.muli %reduce_min3A_421, %mul3A_1246 : i32
        %mul3A_1248 = arith.constant 16 : i32
        %mul3A_1249 = arith.muli %scan3A_1244, %mul3A_1248 : i32
        %add3A_1250 = arith.addi %mul3A_1247, %mul3A_1249 : i32
        %get3A_1251 = arith.index_cast %add3A_1250 : i32 to index
        %get3A_1252 = tpu.vector_load %arg6[%get3A_1251] {strides = array<i32>} : memref<4096xf32, #tpu.memory_space<vmem>>, vector<16xf32>,
        %mul3A_1253 = arith.constant 16 : i32
        %mul3A_1254 = arith.muli %scan3A_1244, %mul3A_1253 : i32
        %add3A_1255 = arith.addi %add3A_453, %mul3A_1254 : i32
        %add3A_1256 = vector.broadcast %add3A_1255 : i32 to vector<16xi32>
        %add3A_1257 = arith.addi %add3A_1256, %iota3A : vector<16xi32>
        %eq3A_1258 = vector.broadcast %reduce_max3A_382 : f32 to vector<16xf32>
        %eq3A_1259 = arith.cmpf oeq, %get3A_1252, %eq3A_1258 : vector<16xf32>
        %jit3A_1260 = arith.constant 2147483647 : i32
        %broadcast_in_dim3A_1261 = vector.broadcast %jit3A_1260 : i32 to vector<16xi32>
        %select_n3A_1262 = arith.select %eq3A_1259, %add3A_1257, %broadcast_in_dim3A_1261 : vector<16xi1>, vector<16xi32>
        %min3A = arith.minsi %scan3A_1245, %select_n3A_1262 : vector<16xi32>
        scf.yield %min3A : vector<16xi32>
      }
      %scan3A_461 = arith.constant 32 : i32
      %reduce_min3A_462 = arith.constant true
      %reduce_min3A_463 = vector.broadcast %reduce_min3A_462 : i1 to vector<16xi1>
      %reduce_min3A_464 = arith.constant -2147483648 : i32
      %reduce_min3A_465 = vector.broadcast %reduce_min3A_464 : i32 to vector<16xi32>
      %reduce_min3A_466 = arith.xori %scan3A_460, %reduce_min3A_465 : vector<16xi32>
      %reduce_min3A_467 = tpu.scan <min>, %reduce_min3A_466 masked %reduce_min3A_463 : vector<16xi32>, vector<16xi1> -> vector<16xi32>
      %reduce_min3A_468 = arith.xori %reduce_min3A_467, %reduce_min3A_465 : vector<16xi32>
      %reduce_min3A_469 = vector.extract %reduce_min3A_468[15] : i32 from vector<16xi32>
      %mul3A_470 = arith.constant 512 : i32
      %mul3A_471 = arith.muli %reduce_min3A_421, %mul3A_470 : i32
      %sub3A_472 = arith.subi %reduce_min3A_469, %add3A_453 : i32
      %add3A_473 = arith.addi %mul3A_471, %sub3A_472 : i32
      %broadcast_in_dim3A_474 = vector.broadcast %add3A_473 : i32 to vector<16xi32>
      %eq3A_475 = arith.constant 0 : i32
      %eq3A_476 = vector.broadcast %eq3A_475 : i32 to vector<16xi32>
      %eq3A_477 = arith.cmpi eq, %iota3A, %eq3A_476 : vector<16xi32>
      tpu.vector_store_idx %arg6[%broadcast_in_dim3A_474], %broadcast_in_dim3A_1 masked %eq3A_477 : memref<4096xf32, #tpu.memory_space<vmem>>[vector<16xi32>], vector<16xf32>, vector<16xi1>
      %eq3A_478 = vector.broadcast %reduce_min3A_395 : i32 to vector<16xi32>
      %eq3A_479 = arith.cmpi eq, %iota3A, %eq3A_478 : vector<16xi32>
      %scan3A_480 = arith.constant 0 : i32
      %scan3A_481 = arith.constant 32 : i32
      %scan3A_482 = arith.addi %scan3A_480, %scan3A_481 : i32
      %scan3A_483 = arith.constant 1 : i32
      %scan3A_484 = scf.for %scan3A_1244 = %scan3A_480 to %scan3A_482 step %scan3A_483 iter_args(%scan3A_1245 = %broadcast_in_dim3A_1) -> (vector<16xf32>)  : i32 {
        %mul3A_1246 = arith.constant 512 : i32
        %mul3A_1247 = arith.muli %reduce_min3A_421, %mul3A_1246 : i32
        %mul3A_1248 = arith.constant 16 : i32
        %mul3A_1249 = arith.muli %scan3A_1244, %mul3A_1248 : i32
        %add3A_1250 = arith.addi %mul3A_1247, %mul3A_1249 : i32
        %get3A_1251 = arith.index_cast %add3A_1250 : i32 to index
        %get3A_1252 = tpu.vector_load %arg6[%get3A_1251] {strides = array<i32>} : memref<4096xf32, #tpu.memory_space<vmem>>, vector<16xf32>,
        %max3A = arith.maximumf %scan3A_1245, %get3A_1252 : vector<16xf32>
        scf.yield %max3A : vector<16xf32>
      }
      %scan3A_485 = arith.constant 32 : i32
      %reduce_max3A_486 = arith.constant true
      %reduce_max3A_487 = vector.broadcast %reduce_max3A_486 : i1 to vector<16xi1>
      %reduce_max3A_488 = tpu.scan <max>, %scan3A_484 masked %reduce_max3A_487 : vector<16xf32>, vector<16xi1> -> vector<16xf32>
      %reduce_max3A_489 = vector.extract %reduce_max3A_488[15] : f32 from vector<16xf32>
      %broadcast_in_dim3A_490 = vector.broadcast %reduce_max3A_489 : f32 to vector<16xf32>
      %select_n3A_491 = arith.select %eq3A_479, %broadcast_in_dim3A_490, %select_n3A_368 : vector<16xi1>, vector<16xf32>
      %eq3A_492 = arith.constant 1 : i32
      %eq3A_493 = vector.broadcast %eq3A_492 : i32 to vector<16xi32>
      %eq3A_494 = arith.cmpi eq, %iota3A, %eq3A_493 : vector<16xi32>
      %broadcast_in_dim3A_495 = vector.broadcast %reduce_max3A_382 : f32 to vector<16xf32>
      %select_n3A_496 = arith.select %eq3A_494, %broadcast_in_dim3A_495, %select_n3A_373 : vector<16xi1>, vector<16xf32>
      %eq3A_497 = arith.constant 1 : i32
      %eq3A_498 = vector.broadcast %eq3A_497 : i32 to vector<16xi32>
      %eq3A_499 = arith.cmpi eq, %iota3A, %eq3A_498 : vector<16xi32>
      %broadcast_in_dim3A_500 = vector.broadcast %reduce_min3A_469 : i32 to vector<16xi32>
      %select_n3A_501 = arith.select %eq3A_499, %broadcast_in_dim3A_500, %select_n3A_378 : vector<16xi1>, vector<16xi32>
      %reduce_max3A_502 = arith.constant true
      %reduce_max3A_503 = vector.broadcast %reduce_max3A_502 : i1 to vector<16xi1>
      %reduce_max3A_504 = tpu.scan <max>, %select_n3A_491 masked %reduce_max3A_503 : vector<16xf32>, vector<16xi1> -> vector<16xf32>
      %reduce_max3A_505 = vector.extract %reduce_max3A_504[15] : f32 from vector<16xf32>
      %eq3A_506 = vector.broadcast %reduce_max3A_505 : f32 to vector<16xf32>
      %eq3A_507 = arith.cmpf oeq, %select_n3A_491, %eq3A_506 : vector<16xf32>
      %jit3A_508 = arith.constant 2147483647 : i32
      %broadcast_in_dim3A_509 = vector.broadcast %jit3A_508 : i32 to vector<16xi32>
      %select_n3A_510 = arith.select %eq3A_507, %iota3A, %broadcast_in_dim3A_509 : vector<16xi1>, vector<16xi32>
      %reduce_min3A_511 = arith.constant true
      %reduce_min3A_512 = vector.broadcast %reduce_min3A_511 : i1 to vector<16xi1>
      %reduce_min3A_513 = arith.constant -2147483648 : i32
      %reduce_min3A_514 = vector.broadcast %reduce_min3A_513 : i32 to vector<16xi32>
      %reduce_min3A_515 = arith.xori %select_n3A_510, %reduce_min3A_514 : vector<16xi32>
      %reduce_min3A_516 = tpu.scan <min>, %reduce_min3A_515 masked %reduce_min3A_512 : vector<16xi32>, vector<16xi1> -> vector<16xi32>
      %reduce_min3A_517 = arith.xori %reduce_min3A_516, %reduce_min3A_514 : vector<16xi32>
      %reduce_min3A_518 = vector.extract %reduce_min3A_517[15] : i32 from vector<16xi32>
      %eq3A_519 = vector.broadcast %reduce_min3A_518 : i32 to vector<16xi32>
      %eq3A_520 = arith.cmpi eq, %iota3A, %eq3A_519 : vector<16xi32>
      %jit3A_521 = arith.constant 2147483647 : i32
      %broadcast_in_dim3A_522 = vector.broadcast %jit3A_521 : i32 to vector<16xi32>
      %select_n3A_523 = arith.select %eq3A_520, %masked_sort3A_32, %broadcast_in_dim3A_522 : vector<16xi1>, vector<16xi32>
      %reduce_min3A_524 = arith.constant true
      %reduce_min3A_525 = vector.broadcast %reduce_min3A_524 : i1 to vector<16xi1>
      %reduce_min3A_526 = arith.constant -2147483648 : i32
      %reduce_min3A_527 = vector.broadcast %reduce_min3A_526 : i32 to vector<16xi32>
      %reduce_min3A_528 = arith.xori %select_n3A_523, %reduce_min3A_527 : vector<16xi32>
      %reduce_min3A_529 = tpu.scan <min>, %reduce_min3A_528 masked %reduce_min3A_525 : vector<16xi32>, vector<16xi1> -> vector<16xi32>
      %reduce_min3A_530 = arith.xori %reduce_min3A_529, %reduce_min3A_527 : vector<16xi32>
      %reduce_min3A_531 = vector.extract %reduce_min3A_530[15] : i32 from vector<16xi32>
      %eq3A_532 = vector.broadcast %reduce_min3A_518 : i32 to vector<16xi32>
      %eq3A_533 = arith.cmpi eq, %iota3A, %eq3A_532 : vector<16xi32>
      %jit3A_534 = arith.constant 2147483647 : i32
      %broadcast_in_dim3A_535 = vector.broadcast %jit3A_534 : i32 to vector<16xi32>
      %select_n3A_536 = arith.select %eq3A_533, %masked_sort3A_31, %broadcast_in_dim3A_535 : vector<16xi1>, vector<16xi32>
      %reduce_min3A_537 = arith.constant true
      %reduce_min3A_538 = vector.broadcast %reduce_min3A_537 : i1 to vector<16xi1>
      %reduce_min3A_539 = arith.constant -2147483648 : i32
      %reduce_min3A_540 = vector.broadcast %reduce_min3A_539 : i32 to vector<16xi32>
      %reduce_min3A_541 = arith.xori %select_n3A_536, %reduce_min3A_540 : vector<16xi32>
      %reduce_min3A_542 = tpu.scan <min>, %reduce_min3A_541 masked %reduce_min3A_538 : vector<16xi32>, vector<16xi1> -> vector<16xi32>
      %reduce_min3A_543 = arith.xori %reduce_min3A_542, %reduce_min3A_540 : vector<16xi32>
      %reduce_min3A_544 = vector.extract %reduce_min3A_543[15] : i32 from vector<16xi32>
      %jit3A_545 = arith.constant 196 : i32
      %div3A_546 = arith.divsi %reduce_min3A_531, %jit3A_545 : i32
      %sign3A_547 = arith.constant 0 : i32
      %sign3A_548 = arith.cmpi sgt, %reduce_min3A_531, %sign3A_547 : i32
      %sign3A_549 = arith.extui %sign3A_548 : i1 to i32
      %sign3A_550 = arith.constant 0 : i32
      %sign3A_551 = arith.cmpi slt, %reduce_min3A_531, %sign3A_550 : i32
      %sign3A_552 = arith.extui %sign3A_551 : i1 to i32
      %sign3A_553 = arith.subi %sign3A_549, %sign3A_552 : i32
      %sign3A_554 = arith.constant 0 : i32
      %sign3A_555 = arith.cmpi sgt, %jit3A_545, %sign3A_554 : i32
      %sign3A_556 = arith.extui %sign3A_555 : i1 to i32
      %sign3A_557 = arith.constant 0 : i32
      %sign3A_558 = arith.cmpi slt, %jit3A_545, %sign3A_557 : i32
      %sign3A_559 = arith.extui %sign3A_558 : i1 to i32
      %sign3A_560 = arith.subi %sign3A_556, %sign3A_559 : i32
      %ne3A_561 = arith.cmpi ne, %sign3A_553, %sign3A_560 : i32
      %rem3A_562 = arith.remsi %reduce_min3A_531, %jit3A_545 : i32
      %ne3A_563 = arith.constant 0 : i32
      %ne3A_564 = arith.cmpi ne, %rem3A_562, %ne3A_563 : i32
      %and3A_565 = arith.andi %ne3A_561, %ne3A_564 : i1
      %sub3A_566 = arith.constant 1 : i32
      %sub3A_567 = arith.subi %div3A_546, %sub3A_566 : i32
      %select_n3A_568 = arith.select %and3A_565, %sub3A_567, %div3A_546 : i32
      %mul3A_569 = arith.constant 196 : i32
      %mul3A_570 = arith.muli %select_n3A_568, %mul3A_569 : i32
      %sub3A_571 = arith.subi %reduce_min3A_531, %mul3A_570 : i32
      %mul3A_572 = arith.constant 100000 : i32
      %mul3A_573 = arith.muli %select_n3A_568, %mul3A_572 : i32
      %mul3A_574 = arith.constant 512 : i32
      %mul3A_575 = arith.muli %sub3A_571, %mul3A_574 : i32
      %add3A_576 = arith.addi %mul3A_573, %mul3A_575 : i32
      %broadcast_in_dim3A_577 = arith.constant 2147483647 : i32
      %broadcast_in_dim3A_578 = vector.broadcast %broadcast_in_dim3A_577 : i32 to vector<16xi32>
      %scan3A_579 = arith.constant 0 : i32
      %scan3A_580 = arith.constant 32 : i32
      %scan3A_581 = arith.addi %scan3A_579, %scan3A_580 : i32
      %scan3A_582 = arith.constant 1 : i32
      %scan3A_583 = scf.for %scan3A_1244 = %scan3A_579 to %scan3A_581 step %scan3A_582 iter_args(%scan3A_1245 = %broadcast_in_dim3A_578) -> (vector<16xi32>)  : i32 {
        %mul3A_1246 = arith.constant 512 : i32
        %mul3A_1247 = arith.muli %reduce_min3A_544, %mul3A_1246 : i32
        %mul3A_1248 = arith.constant 16 : i32
        %mul3A_1249 = arith.muli %scan3A_1244, %mul3A_1248 : i32
        %add3A_1250 = arith.addi %mul3A_1247, %mul3A_1249 : i32
        %get3A_1251 = arith.index_cast %add3A_1250 : i32 to index
        %get3A_1252 = tpu.vector_load %arg6[%get3A_1251] {strides = array<i32>} : memref<4096xf32, #tpu.memory_space<vmem>>, vector<16xf32>,
        %mul3A_1253 = arith.constant 16 : i32
        %mul3A_1254 = arith.muli %scan3A_1244, %mul3A_1253 : i32
        %add3A_1255 = arith.addi %add3A_576, %mul3A_1254 : i32
        %add3A_1256 = vector.broadcast %add3A_1255 : i32 to vector<16xi32>
        %add3A_1257 = arith.addi %add3A_1256, %iota3A : vector<16xi32>
        %eq3A_1258 = vector.broadcast %reduce_max3A_505 : f32 to vector<16xf32>
        %eq3A_1259 = arith.cmpf oeq, %get3A_1252, %eq3A_1258 : vector<16xf32>
        %jit3A_1260 = arith.constant 2147483647 : i32
        %broadcast_in_dim3A_1261 = vector.broadcast %jit3A_1260 : i32 to vector<16xi32>
        %select_n3A_1262 = arith.select %eq3A_1259, %add3A_1257, %broadcast_in_dim3A_1261 : vector<16xi1>, vector<16xi32>
        %min3A = arith.minsi %scan3A_1245, %select_n3A_1262 : vector<16xi32>
        scf.yield %min3A : vector<16xi32>
      }
      %scan3A_584 = arith.constant 32 : i32
      %reduce_min3A_585 = arith.constant true
      %reduce_min3A_586 = vector.broadcast %reduce_min3A_585 : i1 to vector<16xi1>
      %reduce_min3A_587 = arith.constant -2147483648 : i32
      %reduce_min3A_588 = vector.broadcast %reduce_min3A_587 : i32 to vector<16xi32>
      %reduce_min3A_589 = arith.xori %scan3A_583, %reduce_min3A_588 : vector<16xi32>
      %reduce_min3A_590 = tpu.scan <min>, %reduce_min3A_589 masked %reduce_min3A_586 : vector<16xi32>, vector<16xi1> -> vector<16xi32>
      %reduce_min3A_591 = arith.xori %reduce_min3A_590, %reduce_min3A_588 : vector<16xi32>
      %reduce_min3A_592 = vector.extract %reduce_min3A_591[15] : i32 from vector<16xi32>
      %mul3A_593 = arith.constant 512 : i32
      %mul3A_594 = arith.muli %reduce_min3A_544, %mul3A_593 : i32
      %sub3A_595 = arith.subi %reduce_min3A_592, %add3A_576 : i32
      %add3A_596 = arith.addi %mul3A_594, %sub3A_595 : i32
      %broadcast_in_dim3A_597 = vector.broadcast %add3A_596 : i32 to vector<16xi32>
      %eq3A_598 = arith.constant 0 : i32
      %eq3A_599 = vector.broadcast %eq3A_598 : i32 to vector<16xi32>
      %eq3A_600 = arith.cmpi eq, %iota3A, %eq3A_599 : vector<16xi32>
      tpu.vector_store_idx %arg6[%broadcast_in_dim3A_597], %broadcast_in_dim3A_1 masked %eq3A_600 : memref<4096xf32, #tpu.memory_space<vmem>>[vector<16xi32>], vector<16xf32>, vector<16xi1>
      %eq3A_601 = vector.broadcast %reduce_min3A_518 : i32 to vector<16xi32>
      %eq3A_602 = arith.cmpi eq, %iota3A, %eq3A_601 : vector<16xi32>
      %scan3A_603 = arith.constant 0 : i32
      %scan3A_604 = arith.constant 32 : i32
      %scan3A_605 = arith.addi %scan3A_603, %scan3A_604 : i32
      %scan3A_606 = arith.constant 1 : i32
      %scan3A_607 = scf.for %scan3A_1244 = %scan3A_603 to %scan3A_605 step %scan3A_606 iter_args(%scan3A_1245 = %broadcast_in_dim3A_1) -> (vector<16xf32>)  : i32 {
        %mul3A_1246 = arith.constant 512 : i32
        %mul3A_1247 = arith.muli %reduce_min3A_544, %mul3A_1246 : i32
        %mul3A_1248 = arith.constant 16 : i32
        %mul3A_1249 = arith.muli %scan3A_1244, %mul3A_1248 : i32
        %add3A_1250 = arith.addi %mul3A_1247, %mul3A_1249 : i32
        %get3A_1251 = arith.index_cast %add3A_1250 : i32 to index
        %get3A_1252 = tpu.vector_load %arg6[%get3A_1251] {strides = array<i32>} : memref<4096xf32, #tpu.memory_space<vmem>>, vector<16xf32>,
        %max3A = arith.maximumf %scan3A_1245, %get3A_1252 : vector<16xf32>
        scf.yield %max3A : vector<16xf32>
      }
      %scan3A_608 = arith.constant 32 : i32
      %reduce_max3A_609 = arith.constant true
      %reduce_max3A_610 = vector.broadcast %reduce_max3A_609 : i1 to vector<16xi1>
      %reduce_max3A_611 = tpu.scan <max>, %scan3A_607 masked %reduce_max3A_610 : vector<16xf32>, vector<16xi1> -> vector<16xf32>
      %reduce_max3A_612 = vector.extract %reduce_max3A_611[15] : f32 from vector<16xf32>
      %broadcast_in_dim3A_613 = vector.broadcast %reduce_max3A_612 : f32 to vector<16xf32>
      %select_n3A_614 = arith.select %eq3A_602, %broadcast_in_dim3A_613, %select_n3A_491 : vector<16xi1>, vector<16xf32>
      %eq3A_615 = arith.constant 2 : i32
      %eq3A_616 = vector.broadcast %eq3A_615 : i32 to vector<16xi32>
      %eq3A_617 = arith.cmpi eq, %iota3A, %eq3A_616 : vector<16xi32>
      %broadcast_in_dim3A_618 = vector.broadcast %reduce_max3A_505 : f32 to vector<16xf32>
      %select_n3A_619 = arith.select %eq3A_617, %broadcast_in_dim3A_618, %select_n3A_496 : vector<16xi1>, vector<16xf32>
      %eq3A_620 = arith.constant 2 : i32
      %eq3A_621 = vector.broadcast %eq3A_620 : i32 to vector<16xi32>
      %eq3A_622 = arith.cmpi eq, %iota3A, %eq3A_621 : vector<16xi32>
      %broadcast_in_dim3A_623 = vector.broadcast %reduce_min3A_592 : i32 to vector<16xi32>
      %select_n3A_624 = arith.select %eq3A_622, %broadcast_in_dim3A_623, %select_n3A_501 : vector<16xi1>, vector<16xi32>
      %reduce_max3A_625 = arith.constant true
      %reduce_max3A_626 = vector.broadcast %reduce_max3A_625 : i1 to vector<16xi1>
      %reduce_max3A_627 = tpu.scan <max>, %select_n3A_614 masked %reduce_max3A_626 : vector<16xf32>, vector<16xi1> -> vector<16xf32>
      %reduce_max3A_628 = vector.extract %reduce_max3A_627[15] : f32 from vector<16xf32>
      %eq3A_629 = vector.broadcast %reduce_max3A_628 : f32 to vector<16xf32>
      %eq3A_630 = arith.cmpf oeq, %select_n3A_614, %eq3A_629 : vector<16xf32>
      %jit3A_631 = arith.constant 2147483647 : i32
      %broadcast_in_dim3A_632 = vector.broadcast %jit3A_631 : i32 to vector<16xi32>
      %select_n3A_633 = arith.select %eq3A_630, %iota3A, %broadcast_in_dim3A_632 : vector<16xi1>, vector<16xi32>
      %reduce_min3A_634 = arith.constant true
      %reduce_min3A_635 = vector.broadcast %reduce_min3A_634 : i1 to vector<16xi1>
      %reduce_min3A_636 = arith.constant -2147483648 : i32
      %reduce_min3A_637 = vector.broadcast %reduce_min3A_636 : i32 to vector<16xi32>
      %reduce_min3A_638 = arith.xori %select_n3A_633, %reduce_min3A_637 : vector<16xi32>
      %reduce_min3A_639 = tpu.scan <min>, %reduce_min3A_638 masked %reduce_min3A_635 : vector<16xi32>, vector<16xi1> -> vector<16xi32>
      %reduce_min3A_640 = arith.xori %reduce_min3A_639, %reduce_min3A_637 : vector<16xi32>
      %reduce_min3A_641 = vector.extract %reduce_min3A_640[15] : i32 from vector<16xi32>
      %eq3A_642 = vector.broadcast %reduce_min3A_641 : i32 to vector<16xi32>
      %eq3A_643 = arith.cmpi eq, %iota3A, %eq3A_642 : vector<16xi32>
      %jit3A_644 = arith.constant 2147483647 : i32
      %broadcast_in_dim3A_645 = vector.broadcast %jit3A_644 : i32 to vector<16xi32>
      %select_n3A_646 = arith.select %eq3A_643, %masked_sort3A_32, %broadcast_in_dim3A_645 : vector<16xi1>, vector<16xi32>
      %reduce_min3A_647 = arith.constant true
      %reduce_min3A_648 = vector.broadcast %reduce_min3A_647 : i1 to vector<16xi1>
      %reduce_min3A_649 = arith.constant -2147483648 : i32
      %reduce_min3A_650 = vector.broadcast %reduce_min3A_649 : i32 to vector<16xi32>
      %reduce_min3A_651 = arith.xori %select_n3A_646, %reduce_min3A_650 : vector<16xi32>
      %reduce_min3A_652 = tpu.scan <min>, %reduce_min3A_651 masked %reduce_min3A_648 : vector<16xi32>, vector<16xi1> -> vector<16xi32>
      %reduce_min3A_653 = arith.xori %reduce_min3A_652, %reduce_min3A_650 : vector<16xi32>
      %reduce_min3A_654 = vector.extract %reduce_min3A_653[15] : i32 from vector<16xi32>
      %eq3A_655 = vector.broadcast %reduce_min3A_641 : i32 to vector<16xi32>
      %eq3A_656 = arith.cmpi eq, %iota3A, %eq3A_655 : vector<16xi32>
      %jit3A_657 = arith.constant 2147483647 : i32
      %broadcast_in_dim3A_658 = vector.broadcast %jit3A_657 : i32 to vector<16xi32>
      %select_n3A_659 = arith.select %eq3A_656, %masked_sort3A_31, %broadcast_in_dim3A_658 : vector<16xi1>, vector<16xi32>
      %reduce_min3A_660 = arith.constant true
      %reduce_min3A_661 = vector.broadcast %reduce_min3A_660 : i1 to vector<16xi1>
      %reduce_min3A_662 = arith.constant -2147483648 : i32
      %reduce_min3A_663 = vector.broadcast %reduce_min3A_662 : i32 to vector<16xi32>
      %reduce_min3A_664 = arith.xori %select_n3A_659, %reduce_min3A_663 : vector<16xi32>
      %reduce_min3A_665 = tpu.scan <min>, %reduce_min3A_664 masked %reduce_min3A_661 : vector<16xi32>, vector<16xi1> -> vector<16xi32>
      %reduce_min3A_666 = arith.xori %reduce_min3A_665, %reduce_min3A_663 : vector<16xi32>
      %reduce_min3A_667 = vector.extract %reduce_min3A_666[15] : i32 from vector<16xi32>
      %jit3A_668 = arith.constant 196 : i32
      %div3A_669 = arith.divsi %reduce_min3A_654, %jit3A_668 : i32
      %sign3A_670 = arith.constant 0 : i32
      %sign3A_671 = arith.cmpi sgt, %reduce_min3A_654, %sign3A_670 : i32
      %sign3A_672 = arith.extui %sign3A_671 : i1 to i32
      %sign3A_673 = arith.constant 0 : i32
      %sign3A_674 = arith.cmpi slt, %reduce_min3A_654, %sign3A_673 : i32
      %sign3A_675 = arith.extui %sign3A_674 : i1 to i32
      %sign3A_676 = arith.subi %sign3A_672, %sign3A_675 : i32
      %sign3A_677 = arith.constant 0 : i32
      %sign3A_678 = arith.cmpi sgt, %jit3A_668, %sign3A_677 : i32
      %sign3A_679 = arith.extui %sign3A_678 : i1 to i32
      %sign3A_680 = arith.constant 0 : i32
      %sign3A_681 = arith.cmpi slt, %jit3A_668, %sign3A_680 : i32
      %sign3A_682 = arith.extui %sign3A_681 : i1 to i32
      %sign3A_683 = arith.subi %sign3A_679, %sign3A_682 : i32
      %ne3A_684 = arith.cmpi ne, %sign3A_676, %sign3A_683 : i32
      %rem3A_685 = arith.remsi %reduce_min3A_654, %jit3A_668 : i32
      %ne3A_686 = arith.constant 0 : i32
      %ne3A_687 = arith.cmpi ne, %rem3A_685, %ne3A_686 : i32
      %and3A_688 = arith.andi %ne3A_684, %ne3A_687 : i1
      %sub3A_689 = arith.constant 1 : i32
      %sub3A_690 = arith.subi %div3A_669, %sub3A_689 : i32
      %select_n3A_691 = arith.select %and3A_688, %sub3A_690, %div3A_669 : i32
      %mul3A_692 = arith.constant 196 : i32
      %mul3A_693 = arith.muli %select_n3A_691, %mul3A_692 : i32
      %sub3A_694 = arith.subi %reduce_min3A_654, %mul3A_693 : i32
      %mul3A_695 = arith.constant 100000 : i32
      %mul3A_696 = arith.muli %select_n3A_691, %mul3A_695 : i32
      %mul3A_697 = arith.constant 512 : i32
      %mul3A_698 = arith.muli %sub3A_694, %mul3A_697 : i32
      %add3A_699 = arith.addi %mul3A_696, %mul3A_698 : i32
      %broadcast_in_dim3A_700 = arith.constant 2147483647 : i32
      %broadcast_in_dim3A_701 = vector.broadcast %broadcast_in_dim3A_700 : i32 to vector<16xi32>
      %scan3A_702 = arith.constant 0 : i32
      %scan3A_703 = arith.constant 32 : i32
      %scan3A_704 = arith.addi %scan3A_702, %scan3A_703 : i32
      %scan3A_705 = arith.constant 1 : i32
      %scan3A_706 = scf.for %scan3A_1244 = %scan3A_702 to %scan3A_704 step %scan3A_705 iter_args(%scan3A_1245 = %broadcast_in_dim3A_701) -> (vector<16xi32>)  : i32 {
        %mul3A_1246 = arith.constant 512 : i32
        %mul3A_1247 = arith.muli %reduce_min3A_667, %mul3A_1246 : i32
        %mul3A_1248 = arith.constant 16 : i32
        %mul3A_1249 = arith.muli %scan3A_1244, %mul3A_1248 : i32
        %add3A_1250 = arith.addi %mul3A_1247, %mul3A_1249 : i32
        %get3A_1251 = arith.index_cast %add3A_1250 : i32 to index
        %get3A_1252 = tpu.vector_load %arg6[%get3A_1251] {strides = array<i32>} : memref<4096xf32, #tpu.memory_space<vmem>>, vector<16xf32>,
        %mul3A_1253 = arith.constant 16 : i32
        %mul3A_1254 = arith.muli %scan3A_1244, %mul3A_1253 : i32
        %add3A_1255 = arith.addi %add3A_699, %mul3A_1254 : i32
        %add3A_1256 = vector.broadcast %add3A_1255 : i32 to vector<16xi32>
        %add3A_1257 = arith.addi %add3A_1256, %iota3A : vector<16xi32>
        %eq3A_1258 = vector.broadcast %reduce_max3A_628 : f32 to vector<16xf32>
        %eq3A_1259 = arith.cmpf oeq, %get3A_1252, %eq3A_1258 : vector<16xf32>
        %jit3A_1260 = arith.constant 2147483647 : i32
        %broadcast_in_dim3A_1261 = vector.broadcast %jit3A_1260 : i32 to vector<16xi32>
        %select_n3A_1262 = arith.select %eq3A_1259, %add3A_1257, %broadcast_in_dim3A_1261 : vector<16xi1>, vector<16xi32>
        %min3A = arith.minsi %scan3A_1245, %select_n3A_1262 : vector<16xi32>
        scf.yield %min3A : vector<16xi32>
      }
      %scan3A_707 = arith.constant 32 : i32
      %reduce_min3A_708 = arith.constant true
      %reduce_min3A_709 = vector.broadcast %reduce_min3A_708 : i1 to vector<16xi1>
      %reduce_min3A_710 = arith.constant -2147483648 : i32
      %reduce_min3A_711 = vector.broadcast %reduce_min3A_710 : i32 to vector<16xi32>
      %reduce_min3A_712 = arith.xori %scan3A_706, %reduce_min3A_711 : vector<16xi32>
      %reduce_min3A_713 = tpu.scan <min>, %reduce_min3A_712 masked %reduce_min3A_709 : vector<16xi32>, vector<16xi1> -> vector<16xi32>
      %reduce_min3A_714 = arith.xori %reduce_min3A_713, %reduce_min3A_711 : vector<16xi32>
      %reduce_min3A_715 = vector.extract %reduce_min3A_714[15] : i32 from vector<16xi32>
      %mul3A_716 = arith.constant 512 : i32
      %mul3A_717 = arith.muli %reduce_min3A_667, %mul3A_716 : i32
      %sub3A_718 = arith.subi %reduce_min3A_715, %add3A_699 : i32
      %add3A_719 = arith.addi %mul3A_717, %sub3A_718 : i32
      %broadcast_in_dim3A_720 = vector.broadcast %add3A_719 : i32 to vector<16xi32>
      %eq3A_721 = arith.constant 0 : i32
      %eq3A_722 = vector.broadcast %eq3A_721 : i32 to vector<16xi32>
      %eq3A_723 = arith.cmpi eq, %iota3A, %eq3A_722 : vector<16xi32>
      tpu.vector_store_idx %arg6[%broadcast_in_dim3A_720], %broadcast_in_dim3A_1 masked %eq3A_723 : memref<4096xf32, #tpu.memory_space<vmem>>[vector<16xi32>], vector<16xf32>, vector<16xi1>
      %eq3A_724 = vector.broadcast %reduce_min3A_641 : i32 to vector<16xi32>
      %eq3A_725 = arith.cmpi eq, %iota3A, %eq3A_724 : vector<16xi32>
      %scan3A_726 = arith.constant 0 : i32
      %scan3A_727 = arith.constant 32 : i32
      %scan3A_728 = arith.addi %scan3A_726, %scan3A_727 : i32
      %scan3A_729 = arith.constant 1 : i32
      %scan3A_730 = scf.for %scan3A_1244 = %scan3A_726 to %scan3A_728 step %scan3A_729 iter_args(%scan3A_1245 = %broadcast_in_dim3A_1) -> (vector<16xf32>)  : i32 {
        %mul3A_1246 = arith.constant 512 : i32
        %mul3A_1247 = arith.muli %reduce_min3A_667, %mul3A_1246 : i32
        %mul3A_1248 = arith.constant 16 : i32
        %mul3A_1249 = arith.muli %scan3A_1244, %mul3A_1248 : i32
        %add3A_1250 = arith.addi %mul3A_1247, %mul3A_1249 : i32
        %get3A_1251 = arith.index_cast %add3A_1250 : i32 to index
        %get3A_1252 = tpu.vector_load %arg6[%get3A_1251] {strides = array<i32>} : memref<4096xf32, #tpu.memory_space<vmem>>, vector<16xf32>,
        %max3A = arith.maximumf %scan3A_1245, %get3A_1252 : vector<16xf32>
        scf.yield %max3A : vector<16xf32>
      }
      %scan3A_731 = arith.constant 32 : i32
      %reduce_max3A_732 = arith.constant true
      %reduce_max3A_733 = vector.broadcast %reduce_max3A_732 : i1 to vector<16xi1>
      %reduce_max3A_734 = tpu.scan <max>, %scan3A_730 masked %reduce_max3A_733 : vector<16xf32>, vector<16xi1> -> vector<16xf32>
      %reduce_max3A_735 = vector.extract %reduce_max3A_734[15] : f32 from vector<16xf32>
      %broadcast_in_dim3A_736 = vector.broadcast %reduce_max3A_735 : f32 to vector<16xf32>
      %select_n3A_737 = arith.select %eq3A_725, %broadcast_in_dim3A_736, %select_n3A_614 : vector<16xi1>, vector<16xf32>
      %eq3A_738 = arith.constant 3 : i32
      %eq3A_739 = vector.broadcast %eq3A_738 : i32 to vector<16xi32>
      %eq3A_740 = arith.cmpi eq, %iota3A, %eq3A_739 : vector<16xi32>
      %broadcast_in_dim3A_741 = vector.broadcast %reduce_max3A_628 : f32 to vector<16xf32>
      %select_n3A_742 = arith.select %eq3A_740, %broadcast_in_dim3A_741, %select_n3A_619 : vector<16xi1>, vector<16xf32>
      %eq3A_743 = arith.constant 3 : i32
      %eq3A_744 = vector.broadcast %eq3A_743 : i32 to vector<16xi32>
      %eq3A_745 = arith.cmpi eq, %iota3A, %eq3A_744 : vector<16xi32>
      %broadcast_in_dim3A_746 = vector.broadcast %reduce_min3A_715 : i32 to vector<16xi32>
      %select_n3A_747 = arith.select %eq3A_745, %broadcast_in_dim3A_746, %select_n3A_624 : vector<16xi1>, vector<16xi32>
      %reduce_max3A_748 = arith.constant true
      %reduce_max3A_749 = vector.broadcast %reduce_max3A_748 : i1 to vector<16xi1>
      %reduce_max3A_750 = tpu.scan <max>, %select_n3A_737 masked %reduce_max3A_749 : vector<16xf32>, vector<16xi1> -> vector<16xf32>
      %reduce_max3A_751 = vector.extract %reduce_max3A_750[15] : f32 from vector<16xf32>
      %eq3A_752 = vector.broadcast %reduce_max3A_751 : f32 to vector<16xf32>
      %eq3A_753 = arith.cmpf oeq, %select_n3A_737, %eq3A_752 : vector<16xf32>
      %jit3A_754 = arith.constant 2147483647 : i32
      %broadcast_in_dim3A_755 = vector.broadcast %jit3A_754 : i32 to vector<16xi32>
      %select_n3A_756 = arith.select %eq3A_753, %iota3A, %broadcast_in_dim3A_755 : vector<16xi1>, vector<16xi32>
      %reduce_min3A_757 = arith.constant true
      %reduce_min3A_758 = vector.broadcast %reduce_min3A_757 : i1 to vector<16xi1>
      %reduce_min3A_759 = arith.constant -2147483648 : i32
      %reduce_min3A_760 = vector.broadcast %reduce_min3A_759 : i32 to vector<16xi32>
      %reduce_min3A_761 = arith.xori %select_n3A_756, %reduce_min3A_760 : vector<16xi32>
      %reduce_min3A_762 = tpu.scan <min>, %reduce_min3A_761 masked %reduce_min3A_758 : vector<16xi32>, vector<16xi1> -> vector<16xi32>
      %reduce_min3A_763 = arith.xori %reduce_min3A_762, %reduce_min3A_760 : vector<16xi32>
      %reduce_min3A_764 = vector.extract %reduce_min3A_763[15] : i32 from vector<16xi32>
      %eq3A_765 = vector.broadcast %reduce_min3A_764 : i32 to vector<16xi32>
      %eq3A_766 = arith.cmpi eq, %iota3A, %eq3A_765 : vector<16xi32>
      %jit3A_767 = arith.constant 2147483647 : i32
      %broadcast_in_dim3A_768 = vector.broadcast %jit3A_767 : i32 to vector<16xi32>
      %select_n3A_769 = arith.select %eq3A_766, %masked_sort3A_32, %broadcast_in_dim3A_768 : vector<16xi1>, vector<16xi32>
      %reduce_min3A_770 = arith.constant true
      %reduce_min3A_771 = vector.broadcast %reduce_min3A_770 : i1 to vector<16xi1>
      %reduce_min3A_772 = arith.constant -2147483648 : i32
      %reduce_min3A_773 = vector.broadcast %reduce_min3A_772 : i32 to vector<16xi32>
      %reduce_min3A_774 = arith.xori %select_n3A_769, %reduce_min3A_773 : vector<16xi32>
      %reduce_min3A_775 = tpu.scan <min>, %reduce_min3A_774 masked %reduce_min3A_771 : vector<16xi32>, vector<16xi1> -> vector<16xi32>
      %reduce_min3A_776 = arith.xori %reduce_min3A_775, %reduce_min3A_773 : vector<16xi32>
      %reduce_min3A_777 = vector.extract %reduce_min3A_776[15] : i32 from vector<16xi32>
      %eq3A_778 = vector.broadcast %reduce_min3A_764 : i32 to vector<16xi32>
      %eq3A_779 = arith.cmpi eq, %iota3A, %eq3A_778 : vector<16xi32>
      %jit3A_780 = arith.constant 2147483647 : i32
      %broadcast_in_dim3A_781 = vector.broadcast %jit3A_780 : i32 to vector<16xi32>
      %select_n3A_782 = arith.select %eq3A_779, %masked_sort3A_31, %broadcast_in_dim3A_781 : vector<16xi1>, vector<16xi32>
      %reduce_min3A_783 = arith.constant true
      %reduce_min3A_784 = vector.broadcast %reduce_min3A_783 : i1 to vector<16xi1>
      %reduce_min3A_785 = arith.constant -2147483648 : i32
      %reduce_min3A_786 = vector.broadcast %reduce_min3A_785 : i32 to vector<16xi32>
      %reduce_min3A_787 = arith.xori %select_n3A_782, %reduce_min3A_786 : vector<16xi32>
      %reduce_min3A_788 = tpu.scan <min>, %reduce_min3A_787 masked %reduce_min3A_784 : vector<16xi32>, vector<16xi1> -> vector<16xi32>
      %reduce_min3A_789 = arith.xori %reduce_min3A_788, %reduce_min3A_786 : vector<16xi32>
      %reduce_min3A_790 = vector.extract %reduce_min3A_789[15] : i32 from vector<16xi32>
      %jit3A_791 = arith.constant 196 : i32
      %div3A_792 = arith.divsi %reduce_min3A_777, %jit3A_791 : i32
      %sign3A_793 = arith.constant 0 : i32
      %sign3A_794 = arith.cmpi sgt, %reduce_min3A_777, %sign3A_793 : i32
      %sign3A_795 = arith.extui %sign3A_794 : i1 to i32
      %sign3A_796 = arith.constant 0 : i32
      %sign3A_797 = arith.cmpi slt, %reduce_min3A_777, %sign3A_796 : i32
      %sign3A_798 = arith.extui %sign3A_797 : i1 to i32
      %sign3A_799 = arith.subi %sign3A_795, %sign3A_798 : i32
      %sign3A_800 = arith.constant 0 : i32
      %sign3A_801 = arith.cmpi sgt, %jit3A_791, %sign3A_800 : i32
      %sign3A_802 = arith.extui %sign3A_801 : i1 to i32
      %sign3A_803 = arith.constant 0 : i32
      %sign3A_804 = arith.cmpi slt, %jit3A_791, %sign3A_803 : i32
      %sign3A_805 = arith.extui %sign3A_804 : i1 to i32
      %sign3A_806 = arith.subi %sign3A_802, %sign3A_805 : i32
      %ne3A_807 = arith.cmpi ne, %sign3A_799, %sign3A_806 : i32
      %rem3A_808 = arith.remsi %reduce_min3A_777, %jit3A_791 : i32
      %ne3A_809 = arith.constant 0 : i32
      %ne3A_810 = arith.cmpi ne, %rem3A_808, %ne3A_809 : i32
      %and3A_811 = arith.andi %ne3A_807, %ne3A_810 : i1
      %sub3A_812 = arith.constant 1 : i32
      %sub3A_813 = arith.subi %div3A_792, %sub3A_812 : i32
      %select_n3A_814 = arith.select %and3A_811, %sub3A_813, %div3A_792 : i32
      %mul3A_815 = arith.constant 196 : i32
      %mul3A_816 = arith.muli %select_n3A_814, %mul3A_815 : i32
      %sub3A_817 = arith.subi %reduce_min3A_777, %mul3A_816 : i32
      %mul3A_818 = arith.constant 100000 : i32
      %mul3A_819 = arith.muli %select_n3A_814, %mul3A_818 : i32
      %mul3A_820 = arith.constant 512 : i32
      %mul3A_821 = arith.muli %sub3A_817, %mul3A_820 : i32
      %add3A_822 = arith.addi %mul3A_819, %mul3A_821 : i32
      %broadcast_in_dim3A_823 = arith.constant 2147483647 : i32
      %broadcast_in_dim3A_824 = vector.broadcast %broadcast_in_dim3A_823 : i32 to vector<16xi32>
      %scan3A_825 = arith.constant 0 : i32
      %scan3A_826 = arith.constant 32 : i32
      %scan3A_827 = arith.addi %scan3A_825, %scan3A_826 : i32
      %scan3A_828 = arith.constant 1 : i32
      %scan3A_829 = scf.for %scan3A_1244 = %scan3A_825 to %scan3A_827 step %scan3A_828 iter_args(%scan3A_1245 = %broadcast_in_dim3A_824) -> (vector<16xi32>)  : i32 {
        %mul3A_1246 = arith.constant 512 : i32
        %mul3A_1247 = arith.muli %reduce_min3A_790, %mul3A_1246 : i32
        %mul3A_1248 = arith.constant 16 : i32
        %mul3A_1249 = arith.muli %scan3A_1244, %mul3A_1248 : i32
        %add3A_1250 = arith.addi %mul3A_1247, %mul3A_1249 : i32
        %get3A_1251 = arith.index_cast %add3A_1250 : i32 to index
        %get3A_1252 = tpu.vector_load %arg6[%get3A_1251] {strides = array<i32>} : memref<4096xf32, #tpu.memory_space<vmem>>, vector<16xf32>,
        %mul3A_1253 = arith.constant 16 : i32
        %mul3A_1254 = arith.muli %scan3A_1244, %mul3A_1253 : i32
        %add3A_1255 = arith.addi %add3A_822, %mul3A_1254 : i32
        %add3A_1256 = vector.broadcast %add3A_1255 : i32 to vector<16xi32>
        %add3A_1257 = arith.addi %add3A_1256, %iota3A : vector<16xi32>
        %eq3A_1258 = vector.broadcast %reduce_max3A_751 : f32 to vector<16xf32>
        %eq3A_1259 = arith.cmpf oeq, %get3A_1252, %eq3A_1258 : vector<16xf32>
        %jit3A_1260 = arith.constant 2147483647 : i32
        %broadcast_in_dim3A_1261 = vector.broadcast %jit3A_1260 : i32 to vector<16xi32>
        %select_n3A_1262 = arith.select %eq3A_1259, %add3A_1257, %broadcast_in_dim3A_1261 : vector<16xi1>, vector<16xi32>
        %min3A = arith.minsi %scan3A_1245, %select_n3A_1262 : vector<16xi32>
        scf.yield %min3A : vector<16xi32>
      }
      %scan3A_830 = arith.constant 32 : i32
      %reduce_min3A_831 = arith.constant true
      %reduce_min3A_832 = vector.broadcast %reduce_min3A_831 : i1 to vector<16xi1>
      %reduce_min3A_833 = arith.constant -2147483648 : i32
      %reduce_min3A_834 = vector.broadcast %reduce_min3A_833 : i32 to vector<16xi32>
      %reduce_min3A_835 = arith.xori %scan3A_829, %reduce_min3A_834 : vector<16xi32>
      %reduce_min3A_836 = tpu.scan <min>, %reduce_min3A_835 masked %reduce_min3A_832 : vector<16xi32>, vector<16xi1> -> vector<16xi32>
      %reduce_min3A_837 = arith.xori %reduce_min3A_836, %reduce_min3A_834 : vector<16xi32>
      %reduce_min3A_838 = vector.extract %reduce_min3A_837[15] : i32 from vector<16xi32>
      %mul3A_839 = arith.constant 512 : i32
      %mul3A_840 = arith.muli %reduce_min3A_790, %mul3A_839 : i32
      %sub3A_841 = arith.subi %reduce_min3A_838, %add3A_822 : i32
      %add3A_842 = arith.addi %mul3A_840, %sub3A_841 : i32
      %broadcast_in_dim3A_843 = vector.broadcast %add3A_842 : i32 to vector<16xi32>
      %eq3A_844 = arith.constant 0 : i32
      %eq3A_845 = vector.broadcast %eq3A_844 : i32 to vector<16xi32>
      %eq3A_846 = arith.cmpi eq, %iota3A, %eq3A_845 : vector<16xi32>
      tpu.vector_store_idx %arg6[%broadcast_in_dim3A_843], %broadcast_in_dim3A_1 masked %eq3A_846 : memref<4096xf32, #tpu.memory_space<vmem>>[vector<16xi32>], vector<16xf32>, vector<16xi1>
      %eq3A_847 = vector.broadcast %reduce_min3A_764 : i32 to vector<16xi32>
      %eq3A_848 = arith.cmpi eq, %iota3A, %eq3A_847 : vector<16xi32>
      %scan3A_849 = arith.constant 0 : i32
      %scan3A_850 = arith.constant 32 : i32
      %scan3A_851 = arith.addi %scan3A_849, %scan3A_850 : i32
      %scan3A_852 = arith.constant 1 : i32
      %scan3A_853 = scf.for %scan3A_1244 = %scan3A_849 to %scan3A_851 step %scan3A_852 iter_args(%scan3A_1245 = %broadcast_in_dim3A_1) -> (vector<16xf32>)  : i32 {
        %mul3A_1246 = arith.constant 512 : i32
        %mul3A_1247 = arith.muli %reduce_min3A_790, %mul3A_1246 : i32
        %mul3A_1248 = arith.constant 16 : i32
        %mul3A_1249 = arith.muli %scan3A_1244, %mul3A_1248 : i32
        %add3A_1250 = arith.addi %mul3A_1247, %mul3A_1249 : i32
        %get3A_1251 = arith.index_cast %add3A_1250 : i32 to index
        %get3A_1252 = tpu.vector_load %arg6[%get3A_1251] {strides = array<i32>} : memref<4096xf32, #tpu.memory_space<vmem>>, vector<16xf32>,
        %max3A = arith.maximumf %scan3A_1245, %get3A_1252 : vector<16xf32>
        scf.yield %max3A : vector<16xf32>
      }
      %scan3A_854 = arith.constant 32 : i32
      %reduce_max3A_855 = arith.constant true
      %reduce_max3A_856 = vector.broadcast %reduce_max3A_855 : i1 to vector<16xi1>
      %reduce_max3A_857 = tpu.scan <max>, %scan3A_853 masked %reduce_max3A_856 : vector<16xf32>, vector<16xi1> -> vector<16xf32>
      %reduce_max3A_858 = vector.extract %reduce_max3A_857[15] : f32 from vector<16xf32>
      %broadcast_in_dim3A_859 = vector.broadcast %reduce_max3A_858 : f32 to vector<16xf32>
      %select_n3A_860 = arith.select %eq3A_848, %broadcast_in_dim3A_859, %select_n3A_737 : vector<16xi1>, vector<16xf32>
      %eq3A_861 = arith.constant 4 : i32
      %eq3A_862 = vector.broadcast %eq3A_861 : i32 to vector<16xi32>
      %eq3A_863 = arith.cmpi eq, %iota3A, %eq3A_862 : vector<16xi32>
      %broadcast_in_dim3A_864 = vector.broadcast %reduce_max3A_751 : f32 to vector<16xf32>
      %select_n3A_865 = arith.select %eq3A_863, %broadcast_in_dim3A_864, %select_n3A_742 : vector<16xi1>, vector<16xf32>
      %eq3A_866 = arith.constant 4 : i32
      %eq3A_867 = vector.broadcast %eq3A_866 : i32 to vector<16xi32>
      %eq3A_868 = arith.cmpi eq, %iota3A, %eq3A_867 : vector<16xi32>
      %broadcast_in_dim3A_869 = vector.broadcast %reduce_min3A_838 : i32 to vector<16xi32>
      %select_n3A_870 = arith.select %eq3A_868, %broadcast_in_dim3A_869, %select_n3A_747 : vector<16xi1>, vector<16xi32>
      %reduce_max3A_871 = arith.constant true
      %reduce_max3A_872 = vector.broadcast %reduce_max3A_871 : i1 to vector<16xi1>
      %reduce_max3A_873 = tpu.scan <max>, %select_n3A_860 masked %reduce_max3A_872 : vector<16xf32>, vector<16xi1> -> vector<16xf32>
      %reduce_max3A_874 = vector.extract %reduce_max3A_873[15] : f32 from vector<16xf32>
      %eq3A_875 = vector.broadcast %reduce_max3A_874 : f32 to vector<16xf32>
      %eq3A_876 = arith.cmpf oeq, %select_n3A_860, %eq3A_875 : vector<16xf32>
      %jit3A_877 = arith.constant 2147483647 : i32
      %broadcast_in_dim3A_878 = vector.broadcast %jit3A_877 : i32 to vector<16xi32>
      %select_n3A_879 = arith.select %eq3A_876, %iota3A, %broadcast_in_dim3A_878 : vector<16xi1>, vector<16xi32>
      %reduce_min3A_880 = arith.constant true
      %reduce_min3A_881 = vector.broadcast %reduce_min3A_880 : i1 to vector<16xi1>
      %reduce_min3A_882 = arith.constant -2147483648 : i32
      %reduce_min3A_883 = vector.broadcast %reduce_min3A_882 : i32 to vector<16xi32>
      %reduce_min3A_884 = arith.xori %select_n3A_879, %reduce_min3A_883 : vector<16xi32>
      %reduce_min3A_885 = tpu.scan <min>, %reduce_min3A_884 masked %reduce_min3A_881 : vector<16xi32>, vector<16xi1> -> vector<16xi32>
      %reduce_min3A_886 = arith.xori %reduce_min3A_885, %reduce_min3A_883 : vector<16xi32>
      %reduce_min3A_887 = vector.extract %reduce_min3A_886[15] : i32 from vector<16xi32>
      %eq3A_888 = vector.broadcast %reduce_min3A_887 : i32 to vector<16xi32>
      %eq3A_889 = arith.cmpi eq, %iota3A, %eq3A_888 : vector<16xi32>
      %jit3A_890 = arith.constant 2147483647 : i32
      %broadcast_in_dim3A_891 = vector.broadcast %jit3A_890 : i32 to vector<16xi32>
      %select_n3A_892 = arith.select %eq3A_889, %masked_sort3A_32, %broadcast_in_dim3A_891 : vector<16xi1>, vector<16xi32>
      %reduce_min3A_893 = arith.constant true
      %reduce_min3A_894 = vector.broadcast %reduce_min3A_893 : i1 to vector<16xi1>
      %reduce_min3A_895 = arith.constant -2147483648 : i32
      %reduce_min3A_896 = vector.broadcast %reduce_min3A_895 : i32 to vector<16xi32>
      %reduce_min3A_897 = arith.xori %select_n3A_892, %reduce_min3A_896 : vector<16xi32>
      %reduce_min3A_898 = tpu.scan <min>, %reduce_min3A_897 masked %reduce_min3A_894 : vector<16xi32>, vector<16xi1> -> vector<16xi32>
      %reduce_min3A_899 = arith.xori %reduce_min3A_898, %reduce_min3A_896 : vector<16xi32>
      %reduce_min3A_900 = vector.extract %reduce_min3A_899[15] : i32 from vector<16xi32>
      %eq3A_901 = vector.broadcast %reduce_min3A_887 : i32 to vector<16xi32>
      %eq3A_902 = arith.cmpi eq, %iota3A, %eq3A_901 : vector<16xi32>
      %jit3A_903 = arith.constant 2147483647 : i32
      %broadcast_in_dim3A_904 = vector.broadcast %jit3A_903 : i32 to vector<16xi32>
      %select_n3A_905 = arith.select %eq3A_902, %masked_sort3A_31, %broadcast_in_dim3A_904 : vector<16xi1>, vector<16xi32>
      %reduce_min3A_906 = arith.constant true
      %reduce_min3A_907 = vector.broadcast %reduce_min3A_906 : i1 to vector<16xi1>
      %reduce_min3A_908 = arith.constant -2147483648 : i32
      %reduce_min3A_909 = vector.broadcast %reduce_min3A_908 : i32 to vector<16xi32>
      %reduce_min3A_910 = arith.xori %select_n3A_905, %reduce_min3A_909 : vector<16xi32>
      %reduce_min3A_911 = tpu.scan <min>, %reduce_min3A_910 masked %reduce_min3A_907 : vector<16xi32>, vector<16xi1> -> vector<16xi32>
      %reduce_min3A_912 = arith.xori %reduce_min3A_911, %reduce_min3A_909 : vector<16xi32>
      %reduce_min3A_913 = vector.extract %reduce_min3A_912[15] : i32 from vector<16xi32>
      %jit3A_914 = arith.constant 196 : i32
      %div3A_915 = arith.divsi %reduce_min3A_900, %jit3A_914 : i32
      %sign3A_916 = arith.constant 0 : i32
      %sign3A_917 = arith.cmpi sgt, %reduce_min3A_900, %sign3A_916 : i32
      %sign3A_918 = arith.extui %sign3A_917 : i1 to i32
      %sign3A_919 = arith.constant 0 : i32
      %sign3A_920 = arith.cmpi slt, %reduce_min3A_900, %sign3A_919 : i32
      %sign3A_921 = arith.extui %sign3A_920 : i1 to i32
      %sign3A_922 = arith.subi %sign3A_918, %sign3A_921 : i32
      %sign3A_923 = arith.constant 0 : i32
      %sign3A_924 = arith.cmpi sgt, %jit3A_914, %sign3A_923 : i32
      %sign3A_925 = arith.extui %sign3A_924 : i1 to i32
      %sign3A_926 = arith.constant 0 : i32
      %sign3A_927 = arith.cmpi slt, %jit3A_914, %sign3A_926 : i32
      %sign3A_928 = arith.extui %sign3A_927 : i1 to i32
      %sign3A_929 = arith.subi %sign3A_925, %sign3A_928 : i32
      %ne3A_930 = arith.cmpi ne, %sign3A_922, %sign3A_929 : i32
      %rem3A_931 = arith.remsi %reduce_min3A_900, %jit3A_914 : i32
      %ne3A_932 = arith.constant 0 : i32
      %ne3A_933 = arith.cmpi ne, %rem3A_931, %ne3A_932 : i32
      %and3A_934 = arith.andi %ne3A_930, %ne3A_933 : i1
      %sub3A_935 = arith.constant 1 : i32
      %sub3A_936 = arith.subi %div3A_915, %sub3A_935 : i32
      %select_n3A_937 = arith.select %and3A_934, %sub3A_936, %div3A_915 : i32
      %mul3A_938 = arith.constant 196 : i32
      %mul3A_939 = arith.muli %select_n3A_937, %mul3A_938 : i32
      %sub3A_940 = arith.subi %reduce_min3A_900, %mul3A_939 : i32
      %mul3A_941 = arith.constant 100000 : i32
      %mul3A_942 = arith.muli %select_n3A_937, %mul3A_941 : i32
      %mul3A_943 = arith.constant 512 : i32
      %mul3A_944 = arith.muli %sub3A_940, %mul3A_943 : i32
      %add3A_945 = arith.addi %mul3A_942, %mul3A_944 : i32
      %broadcast_in_dim3A_946 = arith.constant 2147483647 : i32
      %broadcast_in_dim3A_947 = vector.broadcast %broadcast_in_dim3A_946 : i32 to vector<16xi32>
      %scan3A_948 = arith.constant 0 : i32
      %scan3A_949 = arith.constant 32 : i32
      %scan3A_950 = arith.addi %scan3A_948, %scan3A_949 : i32
      %scan3A_951 = arith.constant 1 : i32
      %scan3A_952 = scf.for %scan3A_1244 = %scan3A_948 to %scan3A_950 step %scan3A_951 iter_args(%scan3A_1245 = %broadcast_in_dim3A_947) -> (vector<16xi32>)  : i32 {
        %mul3A_1246 = arith.constant 512 : i32
        %mul3A_1247 = arith.muli %reduce_min3A_913, %mul3A_1246 : i32
        %mul3A_1248 = arith.constant 16 : i32
        %mul3A_1249 = arith.muli %scan3A_1244, %mul3A_1248 : i32
        %add3A_1250 = arith.addi %mul3A_1247, %mul3A_1249 : i32
        %get3A_1251 = arith.index_cast %add3A_1250 : i32 to index
        %get3A_1252 = tpu.vector_load %arg6[%get3A_1251] {strides = array<i32>} : memref<4096xf32, #tpu.memory_space<vmem>>, vector<16xf32>,
        %mul3A_1253 = arith.constant 16 : i32
        %mul3A_1254 = arith.muli %scan3A_1244, %mul3A_1253 : i32
        %add3A_1255 = arith.addi %add3A_945, %mul3A_1254 : i32
        %add3A_1256 = vector.broadcast %add3A_1255 : i32 to vector<16xi32>
        %add3A_1257 = arith.addi %add3A_1256, %iota3A : vector<16xi32>
        %eq3A_1258 = vector.broadcast %reduce_max3A_874 : f32 to vector<16xf32>
        %eq3A_1259 = arith.cmpf oeq, %get3A_1252, %eq3A_1258 : vector<16xf32>
        %jit3A_1260 = arith.constant 2147483647 : i32
        %broadcast_in_dim3A_1261 = vector.broadcast %jit3A_1260 : i32 to vector<16xi32>
        %select_n3A_1262 = arith.select %eq3A_1259, %add3A_1257, %broadcast_in_dim3A_1261 : vector<16xi1>, vector<16xi32>
        %min3A = arith.minsi %scan3A_1245, %select_n3A_1262 : vector<16xi32>
        scf.yield %min3A : vector<16xi32>
      }
      %scan3A_953 = arith.constant 32 : i32
      %reduce_min3A_954 = arith.constant true
      %reduce_min3A_955 = vector.broadcast %reduce_min3A_954 : i1 to vector<16xi1>
      %reduce_min3A_956 = arith.constant -2147483648 : i32
      %reduce_min3A_957 = vector.broadcast %reduce_min3A_956 : i32 to vector<16xi32>
      %reduce_min3A_958 = arith.xori %scan3A_952, %reduce_min3A_957 : vector<16xi32>
      %reduce_min3A_959 = tpu.scan <min>, %reduce_min3A_958 masked %reduce_min3A_955 : vector<16xi32>, vector<16xi1> -> vector<16xi32>
      %reduce_min3A_960 = arith.xori %reduce_min3A_959, %reduce_min3A_957 : vector<16xi32>
      %reduce_min3A_961 = vector.extract %reduce_min3A_960[15] : i32 from vector<16xi32>
      %mul3A_962 = arith.constant 512 : i32
      %mul3A_963 = arith.muli %reduce_min3A_913, %mul3A_962 : i32
      %sub3A_964 = arith.subi %reduce_min3A_961, %add3A_945 : i32
      %add3A_965 = arith.addi %mul3A_963, %sub3A_964 : i32
      %broadcast_in_dim3A_966 = vector.broadcast %add3A_965 : i32 to vector<16xi32>
      %eq3A_967 = arith.constant 0 : i32
      %eq3A_968 = vector.broadcast %eq3A_967 : i32 to vector<16xi32>
      %eq3A_969 = arith.cmpi eq, %iota3A, %eq3A_968 : vector<16xi32>
      tpu.vector_store_idx %arg6[%broadcast_in_dim3A_966], %broadcast_in_dim3A_1 masked %eq3A_969 : memref<4096xf32, #tpu.memory_space<vmem>>[vector<16xi32>], vector<16xf32>, vector<16xi1>
      %eq3A_970 = vector.broadcast %reduce_min3A_887 : i32 to vector<16xi32>
      %eq3A_971 = arith.cmpi eq, %iota3A, %eq3A_970 : vector<16xi32>
      %scan3A_972 = arith.constant 0 : i32
      %scan3A_973 = arith.constant 32 : i32
      %scan3A_974 = arith.addi %scan3A_972, %scan3A_973 : i32
      %scan3A_975 = arith.constant 1 : i32
      %scan3A_976 = scf.for %scan3A_1244 = %scan3A_972 to %scan3A_974 step %scan3A_975 iter_args(%scan3A_1245 = %broadcast_in_dim3A_1) -> (vector<16xf32>)  : i32 {
        %mul3A_1246 = arith.constant 512 : i32
        %mul3A_1247 = arith.muli %reduce_min3A_913, %mul3A_1246 : i32
        %mul3A_1248 = arith.constant 16 : i32
        %mul3A_1249 = arith.muli %scan3A_1244, %mul3A_1248 : i32
        %add3A_1250 = arith.addi %mul3A_1247, %mul3A_1249 : i32
        %get3A_1251 = arith.index_cast %add3A_1250 : i32 to index
        %get3A_1252 = tpu.vector_load %arg6[%get3A_1251] {strides = array<i32>} : memref<4096xf32, #tpu.memory_space<vmem>>, vector<16xf32>,
        %max3A = arith.maximumf %scan3A_1245, %get3A_1252 : vector<16xf32>
        scf.yield %max3A : vector<16xf32>
      }
      %scan3A_977 = arith.constant 32 : i32
      %reduce_max3A_978 = arith.constant true
      %reduce_max3A_979 = vector.broadcast %reduce_max3A_978 : i1 to vector<16xi1>
      %reduce_max3A_980 = tpu.scan <max>, %scan3A_976 masked %reduce_max3A_979 : vector<16xf32>, vector<16xi1> -> vector<16xf32>
      %reduce_max3A_981 = vector.extract %reduce_max3A_980[15] : f32 from vector<16xf32>
      %broadcast_in_dim3A_982 = vector.broadcast %reduce_max3A_981 : f32 to vector<16xf32>
      %select_n3A_983 = arith.select %eq3A_971, %broadcast_in_dim3A_982, %select_n3A_860 : vector<16xi1>, vector<16xf32>
      %eq3A_984 = arith.constant 5 : i32
      %eq3A_985 = vector.broadcast %eq3A_984 : i32 to vector<16xi32>
      %eq3A_986 = arith.cmpi eq, %iota3A, %eq3A_985 : vector<16xi32>
      %broadcast_in_dim3A_987 = vector.broadcast %reduce_max3A_874 : f32 to vector<16xf32>
      %select_n3A_988 = arith.select %eq3A_986, %broadcast_in_dim3A_987, %select_n3A_865 : vector<16xi1>, vector<16xf32>
      %eq3A_989 = arith.constant 5 : i32
      %eq3A_990 = vector.broadcast %eq3A_989 : i32 to vector<16xi32>
      %eq3A_991 = arith.cmpi eq, %iota3A, %eq3A_990 : vector<16xi32>
      %broadcast_in_dim3A_992 = vector.broadcast %reduce_min3A_961 : i32 to vector<16xi32>
      %select_n3A_993 = arith.select %eq3A_991, %broadcast_in_dim3A_992, %select_n3A_870 : vector<16xi1>, vector<16xi32>
      %reduce_max3A_994 = arith.constant true
      %reduce_max3A_995 = vector.broadcast %reduce_max3A_994 : i1 to vector<16xi1>
      %reduce_max3A_996 = tpu.scan <max>, %select_n3A_983 masked %reduce_max3A_995 : vector<16xf32>, vector<16xi1> -> vector<16xf32>
      %reduce_max3A_997 = vector.extract %reduce_max3A_996[15] : f32 from vector<16xf32>
      %eq3A_998 = vector.broadcast %reduce_max3A_997 : f32 to vector<16xf32>
      %eq3A_999 = arith.cmpf oeq, %select_n3A_983, %eq3A_998 : vector<16xf32>
      %jit3A_1000 = arith.constant 2147483647 : i32
      %broadcast_in_dim3A_1001 = vector.broadcast %jit3A_1000 : i32 to vector<16xi32>
      %select_n3A_1002 = arith.select %eq3A_999, %iota3A, %broadcast_in_dim3A_1001 : vector<16xi1>, vector<16xi32>
      %reduce_min3A_1003 = arith.constant true
      %reduce_min3A_1004 = vector.broadcast %reduce_min3A_1003 : i1 to vector<16xi1>
      %reduce_min3A_1005 = arith.constant -2147483648 : i32
      %reduce_min3A_1006 = vector.broadcast %reduce_min3A_1005 : i32 to vector<16xi32>
      %reduce_min3A_1007 = arith.xori %select_n3A_1002, %reduce_min3A_1006 : vector<16xi32>
      %reduce_min3A_1008 = tpu.scan <min>, %reduce_min3A_1007 masked %reduce_min3A_1004 : vector<16xi32>, vector<16xi1> -> vector<16xi32>
      %reduce_min3A_1009 = arith.xori %reduce_min3A_1008, %reduce_min3A_1006 : vector<16xi32>
      %reduce_min3A_1010 = vector.extract %reduce_min3A_1009[15] : i32 from vector<16xi32>
      %eq3A_1011 = vector.broadcast %reduce_min3A_1010 : i32 to vector<16xi32>
      %eq3A_1012 = arith.cmpi eq, %iota3A, %eq3A_1011 : vector<16xi32>
      %jit3A_1013 = arith.constant 2147483647 : i32
      %broadcast_in_dim3A_1014 = vector.broadcast %jit3A_1013 : i32 to vector<16xi32>
      %select_n3A_1015 = arith.select %eq3A_1012, %masked_sort3A_32, %broadcast_in_dim3A_1014 : vector<16xi1>, vector<16xi32>
      %reduce_min3A_1016 = arith.constant true
      %reduce_min3A_1017 = vector.broadcast %reduce_min3A_1016 : i1 to vector<16xi1>
      %reduce_min3A_1018 = arith.constant -2147483648 : i32
      %reduce_min3A_1019 = vector.broadcast %reduce_min3A_1018 : i32 to vector<16xi32>
      %reduce_min3A_1020 = arith.xori %select_n3A_1015, %reduce_min3A_1019 : vector<16xi32>
      %reduce_min3A_1021 = tpu.scan <min>, %reduce_min3A_1020 masked %reduce_min3A_1017 : vector<16xi32>, vector<16xi1> -> vector<16xi32>
      %reduce_min3A_1022 = arith.xori %reduce_min3A_1021, %reduce_min3A_1019 : vector<16xi32>
      %reduce_min3A_1023 = vector.extract %reduce_min3A_1022[15] : i32 from vector<16xi32>
      %eq3A_1024 = vector.broadcast %reduce_min3A_1010 : i32 to vector<16xi32>
      %eq3A_1025 = arith.cmpi eq, %iota3A, %eq3A_1024 : vector<16xi32>
      %jit3A_1026 = arith.constant 2147483647 : i32
      %broadcast_in_dim3A_1027 = vector.broadcast %jit3A_1026 : i32 to vector<16xi32>
      %select_n3A_1028 = arith.select %eq3A_1025, %masked_sort3A_31, %broadcast_in_dim3A_1027 : vector<16xi1>, vector<16xi32>
      %reduce_min3A_1029 = arith.constant true
      %reduce_min3A_1030 = vector.broadcast %reduce_min3A_1029 : i1 to vector<16xi1>
      %reduce_min3A_1031 = arith.constant -2147483648 : i32
      %reduce_min3A_1032 = vector.broadcast %reduce_min3A_1031 : i32 to vector<16xi32>
      %reduce_min3A_1033 = arith.xori %select_n3A_1028, %reduce_min3A_1032 : vector<16xi32>
      %reduce_min3A_1034 = tpu.scan <min>, %reduce_min3A_1033 masked %reduce_min3A_1030 : vector<16xi32>, vector<16xi1> -> vector<16xi32>
      %reduce_min3A_1035 = arith.xori %reduce_min3A_1034, %reduce_min3A_1032 : vector<16xi32>
      %reduce_min3A_1036 = vector.extract %reduce_min3A_1035[15] : i32 from vector<16xi32>
      %jit3A_1037 = arith.constant 196 : i32
      %div3A_1038 = arith.divsi %reduce_min3A_1023, %jit3A_1037 : i32
      %sign3A_1039 = arith.constant 0 : i32
      %sign3A_1040 = arith.cmpi sgt, %reduce_min3A_1023, %sign3A_1039 : i32
      %sign3A_1041 = arith.extui %sign3A_1040 : i1 to i32
      %sign3A_1042 = arith.constant 0 : i32
      %sign3A_1043 = arith.cmpi slt, %reduce_min3A_1023, %sign3A_1042 : i32
      %sign3A_1044 = arith.extui %sign3A_1043 : i1 to i32
      %sign3A_1045 = arith.subi %sign3A_1041, %sign3A_1044 : i32
      %sign3A_1046 = arith.constant 0 : i32
      %sign3A_1047 = arith.cmpi sgt, %jit3A_1037, %sign3A_1046 : i32
      %sign3A_1048 = arith.extui %sign3A_1047 : i1 to i32
      %sign3A_1049 = arith.constant 0 : i32
      %sign3A_1050 = arith.cmpi slt, %jit3A_1037, %sign3A_1049 : i32
      %sign3A_1051 = arith.extui %sign3A_1050 : i1 to i32
      %sign3A_1052 = arith.subi %sign3A_1048, %sign3A_1051 : i32
      %ne3A_1053 = arith.cmpi ne, %sign3A_1045, %sign3A_1052 : i32
      %rem3A_1054 = arith.remsi %reduce_min3A_1023, %jit3A_1037 : i32
      %ne3A_1055 = arith.constant 0 : i32
      %ne3A_1056 = arith.cmpi ne, %rem3A_1054, %ne3A_1055 : i32
      %and3A_1057 = arith.andi %ne3A_1053, %ne3A_1056 : i1
      %sub3A_1058 = arith.constant 1 : i32
      %sub3A_1059 = arith.subi %div3A_1038, %sub3A_1058 : i32
      %select_n3A_1060 = arith.select %and3A_1057, %sub3A_1059, %div3A_1038 : i32
      %mul3A_1061 = arith.constant 196 : i32
      %mul3A_1062 = arith.muli %select_n3A_1060, %mul3A_1061 : i32
      %sub3A_1063 = arith.subi %reduce_min3A_1023, %mul3A_1062 : i32
      %mul3A_1064 = arith.constant 100000 : i32
      %mul3A_1065 = arith.muli %select_n3A_1060, %mul3A_1064 : i32
      %mul3A_1066 = arith.constant 512 : i32
      %mul3A_1067 = arith.muli %sub3A_1063, %mul3A_1066 : i32
      %add3A_1068 = arith.addi %mul3A_1065, %mul3A_1067 : i32
      %broadcast_in_dim3A_1069 = arith.constant 2147483647 : i32
      %broadcast_in_dim3A_1070 = vector.broadcast %broadcast_in_dim3A_1069 : i32 to vector<16xi32>
      %scan3A_1071 = arith.constant 0 : i32
      %scan3A_1072 = arith.constant 32 : i32
      %scan3A_1073 = arith.addi %scan3A_1071, %scan3A_1072 : i32
      %scan3A_1074 = arith.constant 1 : i32
      %scan3A_1075 = scf.for %scan3A_1244 = %scan3A_1071 to %scan3A_1073 step %scan3A_1074 iter_args(%scan3A_1245 = %broadcast_in_dim3A_1070) -> (vector<16xi32>)  : i32 {
        %mul3A_1246 = arith.constant 512 : i32
        %mul3A_1247 = arith.muli %reduce_min3A_1036, %mul3A_1246 : i32
        %mul3A_1248 = arith.constant 16 : i32
        %mul3A_1249 = arith.muli %scan3A_1244, %mul3A_1248 : i32
        %add3A_1250 = arith.addi %mul3A_1247, %mul3A_1249 : i32
        %get3A_1251 = arith.index_cast %add3A_1250 : i32 to index
        %get3A_1252 = tpu.vector_load %arg6[%get3A_1251] {strides = array<i32>} : memref<4096xf32, #tpu.memory_space<vmem>>, vector<16xf32>,
        %mul3A_1253 = arith.constant 16 : i32
        %mul3A_1254 = arith.muli %scan3A_1244, %mul3A_1253 : i32
        %add3A_1255 = arith.addi %add3A_1068, %mul3A_1254 : i32
        %add3A_1256 = vector.broadcast %add3A_1255 : i32 to vector<16xi32>
        %add3A_1257 = arith.addi %add3A_1256, %iota3A : vector<16xi32>
        %eq3A_1258 = vector.broadcast %reduce_max3A_997 : f32 to vector<16xf32>
        %eq3A_1259 = arith.cmpf oeq, %get3A_1252, %eq3A_1258 : vector<16xf32>
        %jit3A_1260 = arith.constant 2147483647 : i32
        %broadcast_in_dim3A_1261 = vector.broadcast %jit3A_1260 : i32 to vector<16xi32>
        %select_n3A_1262 = arith.select %eq3A_1259, %add3A_1257, %broadcast_in_dim3A_1261 : vector<16xi1>, vector<16xi32>
        %min3A = arith.minsi %scan3A_1245, %select_n3A_1262 : vector<16xi32>
        scf.yield %min3A : vector<16xi32>
      }
      %scan3A_1076 = arith.constant 32 : i32
      %reduce_min3A_1077 = arith.constant true
      %reduce_min3A_1078 = vector.broadcast %reduce_min3A_1077 : i1 to vector<16xi1>
      %reduce_min3A_1079 = arith.constant -2147483648 : i32
      %reduce_min3A_1080 = vector.broadcast %reduce_min3A_1079 : i32 to vector<16xi32>
      %reduce_min3A_1081 = arith.xori %scan3A_1075, %reduce_min3A_1080 : vector<16xi32>
      %reduce_min3A_1082 = tpu.scan <min>, %reduce_min3A_1081 masked %reduce_min3A_1078 : vector<16xi32>, vector<16xi1> -> vector<16xi32>
      %reduce_min3A_1083 = arith.xori %reduce_min3A_1082, %reduce_min3A_1080 : vector<16xi32>
      %reduce_min3A_1084 = vector.extract %reduce_min3A_1083[15] : i32 from vector<16xi32>
      %mul3A_1085 = arith.constant 512 : i32
      %mul3A_1086 = arith.muli %reduce_min3A_1036, %mul3A_1085 : i32
      %sub3A_1087 = arith.subi %reduce_min3A_1084, %add3A_1068 : i32
      %add3A_1088 = arith.addi %mul3A_1086, %sub3A_1087 : i32
      %broadcast_in_dim3A_1089 = vector.broadcast %add3A_1088 : i32 to vector<16xi32>
      %eq3A_1090 = arith.constant 0 : i32
      %eq3A_1091 = vector.broadcast %eq3A_1090 : i32 to vector<16xi32>
      %eq3A_1092 = arith.cmpi eq, %iota3A, %eq3A_1091 : vector<16xi32>
      tpu.vector_store_idx %arg6[%broadcast_in_dim3A_1089], %broadcast_in_dim3A_1 masked %eq3A_1092 : memref<4096xf32, #tpu.memory_space<vmem>>[vector<16xi32>], vector<16xf32>, vector<16xi1>
      %eq3A_1093 = vector.broadcast %reduce_min3A_1010 : i32 to vector<16xi32>
      %eq3A_1094 = arith.cmpi eq, %iota3A, %eq3A_1093 : vector<16xi32>
      %scan3A_1095 = arith.constant 0 : i32
      %scan3A_1096 = arith.constant 32 : i32
      %scan3A_1097 = arith.addi %scan3A_1095, %scan3A_1096 : i32
      %scan3A_1098 = arith.constant 1 : i32
      %scan3A_1099 = scf.for %scan3A_1244 = %scan3A_1095 to %scan3A_1097 step %scan3A_1098 iter_args(%scan3A_1245 = %broadcast_in_dim3A_1) -> (vector<16xf32>)  : i32 {
        %mul3A_1246 = arith.constant 512 : i32
        %mul3A_1247 = arith.muli %reduce_min3A_1036, %mul3A_1246 : i32
        %mul3A_1248 = arith.constant 16 : i32
        %mul3A_1249 = arith.muli %scan3A_1244, %mul3A_1248 : i32
        %add3A_1250 = arith.addi %mul3A_1247, %mul3A_1249 : i32
        %get3A_1251 = arith.index_cast %add3A_1250 : i32 to index
        %get3A_1252 = tpu.vector_load %arg6[%get3A_1251] {strides = array<i32>} : memref<4096xf32, #tpu.memory_space<vmem>>, vector<16xf32>,
        %max3A = arith.maximumf %scan3A_1245, %get3A_1252 : vector<16xf32>
        scf.yield %max3A : vector<16xf32>
      }
      %scan3A_1100 = arith.constant 32 : i32
      %reduce_max3A_1101 = arith.constant true
      %reduce_max3A_1102 = vector.broadcast %reduce_max3A_1101 : i1 to vector<16xi1>
      %reduce_max3A_1103 = tpu.scan <max>, %scan3A_1099 masked %reduce_max3A_1102 : vector<16xf32>, vector<16xi1> -> vector<16xf32>
      %reduce_max3A_1104 = vector.extract %reduce_max3A_1103[15] : f32 from vector<16xf32>
      %broadcast_in_dim3A_1105 = vector.broadcast %reduce_max3A_1104 : f32 to vector<16xf32>
      %select_n3A_1106 = arith.select %eq3A_1094, %broadcast_in_dim3A_1105, %select_n3A_983 : vector<16xi1>, vector<16xf32>
      %eq3A_1107 = arith.constant 6 : i32
      %eq3A_1108 = vector.broadcast %eq3A_1107 : i32 to vector<16xi32>
      %eq3A_1109 = arith.cmpi eq, %iota3A, %eq3A_1108 : vector<16xi32>
      %broadcast_in_dim3A_1110 = vector.broadcast %reduce_max3A_997 : f32 to vector<16xf32>
      %select_n3A_1111 = arith.select %eq3A_1109, %broadcast_in_dim3A_1110, %select_n3A_988 : vector<16xi1>, vector<16xf32>
      %eq3A_1112 = arith.constant 6 : i32
      %eq3A_1113 = vector.broadcast %eq3A_1112 : i32 to vector<16xi32>
      %eq3A_1114 = arith.cmpi eq, %iota3A, %eq3A_1113 : vector<16xi32>
      %broadcast_in_dim3A_1115 = vector.broadcast %reduce_min3A_1084 : i32 to vector<16xi32>
      %select_n3A_1116 = arith.select %eq3A_1114, %broadcast_in_dim3A_1115, %select_n3A_993 : vector<16xi1>, vector<16xi32>
      %reduce_max3A_1117 = arith.constant true
      %reduce_max3A_1118 = vector.broadcast %reduce_max3A_1117 : i1 to vector<16xi1>
      %reduce_max3A_1119 = tpu.scan <max>, %select_n3A_1106 masked %reduce_max3A_1118 : vector<16xf32>, vector<16xi1> -> vector<16xf32>
      %reduce_max3A_1120 = vector.extract %reduce_max3A_1119[15] : f32 from vector<16xf32>
      %eq3A_1121 = vector.broadcast %reduce_max3A_1120 : f32 to vector<16xf32>
      %eq3A_1122 = arith.cmpf oeq, %select_n3A_1106, %eq3A_1121 : vector<16xf32>
      %jit3A_1123 = arith.constant 2147483647 : i32
      %broadcast_in_dim3A_1124 = vector.broadcast %jit3A_1123 : i32 to vector<16xi32>
      %select_n3A_1125 = arith.select %eq3A_1122, %iota3A, %broadcast_in_dim3A_1124 : vector<16xi1>, vector<16xi32>
      %reduce_min3A_1126 = arith.constant true
      %reduce_min3A_1127 = vector.broadcast %reduce_min3A_1126 : i1 to vector<16xi1>
      %reduce_min3A_1128 = arith.constant -2147483648 : i32
      %reduce_min3A_1129 = vector.broadcast %reduce_min3A_1128 : i32 to vector<16xi32>
      %reduce_min3A_1130 = arith.xori %select_n3A_1125, %reduce_min3A_1129 : vector<16xi32>
      %reduce_min3A_1131 = tpu.scan <min>, %reduce_min3A_1130 masked %reduce_min3A_1127 : vector<16xi32>, vector<16xi1> -> vector<16xi32>
      %reduce_min3A_1132 = arith.xori %reduce_min3A_1131, %reduce_min3A_1129 : vector<16xi32>
      %reduce_min3A_1133 = vector.extract %reduce_min3A_1132[15] : i32 from vector<16xi32>
      %eq3A_1134 = vector.broadcast %reduce_min3A_1133 : i32 to vector<16xi32>
      %eq3A_1135 = arith.cmpi eq, %iota3A, %eq3A_1134 : vector<16xi32>
      %jit3A_1136 = arith.constant 2147483647 : i32
      %broadcast_in_dim3A_1137 = vector.broadcast %jit3A_1136 : i32 to vector<16xi32>
      %select_n3A_1138 = arith.select %eq3A_1135, %masked_sort3A_32, %broadcast_in_dim3A_1137 : vector<16xi1>, vector<16xi32>
      %reduce_min3A_1139 = arith.constant true
      %reduce_min3A_1140 = vector.broadcast %reduce_min3A_1139 : i1 to vector<16xi1>
      %reduce_min3A_1141 = arith.constant -2147483648 : i32
      %reduce_min3A_1142 = vector.broadcast %reduce_min3A_1141 : i32 to vector<16xi32>
      %reduce_min3A_1143 = arith.xori %select_n3A_1138, %reduce_min3A_1142 : vector<16xi32>
      %reduce_min3A_1144 = tpu.scan <min>, %reduce_min3A_1143 masked %reduce_min3A_1140 : vector<16xi32>, vector<16xi1> -> vector<16xi32>
      %reduce_min3A_1145 = arith.xori %reduce_min3A_1144, %reduce_min3A_1142 : vector<16xi32>
      %reduce_min3A_1146 = vector.extract %reduce_min3A_1145[15] : i32 from vector<16xi32>
      %eq3A_1147 = vector.broadcast %reduce_min3A_1133 : i32 to vector<16xi32>
      %eq3A_1148 = arith.cmpi eq, %iota3A, %eq3A_1147 : vector<16xi32>
      %jit3A_1149 = arith.constant 2147483647 : i32
      %broadcast_in_dim3A_1150 = vector.broadcast %jit3A_1149 : i32 to vector<16xi32>
      %select_n3A_1151 = arith.select %eq3A_1148, %masked_sort3A_31, %broadcast_in_dim3A_1150 : vector<16xi1>, vector<16xi32>
      %reduce_min3A_1152 = arith.constant true
      %reduce_min3A_1153 = vector.broadcast %reduce_min3A_1152 : i1 to vector<16xi1>
      %reduce_min3A_1154 = arith.constant -2147483648 : i32
      %reduce_min3A_1155 = vector.broadcast %reduce_min3A_1154 : i32 to vector<16xi32>
      %reduce_min3A_1156 = arith.xori %select_n3A_1151, %reduce_min3A_1155 : vector<16xi32>
      %reduce_min3A_1157 = tpu.scan <min>, %reduce_min3A_1156 masked %reduce_min3A_1153 : vector<16xi32>, vector<16xi1> -> vector<16xi32>
      %reduce_min3A_1158 = arith.xori %reduce_min3A_1157, %reduce_min3A_1155 : vector<16xi32>
      %reduce_min3A_1159 = vector.extract %reduce_min3A_1158[15] : i32 from vector<16xi32>
      %jit3A_1160 = arith.constant 196 : i32
      %div3A_1161 = arith.divsi %reduce_min3A_1146, %jit3A_1160 : i32
      %sign3A_1162 = arith.constant 0 : i32
      %sign3A_1163 = arith.cmpi sgt, %reduce_min3A_1146, %sign3A_1162 : i32
      %sign3A_1164 = arith.extui %sign3A_1163 : i1 to i32
      %sign3A_1165 = arith.constant 0 : i32
      %sign3A_1166 = arith.cmpi slt, %reduce_min3A_1146, %sign3A_1165 : i32
      %sign3A_1167 = arith.extui %sign3A_1166 : i1 to i32
      %sign3A_1168 = arith.subi %sign3A_1164, %sign3A_1167 : i32
      %sign3A_1169 = arith.constant 0 : i32
      %sign3A_1170 = arith.cmpi sgt, %jit3A_1160, %sign3A_1169 : i32
      %sign3A_1171 = arith.extui %sign3A_1170 : i1 to i32
      %sign3A_1172 = arith.constant 0 : i32
      %sign3A_1173 = arith.cmpi slt, %jit3A_1160, %sign3A_1172 : i32
      %sign3A_1174 = arith.extui %sign3A_1173 : i1 to i32
      %sign3A_1175 = arith.subi %sign3A_1171, %sign3A_1174 : i32
      %ne3A_1176 = arith.cmpi ne, %sign3A_1168, %sign3A_1175 : i32
      %rem3A_1177 = arith.remsi %reduce_min3A_1146, %jit3A_1160 : i32
      %ne3A_1178 = arith.constant 0 : i32
      %ne3A_1179 = arith.cmpi ne, %rem3A_1177, %ne3A_1178 : i32
      %and3A_1180 = arith.andi %ne3A_1176, %ne3A_1179 : i1
      %sub3A_1181 = arith.constant 1 : i32
      %sub3A_1182 = arith.subi %div3A_1161, %sub3A_1181 : i32
      %select_n3A_1183 = arith.select %and3A_1180, %sub3A_1182, %div3A_1161 : i32
      %mul3A_1184 = arith.constant 196 : i32
      %mul3A_1185 = arith.muli %select_n3A_1183, %mul3A_1184 : i32
      %sub3A_1186 = arith.subi %reduce_min3A_1146, %mul3A_1185 : i32
      %mul3A_1187 = arith.constant 100000 : i32
      %mul3A_1188 = arith.muli %select_n3A_1183, %mul3A_1187 : i32
      %mul3A_1189 = arith.constant 512 : i32
      %mul3A_1190 = arith.muli %sub3A_1186, %mul3A_1189 : i32
      %add3A_1191 = arith.addi %mul3A_1188, %mul3A_1190 : i32
      %broadcast_in_dim3A_1192 = arith.constant 2147483647 : i32
      %broadcast_in_dim3A_1193 = vector.broadcast %broadcast_in_dim3A_1192 : i32 to vector<16xi32>
      %scan3A_1194 = arith.constant 0 : i32
      %scan3A_1195 = arith.constant 32 : i32
      %scan3A_1196 = arith.addi %scan3A_1194, %scan3A_1195 : i32
      %scan3A_1197 = arith.constant 1 : i32
      %scan3A_1198 = scf.for %scan3A_1244 = %scan3A_1194 to %scan3A_1196 step %scan3A_1197 iter_args(%scan3A_1245 = %broadcast_in_dim3A_1193) -> (vector<16xi32>)  : i32 {
        %mul3A_1246 = arith.constant 512 : i32
        %mul3A_1247 = arith.muli %reduce_min3A_1159, %mul3A_1246 : i32
        %mul3A_1248 = arith.constant 16 : i32
        %mul3A_1249 = arith.muli %scan3A_1244, %mul3A_1248 : i32
        %add3A_1250 = arith.addi %mul3A_1247, %mul3A_1249 : i32
        %get3A_1251 = arith.index_cast %add3A_1250 : i32 to index
        %get3A_1252 = tpu.vector_load %arg6[%get3A_1251] {strides = array<i32>} : memref<4096xf32, #tpu.memory_space<vmem>>, vector<16xf32>,
        %mul3A_1253 = arith.constant 16 : i32
        %mul3A_1254 = arith.muli %scan3A_1244, %mul3A_1253 : i32
        %add3A_1255 = arith.addi %add3A_1191, %mul3A_1254 : i32
        %add3A_1256 = vector.broadcast %add3A_1255 : i32 to vector<16xi32>
        %add3A_1257 = arith.addi %add3A_1256, %iota3A : vector<16xi32>
        %eq3A_1258 = vector.broadcast %reduce_max3A_1120 : f32 to vector<16xf32>
        %eq3A_1259 = arith.cmpf oeq, %get3A_1252, %eq3A_1258 : vector<16xf32>
        %jit3A_1260 = arith.constant 2147483647 : i32
        %broadcast_in_dim3A_1261 = vector.broadcast %jit3A_1260 : i32 to vector<16xi32>
        %select_n3A_1262 = arith.select %eq3A_1259, %add3A_1257, %broadcast_in_dim3A_1261 : vector<16xi1>, vector<16xi32>
        %min3A = arith.minsi %scan3A_1245, %select_n3A_1262 : vector<16xi32>
        scf.yield %min3A : vector<16xi32>
      }
      %scan3A_1199 = arith.constant 32 : i32
      %reduce_min3A_1200 = arith.constant true
      %reduce_min3A_1201 = vector.broadcast %reduce_min3A_1200 : i1 to vector<16xi1>
      %reduce_min3A_1202 = arith.constant -2147483648 : i32
      %reduce_min3A_1203 = vector.broadcast %reduce_min3A_1202 : i32 to vector<16xi32>
      %reduce_min3A_1204 = arith.xori %scan3A_1198, %reduce_min3A_1203 : vector<16xi32>
      %reduce_min3A_1205 = tpu.scan <min>, %reduce_min3A_1204 masked %reduce_min3A_1201 : vector<16xi32>, vector<16xi1> -> vector<16xi32>
      %reduce_min3A_1206 = arith.xori %reduce_min3A_1205, %reduce_min3A_1203 : vector<16xi32>
      %reduce_min3A_1207 = vector.extract %reduce_min3A_1206[15] : i32 from vector<16xi32>
      %mul3A_1208 = arith.constant 512 : i32
      %mul3A_1209 = arith.muli %reduce_min3A_1159, %mul3A_1208 : i32
      %sub3A_1210 = arith.subi %reduce_min3A_1207, %add3A_1191 : i32
      %add3A_1211 = arith.addi %mul3A_1209, %sub3A_1210 : i32
      %broadcast_in_dim3A_1212 = vector.broadcast %add3A_1211 : i32 to vector<16xi32>
      %eq3A_1213 = arith.constant 0 : i32
      %eq3A_1214 = vector.broadcast %eq3A_1213 : i32 to vector<16xi32>
      %eq3A_1215 = arith.cmpi eq, %iota3A, %eq3A_1214 : vector<16xi32>
      tpu.vector_store_idx %arg6[%broadcast_in_dim3A_1212], %broadcast_in_dim3A_1 masked %eq3A_1215 : memref<4096xf32, #tpu.memory_space<vmem>>[vector<16xi32>], vector<16xf32>, vector<16xi1>
      %eq3A_1216 = vector.broadcast %reduce_min3A_1133 : i32 to vector<16xi32>
      %eq3A_1217 = arith.cmpi eq, %iota3A, %eq3A_1216 : vector<16xi32>
      %scan3A_1218 = arith.constant 0 : i32
      %scan3A_1219 = arith.constant 32 : i32
      %scan3A_1220 = arith.addi %scan3A_1218, %scan3A_1219 : i32
      %scan3A_1221 = arith.constant 1 : i32
      %scan3A_1222 = scf.for %scan3A_1244 = %scan3A_1218 to %scan3A_1220 step %scan3A_1221 iter_args(%scan3A_1245 = %broadcast_in_dim3A_1) -> (vector<16xf32>)  : i32 {
        %mul3A_1246 = arith.constant 512 : i32
        %mul3A_1247 = arith.muli %reduce_min3A_1159, %mul3A_1246 : i32
        %mul3A_1248 = arith.constant 16 : i32
        %mul3A_1249 = arith.muli %scan3A_1244, %mul3A_1248 : i32
        %add3A_1250 = arith.addi %mul3A_1247, %mul3A_1249 : i32
        %get3A_1251 = arith.index_cast %add3A_1250 : i32 to index
        %get3A_1252 = tpu.vector_load %arg6[%get3A_1251] {strides = array<i32>} : memref<4096xf32, #tpu.memory_space<vmem>>, vector<16xf32>,
        %max3A = arith.maximumf %scan3A_1245, %get3A_1252 : vector<16xf32>
        scf.yield %max3A : vector<16xf32>
      }
      %scan3A_1223 = arith.constant 32 : i32
      %reduce_max3A_1224 = arith.constant true
      %reduce_max3A_1225 = vector.broadcast %reduce_max3A_1224 : i1 to vector<16xi1>
      %reduce_max3A_1226 = tpu.scan <max>, %scan3A_1222 masked %reduce_max3A_1225 : vector<16xf32>, vector<16xi1> -> vector<16xf32>
      %reduce_max3A_1227 = vector.extract %reduce_max3A_1226[15] : f32 from vector<16xf32>
      %broadcast_in_dim3A_1228 = vector.broadcast %reduce_max3A_1227 : f32 to vector<16xf32>
      %select_n3A_1229 = arith.select %eq3A_1217, %broadcast_in_dim3A_1228, %select_n3A_1106 : vector<16xi1>, vector<16xf32>
      %eq3A_1230 = arith.constant 7 : i32
      %eq3A_1231 = vector.broadcast %eq3A_1230 : i32 to vector<16xi32>
      %eq3A_1232 = arith.cmpi eq, %iota3A, %eq3A_1231 : vector<16xi32>
      %broadcast_in_dim3A_1233 = vector.broadcast %reduce_max3A_1120 : f32 to vector<16xf32>
      %select_n3A_1234 = arith.select %eq3A_1232, %broadcast_in_dim3A_1233, %select_n3A_1111 : vector<16xi1>, vector<16xf32>
      %eq3A_1235 = arith.constant 7 : i32
      %eq3A_1236 = vector.broadcast %eq3A_1235 : i32 to vector<16xi32>
      %eq3A_1237 = arith.cmpi eq, %iota3A, %eq3A_1236 : vector<16xi32>
      %broadcast_in_dim3A_1238 = vector.broadcast %reduce_min3A_1207 : i32 to vector<16xi32>
      %select_n3A_1239 = arith.select %eq3A_1237, %broadcast_in_dim3A_1238, %select_n3A_1116 : vector<16xi1>, vector<16xi32>
      %swap3A = arith.constant 0 : index
      %swap3A_1240 = tpu.vector_load %arg8[%swap3A] {strides = array<i32>} : memref<16xf32, #tpu.memory_space<vmem>>, vector<16xf32>,
      tpu.vector_store %arg8[%swap3A], %select_n3A_1234 {strides = array<i32>} : memref<16xf32, #tpu.memory_space<vmem>>, vector<16xf32>,
      %swap3A_1241 = arith.constant 0 : index
      %swap3A_1242 = tpu.vector_load %arg9[%swap3A_1241] {strides = array<i32>} : memref<16xi32, #tpu.memory_space<vmem>>, vector<16xi32>,
      tpu.vector_store %arg9[%swap3A_1241], %select_n3A_1239 {strides = array<i32>} : memref<16xi32, #tpu.memory_space<vmem>>, vector<16xi32>,
      "tpu.region"() ({
        %run_scoped3A = tpu.sem_alloc : memref<!tpu.dma_semaphore, #tpu.memory_space<semaphore_mem>>
        %dma_start3A_1244 = arith.constant 0 : i32
        %dma_start3A_1245 = tpu.memref_slice %arg4[%add3A_14, %dma_start3A_1244] : memref<64x16xf32, #tpu.memory_space<hbm>> -> memref<1x16xf32, #tpu.memory_space<hbm>>
        %dma_start3A_1246 = tpu.memref_squeeze %dma_start3A_1245 : memref<1x16xf32, #tpu.memory_space<hbm>> -> memref<16xf32, #tpu.memory_space<hbm>>
        %dma_start3A_1247 = arith.constant 0 : i32
        %dma_start3A_1248 = tpu.memref_slice %arg4[%add3A_14, %dma_start3A_1247] : memref<64x16xf32, #tpu.memory_space<hbm>> -> memref<1x16xf32, #tpu.memory_space<hbm>>
        %dma_start3A_1249 = tpu.memref_squeeze %dma_start3A_1248 : memref<1x16xf32, #tpu.memory_space<hbm>> -> memref<16xf32, #tpu.memory_space<hbm>>
        tpu.enqueue_dma source(%arg8 : memref<16xf32, #tpu.memory_space<vmem>>) target(%dma_start3A_1249 : memref<16xf32, #tpu.memory_space<hbm>>) target_semaphore(%run_scoped3A : memref<!tpu.dma_semaphore, #tpu.memory_space<semaphore_mem>>)
        %dma_wait3A_1250 = arith.constant 0 : i32
        %dma_wait3A_1251 = tpu.memref_slice %arg4[%add3A_14, %dma_wait3A_1250] : memref<64x16xf32, #tpu.memory_space<hbm>> -> memref<1x16xf32, #tpu.memory_space<hbm>>
        %dma_wait3A_1252 = tpu.memref_squeeze %dma_wait3A_1251 : memref<1x16xf32, #tpu.memory_space<hbm>> -> memref<16xf32, #tpu.memory_space<hbm>>
        %dma_wait3A_1253 = arith.constant 0 : i32
        %dma_wait3A_1254 = tpu.memref_slice %arg4[%add3A_14, %dma_wait3A_1253] : memref<64x16xf32, #tpu.memory_space<hbm>> -> memref<1x16xf32, #tpu.memory_space<hbm>>
        %dma_wait3A_1255 = tpu.memref_squeeze %dma_wait3A_1254 : memref<1x16xf32, #tpu.memory_space<hbm>> -> memref<16xf32, #tpu.memory_space<hbm>>
        tpu.wait_dma2 semaphore(%run_scoped3A : memref<!tpu.dma_semaphore, #tpu.memory_space<semaphore_mem>>) src(%arg8 : memref<16xf32, #tpu.memory_space<vmem>>) dst(%dma_wait3A_1255 : memref<16xf32, #tpu.memory_space<hbm>>)
        tpu.yield
      }) : () -> ()
      "tpu.region"() ({
        %run_scoped3A = tpu.sem_alloc : memref<!tpu.dma_semaphore, #tpu.memory_space<semaphore_mem>>
        %dma_start3A_1244 = arith.constant 0 : i32
        %dma_start3A_1245 = tpu.memref_slice %arg5[%add3A_14, %dma_start3A_1244] : memref<64x16xi32, #tpu.memory_space<hbm>> -> memref<1x16xi32, #tpu.memory_space<hbm>>
        %dma_start3A_1246 = tpu.memref_squeeze %dma_start3A_1245 : memref<1x16xi32, #tpu.memory_space<hbm>> -> memref<16xi32, #tpu.memory_space<hbm>>
        %dma_start3A_1247 = arith.constant 0 : i32
        %dma_start3A_1248 = tpu.memref_slice %arg5[%add3A_14, %dma_start3A_1247] : memref<64x16xi32, #tpu.memory_space<hbm>> -> memref<1x16xi32, #tpu.memory_space<hbm>>
        %dma_start3A_1249 = tpu.memref_squeeze %dma_start3A_1248 : memref<1x16xi32, #tpu.memory_space<hbm>> -> memref<16xi32, #tpu.memory_space<hbm>>
        tpu.enqueue_dma source(%arg9 : memref<16xi32, #tpu.memory_space<vmem>>) target(%dma_start3A_1249 : memref<16xi32, #tpu.memory_space<hbm>>) target_semaphore(%run_scoped3A : memref<!tpu.dma_semaphore, #tpu.memory_space<semaphore_mem>>)
        %dma_wait3A_1250 = arith.constant 0 : i32
        %dma_wait3A_1251 = tpu.memref_slice %arg5[%add3A_14, %dma_wait3A_1250] : memref<64x16xi32, #tpu.memory_space<hbm>> -> memref<1x16xi32, #tpu.memory_space<hbm>>
        %dma_wait3A_1252 = tpu.memref_squeeze %dma_wait3A_1251 : memref<1x16xi32, #tpu.memory_space<hbm>> -> memref<16xi32, #tpu.memory_space<hbm>>
        %dma_wait3A_1253 = arith.constant 0 : i32
        %dma_wait3A_1254 = tpu.memref_slice %arg5[%add3A_14, %dma_wait3A_1253] : memref<64x16xi32, #tpu.memory_space<hbm>> -> memref<1x16xi32, #tpu.memory_space<hbm>>
        %dma_wait3A_1255 = tpu.memref_squeeze %dma_wait3A_1254 : memref<1x16xi32, #tpu.memory_space<hbm>> -> memref<16xi32, #tpu.memory_space<hbm>>
        tpu.wait_dma2 semaphore(%run_scoped3A : memref<!tpu.dma_semaphore, #tpu.memory_space<semaphore_mem>>) src(%arg9 : memref<16xi32, #tpu.memory_space<vmem>>) dst(%dma_wait3A_1255 : memref<16xi32, #tpu.memory_space<hbm>>)
        tpu.yield
      }) : () -> ()
      %scan3A_1243 = arith.constant 0 : i32
      scf.yield %scan3A_1243 : i32
    }
    %scan3A_9 = arith.constant 2 : i32
    return
  }
}

module attributes {stable_mosaic.version = 14 : i64} {
  func.func @_tc_body(%arg0: i32, %arg1: memref<1x4x100000xf32, #tpu.memory_space<vmem>>, %arg2: memref<1x4x1xf32, #tpu.memory_space<vmem>>, %arg3: memref<1x8x512xf32, #tpu.memory_space<vmem>>, %arg4: memref<1x1x16xi32, #tpu.memory_space<vmem>>, %arg5: memref<4x100352xf32, #tpu.memory_space<vmem>>) attributes {dimension_semantics = [#tpu.dimension_semantics<arbitrary>], iteration_bounds = array<i64: 64>, scalar_prefetch = 0 : i64, scratch_operands = 1 : i64, tpu.core_type = #tpu.core_type<tc>, window_params = [{transform_indices = @transform_0, window_bounds = array<i64: 1, 4, 100000>}, {transform_indices = @transform_1, window_bounds = array<i64: 1, 4, 1>}, {transform_indices = @transform_2, window_bounds = array<i64: 1, 8, 512>}, {transform_indices = @transform_3, window_bounds = array<i64: 1, 1, 16>}]} {
    %get3A = arith.constant 0 : index
    %get3A_0 = arith.constant 0 : index
    %get3A_1 = arith.constant 0 : index
    %get3A_2 = vector.load %arg1[%get3A, %get3A_0, %get3A_1] : memref<1x4x100000xf32, #tpu.memory_space<vmem>>, vector<1x4x100000xf32>
    %get3A_3 = vector.shape_cast %get3A_2 : vector<1x4x100000xf32> to vector<4x100000xf32>
    %get3A_4 = arith.constant 0 : index
    %get3A_5 = arith.constant 0 : index
    %get3A_6 = arith.constant 0 : index
    %get3A_7 = vector.load %arg2[%get3A_4, %get3A_5, %get3A_6] : memref<1x4x1xf32, #tpu.memory_space<vmem>>, vector<1x4x1xf32>
    %get3A_8 = vector.shape_cast %get3A_7 : vector<1x4x1xf32> to vector<4x1xf32>
    %add3A = vector.broadcast %get3A_8 : vector<4x1xf32> to vector<4x100000xf32>
    %add3A_9 = arith.addf %get3A_3, %add3A : vector<4x100000xf32>
    %swap3A = arith.constant 0 : index
    %swap3A_10 = arith.constant 0 : index
    %swap3A_11 = vector.load %arg5[%swap3A, %swap3A_10] : memref<4x100352xf32, #tpu.memory_space<vmem>>, vector<4x100000xf32>
    tpu.vector_store %arg5[%swap3A, %swap3A_10], %add3A_9 {strides = array<i32>} : memref<4x100352xf32, #tpu.memory_space<vmem>>, vector<4x100000xf32>,
    %broadcast_in_dim3A = arith.constant -3.000000e+38 : f32
    %broadcast_in_dim3A_12 = vector.broadcast %broadcast_in_dim3A : f32 to vector<4x352xf32>
    %swap3A_13 = arith.constant 0 : index
    %swap3A_14 = arith.constant 100000 : index
    %swap3A_15 = vector.load %arg5[%swap3A_13, %swap3A_14] : memref<4x100352xf32, #tpu.memory_space<vmem>>, vector<4x352xf32>
    tpu.vector_store %arg5[%swap3A_13, %swap3A_14], %broadcast_in_dim3A_12 {strides = array<i32>} : memref<4x100352xf32, #tpu.memory_space<vmem>>, vector<4x352xf32>,
    %get3A_16 = arith.constant 0 : index
    %get3A_17 = arith.constant 0 : index
    %get3A_18 = vector.load %arg5[%get3A_16, %get3A_17] : memref<4x100352xf32, #tpu.memory_space<vmem>>, vector<4x100352xf32>
    %reshape3A = vector.shape_cast %get3A_18 : vector<4x100352xf32> to vector<4x196x512xf32>
    %reduce_max3A = arith.constant dense<0xFF800000> : vector<4x196xf32>
    %reduce_max3A_19 = vector.multi_reduction <maximumf>, %reshape3A, %reduce_max3A [2] : vector<4x196x512xf32> to vector<4x196xf32>
    %iota3A = tpu.iota {dimensions = array<i32: 0>} : vector<4x196xi32>
    %mul3A = arith.constant 196 : i32
    %mul3A_20 = vector.broadcast %mul3A : i32 to vector<4x196xi32>
    %mul3A_21 = arith.muli %iota3A, %mul3A_20 : vector<4x196xi32>
    %iota3A_22 = tpu.iota {dimensions = array<i32: 1>} : vector<4x196xi32>
    %add3A_23 = arith.addi %mul3A_21, %iota3A_22 : vector<4x196xi32>
    %iota3A_24 = tpu.iota {dimensions = array<i32: 0>} : vector<4x1xi32>
    %iota3A_25 = tpu.iota {dimensions = array<i32: 2>} : vector<1x1x16xi32>
    %broadcast_in_dim3A_26 = arith.constant 2147483647 : i32
    %broadcast_in_dim3A_27 = vector.broadcast %broadcast_in_dim3A_26 : i32 to vector<1x1x16xi32>
    %reduce_max3A_28 = vector.shape_cast %reduce_max3A_19 : vector<4x196xf32> to vector<1x4x196xf32>
    %reduce_max3A_29 = arith.constant dense<0xFF800000> : vector<1xf32>
    %reduce_max3A_30 = vector.multi_reduction <maximumf>, %reduce_max3A_28, %reduce_max3A_29 [1, 2] : vector<1x4x196xf32> to vector<1xf32>
    %reduce_max3A_31 = vector.shape_cast %reduce_max3A_30 : vector<1xf32> to vector<1x1x1xf32>
    %reduce_max3A_32 = vector.extract %reduce_max3A_31[0, 0, 0] : f32 from vector<1x1x1xf32>
    %eq3A = vector.broadcast %reduce_max3A_32 : f32 to vector<4x196xf32>
    %eq3A_33 = arith.cmpf oeq, %reduce_max3A_19, %eq3A : vector<4x196xf32>
    %jit3A = arith.constant 2147483647 : i32
    %broadcast_in_dim3A_34 = vector.broadcast %jit3A : i32 to vector<4x196xi32>
    %select_n3A = arith.select %eq3A_33, %add3A_23, %broadcast_in_dim3A_34 : vector<4x196xi1>, vector<4x196xi32>
    %reduce_min3A = vector.shape_cast %select_n3A : vector<4x196xi32> to vector<1x4x196xi32>
    %reduce_min3A_35 = arith.constant dense<2147483647> : vector<1xi32>
    %reduce_min3A_36 = vector.multi_reduction <minsi>, %reduce_min3A, %reduce_min3A_35 [1, 2] : vector<1x4x196xi32> to vector<1xi32>
    %reduce_min3A_37 = vector.shape_cast %reduce_min3A_36 : vector<1xi32> to vector<1x1x1xi32>
    %reduce_min3A_38 = vector.extract %reduce_min3A_37[0, 0, 0] : i32 from vector<1x1x1xi32>
    %eq3A_39 = vector.broadcast %reduce_min3A_38 : i32 to vector<4x196xi32>
    %eq3A_40 = arith.cmpi eq, %add3A_23, %eq3A_39 : vector<4x196xi32>
    %jit3A_41 = arith.constant -3.000000e+38 : f32
    %broadcast_in_dim3A_42 = vector.broadcast %jit3A_41 : f32 to vector<4x196xf32>
    %select_n3A_43 = arith.select %eq3A_40, %broadcast_in_dim3A_42, %reduce_max3A_19 : vector<4x196xi1>, vector<4x196xf32>
    %jit3A_44 = arith.constant 196 : i32
    %div3A = arith.divsi %reduce_min3A_38, %jit3A_44 : i32
    %sign3A = arith.constant 0 : i32
    %sign3A_45 = arith.cmpi sgt, %reduce_min3A_38, %sign3A : i32
    %sign3A_46 = arith.extui %sign3A_45 : i1 to i32
    %sign3A_47 = arith.constant 0 : i32
    %sign3A_48 = arith.cmpi slt, %reduce_min3A_38, %sign3A_47 : i32
    %sign3A_49 = arith.extui %sign3A_48 : i1 to i32
    %sign3A_50 = arith.subi %sign3A_46, %sign3A_49 : i32
    %sign3A_51 = arith.constant 0 : i32
    %sign3A_52 = arith.cmpi sgt, %jit3A_44, %sign3A_51 : i32
    %sign3A_53 = arith.extui %sign3A_52 : i1 to i32
    %sign3A_54 = arith.constant 0 : i32
    %sign3A_55 = arith.cmpi slt, %jit3A_44, %sign3A_54 : i32
    %sign3A_56 = arith.extui %sign3A_55 : i1 to i32
    %sign3A_57 = arith.subi %sign3A_53, %sign3A_56 : i32
    %ne3A = arith.cmpi ne, %sign3A_50, %sign3A_57 : i32
    %rem3A = arith.remsi %reduce_min3A_38, %jit3A_44 : i32
    %ne3A_58 = arith.constant 0 : i32
    %ne3A_59 = arith.cmpi ne, %rem3A, %ne3A_58 : i32
    %and3A = arith.andi %ne3A, %ne3A_59 : i1
    %sub3A = arith.constant 1 : i32
    %sub3A_60 = arith.subi %div3A, %sub3A : i32
    %select_n3A_61 = arith.select %and3A, %sub3A_60, %div3A : i32
    %jit3A_62 = arith.constant 196 : i32
    %eq3A_63 = arith.constant 0 : i32
    %eq3A_64 = arith.cmpi eq, %jit3A_62, %eq3A_63 : i32
    %jit3A_65 = arith.constant 1 : i32
    %select_n3A_66 = arith.select %eq3A_64, %jit3A_65, %jit3A_62 : i32
    %rem3A_67 = arith.remsi %reduce_min3A_38, %select_n3A_66 : i32
    %ne3A_68 = arith.constant 0 : i32
    %ne3A_69 = arith.cmpi ne, %rem3A_67, %ne3A_68 : i32
    %lt3A = arith.constant 0 : i32
    %lt3A_70 = arith.cmpi slt, %rem3A_67, %lt3A : i32
    %lt3A_71 = arith.constant 0 : i32
    %lt3A_72 = arith.cmpi slt, %select_n3A_66, %lt3A_71 : i32
    %ne3A_73 = arith.xori %lt3A_70, %lt3A_72 : i1
    %and3A_74 = arith.andi %ne3A_73, %ne3A_69 : i1
    %add3A_75 = arith.addi %rem3A_67, %select_n3A_66 : i32
    %select_n3A_76 = arith.select %and3A_74, %add3A_75, %rem3A_67 : i32
    %mul3A_77 = arith.constant 512 : i32
    %mul3A_78 = arith.muli %select_n3A_76, %mul3A_77 : i32
    %get3A_79 = arith.constant 0 : index
    %get3A_80 = arith.index_cast %mul3A_78 : i32 to index
    %get3A_81 = vector.load %arg5[%get3A_79, %get3A_80] : memref<4x100352xf32, #tpu.memory_space<vmem>>, vector<4x512xf32>
    %eq3A_82 = vector.broadcast %select_n3A_61 : i32 to vector<4x1xi32>
    %eq3A_83 = arith.cmpi eq, %iota3A_24, %eq3A_82 : vector<4x1xi32>
    %jit3A_84 = arith.constant -3.000000e+38 : f32
    %broadcast_in_dim3A_85 = vector.shape_cast %eq3A_83 : vector<4x1xi1> to vector<4x1xi1>
    %broadcast_in_dim3A_86 = vector.broadcast %broadcast_in_dim3A_85 : vector<4x1xi1> to vector<4x512xi1>
    %broadcast_in_dim3A_87 = vector.broadcast %jit3A_84 : f32 to vector<4x512xf32>
    %select_n3A_88 = arith.select %broadcast_in_dim3A_86, %get3A_81, %broadcast_in_dim3A_87 : vector<4x512xi1>, vector<4x512xf32>
    %reduce_max3A_89 = arith.constant dense<0xFF800000> : vector<512xf32>
    %reduce_max3A_90 = vector.multi_reduction <maximumf>, %select_n3A_88, %reduce_max3A_89 [0] : vector<4x512xf32> to vector<512xf32>
    %swap3A_91 = arith.constant 0 : index
    %swap3A_92 = arith.constant 0 : index
    %swap3A_93 = arith.constant 0 : index
    %swap3A_94 = vector.load %arg3[%swap3A_91, %swap3A_92, %swap3A_93] : memref<1x8x512xf32, #tpu.memory_space<vmem>>, vector<1x1x512xf32>
    %swap3A_95 = vector.shape_cast %swap3A_94 : vector<1x1x512xf32> to vector<512xf32>
    %swap3A_96 = vector.shape_cast %reduce_max3A_90 : vector<512xf32> to vector<1x1x512xf32>
    tpu.vector_store %arg3[%swap3A_91, %swap3A_92, %swap3A_93], %swap3A_96 {strides = array<i32>} : memref<1x8x512xf32, #tpu.memory_space<vmem>>, vector<1x1x512xf32>,
    %eq3A_97 = arith.constant 0 : i32
    %eq3A_98 = vector.broadcast %eq3A_97 : i32 to vector<1x1x16xi32>
    %eq3A_99 = arith.cmpi eq, %iota3A_25, %eq3A_98 : vector<1x1x16xi32>
    %broadcast_in_dim3A_100 = vector.broadcast %reduce_min3A_38 : i32 to vector<1x1x16xi32>
    %select_n3A_101 = arith.select %eq3A_99, %broadcast_in_dim3A_100, %broadcast_in_dim3A_27 : vector<1x1x16xi1>, vector<1x1x16xi32>
    %reduce_max3A_102 = vector.shape_cast %select_n3A_43 : vector<4x196xf32> to vector<1x4x196xf32>
    %reduce_max3A_103 = arith.constant dense<0xFF800000> : vector<1xf32>
    %reduce_max3A_104 = vector.multi_reduction <maximumf>, %reduce_max3A_102, %reduce_max3A_103 [1, 2] : vector<1x4x196xf32> to vector<1xf32>
    %reduce_max3A_105 = vector.shape_cast %reduce_max3A_104 : vector<1xf32> to vector<1x1x1xf32>
    %reduce_max3A_106 = vector.extract %reduce_max3A_105[0, 0, 0] : f32 from vector<1x1x1xf32>
    %eq3A_107 = vector.broadcast %reduce_max3A_106 : f32 to vector<4x196xf32>
    %eq3A_108 = arith.cmpf oeq, %select_n3A_43, %eq3A_107 : vector<4x196xf32>
    %jit3A_109 = arith.constant 2147483647 : i32
    %broadcast_in_dim3A_110 = vector.broadcast %jit3A_109 : i32 to vector<4x196xi32>
    %select_n3A_111 = arith.select %eq3A_108, %add3A_23, %broadcast_in_dim3A_110 : vector<4x196xi1>, vector<4x196xi32>
    %reduce_min3A_112 = vector.shape_cast %select_n3A_111 : vector<4x196xi32> to vector<1x4x196xi32>
    %reduce_min3A_113 = arith.constant dense<2147483647> : vector<1xi32>
    %reduce_min3A_114 = vector.multi_reduction <minsi>, %reduce_min3A_112, %reduce_min3A_113 [1, 2] : vector<1x4x196xi32> to vector<1xi32>
    %reduce_min3A_115 = vector.shape_cast %reduce_min3A_114 : vector<1xi32> to vector<1x1x1xi32>
    %reduce_min3A_116 = vector.extract %reduce_min3A_115[0, 0, 0] : i32 from vector<1x1x1xi32>
    %eq3A_117 = vector.broadcast %reduce_min3A_116 : i32 to vector<4x196xi32>
    %eq3A_118 = arith.cmpi eq, %add3A_23, %eq3A_117 : vector<4x196xi32>
    %jit3A_119 = arith.constant -3.000000e+38 : f32
    %broadcast_in_dim3A_120 = vector.broadcast %jit3A_119 : f32 to vector<4x196xf32>
    %select_n3A_121 = arith.select %eq3A_118, %broadcast_in_dim3A_120, %select_n3A_43 : vector<4x196xi1>, vector<4x196xf32>
    %jit3A_122 = arith.constant 196 : i32
    %div3A_123 = arith.divsi %reduce_min3A_116, %jit3A_122 : i32
    %sign3A_124 = arith.constant 0 : i32
    %sign3A_125 = arith.cmpi sgt, %reduce_min3A_116, %sign3A_124 : i32
    %sign3A_126 = arith.extui %sign3A_125 : i1 to i32
    %sign3A_127 = arith.constant 0 : i32
    %sign3A_128 = arith.cmpi slt, %reduce_min3A_116, %sign3A_127 : i32
    %sign3A_129 = arith.extui %sign3A_128 : i1 to i32
    %sign3A_130 = arith.subi %sign3A_126, %sign3A_129 : i32
    %sign3A_131 = arith.constant 0 : i32
    %sign3A_132 = arith.cmpi sgt, %jit3A_122, %sign3A_131 : i32
    %sign3A_133 = arith.extui %sign3A_132 : i1 to i32
    %sign3A_134 = arith.constant 0 : i32
    %sign3A_135 = arith.cmpi slt, %jit3A_122, %sign3A_134 : i32
    %sign3A_136 = arith.extui %sign3A_135 : i1 to i32
    %sign3A_137 = arith.subi %sign3A_133, %sign3A_136 : i32
    %ne3A_138 = arith.cmpi ne, %sign3A_130, %sign3A_137 : i32
    %rem3A_139 = arith.remsi %reduce_min3A_116, %jit3A_122 : i32
    %ne3A_140 = arith.constant 0 : i32
    %ne3A_141 = arith.cmpi ne, %rem3A_139, %ne3A_140 : i32
    %and3A_142 = arith.andi %ne3A_138, %ne3A_141 : i1
    %sub3A_143 = arith.constant 1 : i32
    %sub3A_144 = arith.subi %div3A_123, %sub3A_143 : i32
    %select_n3A_145 = arith.select %and3A_142, %sub3A_144, %div3A_123 : i32
    %jit3A_146 = arith.constant 196 : i32
    %eq3A_147 = arith.constant 0 : i32
    %eq3A_148 = arith.cmpi eq, %jit3A_146, %eq3A_147 : i32
    %jit3A_149 = arith.constant 1 : i32
    %select_n3A_150 = arith.select %eq3A_148, %jit3A_149, %jit3A_146 : i32
    %rem3A_151 = arith.remsi %reduce_min3A_116, %select_n3A_150 : i32
    %ne3A_152 = arith.constant 0 : i32
    %ne3A_153 = arith.cmpi ne, %rem3A_151, %ne3A_152 : i32
    %lt3A_154 = arith.constant 0 : i32
    %lt3A_155 = arith.cmpi slt, %rem3A_151, %lt3A_154 : i32
    %lt3A_156 = arith.constant 0 : i32
    %lt3A_157 = arith.cmpi slt, %select_n3A_150, %lt3A_156 : i32
    %ne3A_158 = arith.xori %lt3A_155, %lt3A_157 : i1
    %and3A_159 = arith.andi %ne3A_158, %ne3A_153 : i1
    %add3A_160 = arith.addi %rem3A_151, %select_n3A_150 : i32
    %select_n3A_161 = arith.select %and3A_159, %add3A_160, %rem3A_151 : i32
    %mul3A_162 = arith.constant 512 : i32
    %mul3A_163 = arith.muli %select_n3A_161, %mul3A_162 : i32
    %get3A_164 = arith.constant 0 : index
    %get3A_165 = arith.index_cast %mul3A_163 : i32 to index
    %get3A_166 = vector.load %arg5[%get3A_164, %get3A_165] : memref<4x100352xf32, #tpu.memory_space<vmem>>, vector<4x512xf32>
    %eq3A_167 = vector.broadcast %select_n3A_145 : i32 to vector<4x1xi32>
    %eq3A_168 = arith.cmpi eq, %iota3A_24, %eq3A_167 : vector<4x1xi32>
    %jit3A_169 = arith.constant -3.000000e+38 : f32
    %broadcast_in_dim3A_170 = vector.shape_cast %eq3A_168 : vector<4x1xi1> to vector<4x1xi1>
    %broadcast_in_dim3A_171 = vector.broadcast %broadcast_in_dim3A_170 : vector<4x1xi1> to vector<4x512xi1>
    %broadcast_in_dim3A_172 = vector.broadcast %jit3A_169 : f32 to vector<4x512xf32>
    %select_n3A_173 = arith.select %broadcast_in_dim3A_171, %get3A_166, %broadcast_in_dim3A_172 : vector<4x512xi1>, vector<4x512xf32>
    %reduce_max3A_174 = arith.constant dense<0xFF800000> : vector<512xf32>
    %reduce_max3A_175 = vector.multi_reduction <maximumf>, %select_n3A_173, %reduce_max3A_174 [0] : vector<4x512xf32> to vector<512xf32>
    %swap3A_176 = arith.constant 0 : index
    %swap3A_177 = arith.constant 1 : index
    %swap3A_178 = arith.constant 0 : index
    %swap3A_179 = vector.load %arg3[%swap3A_176, %swap3A_177, %swap3A_178] : memref<1x8x512xf32, #tpu.memory_space<vmem>>, vector<1x1x512xf32>
    %swap3A_180 = vector.shape_cast %swap3A_179 : vector<1x1x512xf32> to vector<512xf32>
    %swap3A_181 = vector.shape_cast %reduce_max3A_175 : vector<512xf32> to vector<1x1x512xf32>
    tpu.vector_store %arg3[%swap3A_176, %swap3A_177, %swap3A_178], %swap3A_181 {strides = array<i32>} : memref<1x8x512xf32, #tpu.memory_space<vmem>>, vector<1x1x512xf32>,
    %eq3A_182 = arith.constant 1 : i32
    %eq3A_183 = vector.broadcast %eq3A_182 : i32 to vector<1x1x16xi32>
    %eq3A_184 = arith.cmpi eq, %iota3A_25, %eq3A_183 : vector<1x1x16xi32>
    %broadcast_in_dim3A_185 = vector.broadcast %reduce_min3A_116 : i32 to vector<1x1x16xi32>
    %select_n3A_186 = arith.select %eq3A_184, %broadcast_in_dim3A_185, %select_n3A_101 : vector<1x1x16xi1>, vector<1x1x16xi32>
    %reduce_max3A_187 = vector.shape_cast %select_n3A_121 : vector<4x196xf32> to vector<1x4x196xf32>
    %reduce_max3A_188 = arith.constant dense<0xFF800000> : vector<1xf32>
    %reduce_max3A_189 = vector.multi_reduction <maximumf>, %reduce_max3A_187, %reduce_max3A_188 [1, 2] : vector<1x4x196xf32> to vector<1xf32>
    %reduce_max3A_190 = vector.shape_cast %reduce_max3A_189 : vector<1xf32> to vector<1x1x1xf32>
    %reduce_max3A_191 = vector.extract %reduce_max3A_190[0, 0, 0] : f32 from vector<1x1x1xf32>
    %eq3A_192 = vector.broadcast %reduce_max3A_191 : f32 to vector<4x196xf32>
    %eq3A_193 = arith.cmpf oeq, %select_n3A_121, %eq3A_192 : vector<4x196xf32>
    %jit3A_194 = arith.constant 2147483647 : i32
    %broadcast_in_dim3A_195 = vector.broadcast %jit3A_194 : i32 to vector<4x196xi32>
    %select_n3A_196 = arith.select %eq3A_193, %add3A_23, %broadcast_in_dim3A_195 : vector<4x196xi1>, vector<4x196xi32>
    %reduce_min3A_197 = vector.shape_cast %select_n3A_196 : vector<4x196xi32> to vector<1x4x196xi32>
    %reduce_min3A_198 = arith.constant dense<2147483647> : vector<1xi32>
    %reduce_min3A_199 = vector.multi_reduction <minsi>, %reduce_min3A_197, %reduce_min3A_198 [1, 2] : vector<1x4x196xi32> to vector<1xi32>
    %reduce_min3A_200 = vector.shape_cast %reduce_min3A_199 : vector<1xi32> to vector<1x1x1xi32>
    %reduce_min3A_201 = vector.extract %reduce_min3A_200[0, 0, 0] : i32 from vector<1x1x1xi32>
    %eq3A_202 = vector.broadcast %reduce_min3A_201 : i32 to vector<4x196xi32>
    %eq3A_203 = arith.cmpi eq, %add3A_23, %eq3A_202 : vector<4x196xi32>
    %jit3A_204 = arith.constant -3.000000e+38 : f32
    %broadcast_in_dim3A_205 = vector.broadcast %jit3A_204 : f32 to vector<4x196xf32>
    %select_n3A_206 = arith.select %eq3A_203, %broadcast_in_dim3A_205, %select_n3A_121 : vector<4x196xi1>, vector<4x196xf32>
    %jit3A_207 = arith.constant 196 : i32
    %div3A_208 = arith.divsi %reduce_min3A_201, %jit3A_207 : i32
    %sign3A_209 = arith.constant 0 : i32
    %sign3A_210 = arith.cmpi sgt, %reduce_min3A_201, %sign3A_209 : i32
    %sign3A_211 = arith.extui %sign3A_210 : i1 to i32
    %sign3A_212 = arith.constant 0 : i32
    %sign3A_213 = arith.cmpi slt, %reduce_min3A_201, %sign3A_212 : i32
    %sign3A_214 = arith.extui %sign3A_213 : i1 to i32
    %sign3A_215 = arith.subi %sign3A_211, %sign3A_214 : i32
    %sign3A_216 = arith.constant 0 : i32
    %sign3A_217 = arith.cmpi sgt, %jit3A_207, %sign3A_216 : i32
    %sign3A_218 = arith.extui %sign3A_217 : i1 to i32
    %sign3A_219 = arith.constant 0 : i32
    %sign3A_220 = arith.cmpi slt, %jit3A_207, %sign3A_219 : i32
    %sign3A_221 = arith.extui %sign3A_220 : i1 to i32
    %sign3A_222 = arith.subi %sign3A_218, %sign3A_221 : i32
    %ne3A_223 = arith.cmpi ne, %sign3A_215, %sign3A_222 : i32
    %rem3A_224 = arith.remsi %reduce_min3A_201, %jit3A_207 : i32
    %ne3A_225 = arith.constant 0 : i32
    %ne3A_226 = arith.cmpi ne, %rem3A_224, %ne3A_225 : i32
    %and3A_227 = arith.andi %ne3A_223, %ne3A_226 : i1
    %sub3A_228 = arith.constant 1 : i32
    %sub3A_229 = arith.subi %div3A_208, %sub3A_228 : i32
    %select_n3A_230 = arith.select %and3A_227, %sub3A_229, %div3A_208 : i32
    %jit3A_231 = arith.constant 196 : i32
    %eq3A_232 = arith.constant 0 : i32
    %eq3A_233 = arith.cmpi eq, %jit3A_231, %eq3A_232 : i32
    %jit3A_234 = arith.constant 1 : i32
    %select_n3A_235 = arith.select %eq3A_233, %jit3A_234, %jit3A_231 : i32
    %rem3A_236 = arith.remsi %reduce_min3A_201, %select_n3A_235 : i32
    %ne3A_237 = arith.constant 0 : i32
    %ne3A_238 = arith.cmpi ne, %rem3A_236, %ne3A_237 : i32
    %lt3A_239 = arith.constant 0 : i32
    %lt3A_240 = arith.cmpi slt, %rem3A_236, %lt3A_239 : i32
    %lt3A_241 = arith.constant 0 : i32
    %lt3A_242 = arith.cmpi slt, %select_n3A_235, %lt3A_241 : i32
    %ne3A_243 = arith.xori %lt3A_240, %lt3A_242 : i1
    %and3A_244 = arith.andi %ne3A_243, %ne3A_238 : i1
    %add3A_245 = arith.addi %rem3A_236, %select_n3A_235 : i32
    %select_n3A_246 = arith.select %and3A_244, %add3A_245, %rem3A_236 : i32
    %mul3A_247 = arith.constant 512 : i32
    %mul3A_248 = arith.muli %select_n3A_246, %mul3A_247 : i32
    %get3A_249 = arith.constant 0 : index
    %get3A_250 = arith.index_cast %mul3A_248 : i32 to index
    %get3A_251 = vector.load %arg5[%get3A_249, %get3A_250] : memref<4x100352xf32, #tpu.memory_space<vmem>>, vector<4x512xf32>
    %eq3A_252 = vector.broadcast %select_n3A_230 : i32 to vector<4x1xi32>
    %eq3A_253 = arith.cmpi eq, %iota3A_24, %eq3A_252 : vector<4x1xi32>
    %jit3A_254 = arith.constant -3.000000e+38 : f32
    %broadcast_in_dim3A_255 = vector.shape_cast %eq3A_253 : vector<4x1xi1> to vector<4x1xi1>
    %broadcast_in_dim3A_256 = vector.broadcast %broadcast_in_dim3A_255 : vector<4x1xi1> to vector<4x512xi1>
    %broadcast_in_dim3A_257 = vector.broadcast %jit3A_254 : f32 to vector<4x512xf32>
    %select_n3A_258 = arith.select %broadcast_in_dim3A_256, %get3A_251, %broadcast_in_dim3A_257 : vector<4x512xi1>, vector<4x512xf32>
    %reduce_max3A_259 = arith.constant dense<0xFF800000> : vector<512xf32>
    %reduce_max3A_260 = vector.multi_reduction <maximumf>, %select_n3A_258, %reduce_max3A_259 [0] : vector<4x512xf32> to vector<512xf32>
    %swap3A_261 = arith.constant 0 : index
    %swap3A_262 = arith.constant 2 : index
    %swap3A_263 = arith.constant 0 : index
    %swap3A_264 = vector.load %arg3[%swap3A_261, %swap3A_262, %swap3A_263] : memref<1x8x512xf32, #tpu.memory_space<vmem>>, vector<1x1x512xf32>
    %swap3A_265 = vector.shape_cast %swap3A_264 : vector<1x1x512xf32> to vector<512xf32>
    %swap3A_266 = vector.shape_cast %reduce_max3A_260 : vector<512xf32> to vector<1x1x512xf32>
    tpu.vector_store %arg3[%swap3A_261, %swap3A_262, %swap3A_263], %swap3A_266 {strides = array<i32>} : memref<1x8x512xf32, #tpu.memory_space<vmem>>, vector<1x1x512xf32>,
    %eq3A_267 = arith.constant 2 : i32
    %eq3A_268 = vector.broadcast %eq3A_267 : i32 to vector<1x1x16xi32>
    %eq3A_269 = arith.cmpi eq, %iota3A_25, %eq3A_268 : vector<1x1x16xi32>
    %broadcast_in_dim3A_270 = vector.broadcast %reduce_min3A_201 : i32 to vector<1x1x16xi32>
    %select_n3A_271 = arith.select %eq3A_269, %broadcast_in_dim3A_270, %select_n3A_186 : vector<1x1x16xi1>, vector<1x1x16xi32>
    %reduce_max3A_272 = vector.shape_cast %select_n3A_206 : vector<4x196xf32> to vector<1x4x196xf32>
    %reduce_max3A_273 = arith.constant dense<0xFF800000> : vector<1xf32>
    %reduce_max3A_274 = vector.multi_reduction <maximumf>, %reduce_max3A_272, %reduce_max3A_273 [1, 2] : vector<1x4x196xf32> to vector<1xf32>
    %reduce_max3A_275 = vector.shape_cast %reduce_max3A_274 : vector<1xf32> to vector<1x1x1xf32>
    %reduce_max3A_276 = vector.extract %reduce_max3A_275[0, 0, 0] : f32 from vector<1x1x1xf32>
    %eq3A_277 = vector.broadcast %reduce_max3A_276 : f32 to vector<4x196xf32>
    %eq3A_278 = arith.cmpf oeq, %select_n3A_206, %eq3A_277 : vector<4x196xf32>
    %jit3A_279 = arith.constant 2147483647 : i32
    %broadcast_in_dim3A_280 = vector.broadcast %jit3A_279 : i32 to vector<4x196xi32>
    %select_n3A_281 = arith.select %eq3A_278, %add3A_23, %broadcast_in_dim3A_280 : vector<4x196xi1>, vector<4x196xi32>
    %reduce_min3A_282 = vector.shape_cast %select_n3A_281 : vector<4x196xi32> to vector<1x4x196xi32>
    %reduce_min3A_283 = arith.constant dense<2147483647> : vector<1xi32>
    %reduce_min3A_284 = vector.multi_reduction <minsi>, %reduce_min3A_282, %reduce_min3A_283 [1, 2] : vector<1x4x196xi32> to vector<1xi32>
    %reduce_min3A_285 = vector.shape_cast %reduce_min3A_284 : vector<1xi32> to vector<1x1x1xi32>
    %reduce_min3A_286 = vector.extract %reduce_min3A_285[0, 0, 0] : i32 from vector<1x1x1xi32>
    %eq3A_287 = vector.broadcast %reduce_min3A_286 : i32 to vector<4x196xi32>
    %eq3A_288 = arith.cmpi eq, %add3A_23, %eq3A_287 : vector<4x196xi32>
    %jit3A_289 = arith.constant -3.000000e+38 : f32
    %broadcast_in_dim3A_290 = vector.broadcast %jit3A_289 : f32 to vector<4x196xf32>
    %select_n3A_291 = arith.select %eq3A_288, %broadcast_in_dim3A_290, %select_n3A_206 : vector<4x196xi1>, vector<4x196xf32>
    %jit3A_292 = arith.constant 196 : i32
    %div3A_293 = arith.divsi %reduce_min3A_286, %jit3A_292 : i32
    %sign3A_294 = arith.constant 0 : i32
    %sign3A_295 = arith.cmpi sgt, %reduce_min3A_286, %sign3A_294 : i32
    %sign3A_296 = arith.extui %sign3A_295 : i1 to i32
    %sign3A_297 = arith.constant 0 : i32
    %sign3A_298 = arith.cmpi slt, %reduce_min3A_286, %sign3A_297 : i32
    %sign3A_299 = arith.extui %sign3A_298 : i1 to i32
    %sign3A_300 = arith.subi %sign3A_296, %sign3A_299 : i32
    %sign3A_301 = arith.constant 0 : i32
    %sign3A_302 = arith.cmpi sgt, %jit3A_292, %sign3A_301 : i32
    %sign3A_303 = arith.extui %sign3A_302 : i1 to i32
    %sign3A_304 = arith.constant 0 : i32
    %sign3A_305 = arith.cmpi slt, %jit3A_292, %sign3A_304 : i32
    %sign3A_306 = arith.extui %sign3A_305 : i1 to i32
    %sign3A_307 = arith.subi %sign3A_303, %sign3A_306 : i32
    %ne3A_308 = arith.cmpi ne, %sign3A_300, %sign3A_307 : i32
    %rem3A_309 = arith.remsi %reduce_min3A_286, %jit3A_292 : i32
    %ne3A_310 = arith.constant 0 : i32
    %ne3A_311 = arith.cmpi ne, %rem3A_309, %ne3A_310 : i32
    %and3A_312 = arith.andi %ne3A_308, %ne3A_311 : i1
    %sub3A_313 = arith.constant 1 : i32
    %sub3A_314 = arith.subi %div3A_293, %sub3A_313 : i32
    %select_n3A_315 = arith.select %and3A_312, %sub3A_314, %div3A_293 : i32
    %jit3A_316 = arith.constant 196 : i32
    %eq3A_317 = arith.constant 0 : i32
    %eq3A_318 = arith.cmpi eq, %jit3A_316, %eq3A_317 : i32
    %jit3A_319 = arith.constant 1 : i32
    %select_n3A_320 = arith.select %eq3A_318, %jit3A_319, %jit3A_316 : i32
    %rem3A_321 = arith.remsi %reduce_min3A_286, %select_n3A_320 : i32
    %ne3A_322 = arith.constant 0 : i32
    %ne3A_323 = arith.cmpi ne, %rem3A_321, %ne3A_322 : i32
    %lt3A_324 = arith.constant 0 : i32
    %lt3A_325 = arith.cmpi slt, %rem3A_321, %lt3A_324 : i32
    %lt3A_326 = arith.constant 0 : i32
    %lt3A_327 = arith.cmpi slt, %select_n3A_320, %lt3A_326 : i32
    %ne3A_328 = arith.xori %lt3A_325, %lt3A_327 : i1
    %and3A_329 = arith.andi %ne3A_328, %ne3A_323 : i1
    %add3A_330 = arith.addi %rem3A_321, %select_n3A_320 : i32
    %select_n3A_331 = arith.select %and3A_329, %add3A_330, %rem3A_321 : i32
    %mul3A_332 = arith.constant 512 : i32
    %mul3A_333 = arith.muli %select_n3A_331, %mul3A_332 : i32
    %get3A_334 = arith.constant 0 : index
    %get3A_335 = arith.index_cast %mul3A_333 : i32 to index
    %get3A_336 = vector.load %arg5[%get3A_334, %get3A_335] : memref<4x100352xf32, #tpu.memory_space<vmem>>, vector<4x512xf32>
    %eq3A_337 = vector.broadcast %select_n3A_315 : i32 to vector<4x1xi32>
    %eq3A_338 = arith.cmpi eq, %iota3A_24, %eq3A_337 : vector<4x1xi32>
    %jit3A_339 = arith.constant -3.000000e+38 : f32
    %broadcast_in_dim3A_340 = vector.shape_cast %eq3A_338 : vector<4x1xi1> to vector<4x1xi1>
    %broadcast_in_dim3A_341 = vector.broadcast %broadcast_in_dim3A_340 : vector<4x1xi1> to vector<4x512xi1>
    %broadcast_in_dim3A_342 = vector.broadcast %jit3A_339 : f32 to vector<4x512xf32>
    %select_n3A_343 = arith.select %broadcast_in_dim3A_341, %get3A_336, %broadcast_in_dim3A_342 : vector<4x512xi1>, vector<4x512xf32>
    %reduce_max3A_344 = arith.constant dense<0xFF800000> : vector<512xf32>
    %reduce_max3A_345 = vector.multi_reduction <maximumf>, %select_n3A_343, %reduce_max3A_344 [0] : vector<4x512xf32> to vector<512xf32>
    %swap3A_346 = arith.constant 0 : index
    %swap3A_347 = arith.constant 3 : index
    %swap3A_348 = arith.constant 0 : index
    %swap3A_349 = vector.load %arg3[%swap3A_346, %swap3A_347, %swap3A_348] : memref<1x8x512xf32, #tpu.memory_space<vmem>>, vector<1x1x512xf32>
    %swap3A_350 = vector.shape_cast %swap3A_349 : vector<1x1x512xf32> to vector<512xf32>
    %swap3A_351 = vector.shape_cast %reduce_max3A_345 : vector<512xf32> to vector<1x1x512xf32>
    tpu.vector_store %arg3[%swap3A_346, %swap3A_347, %swap3A_348], %swap3A_351 {strides = array<i32>} : memref<1x8x512xf32, #tpu.memory_space<vmem>>, vector<1x1x512xf32>,
    %eq3A_352 = arith.constant 3 : i32
    %eq3A_353 = vector.broadcast %eq3A_352 : i32 to vector<1x1x16xi32>
    %eq3A_354 = arith.cmpi eq, %iota3A_25, %eq3A_353 : vector<1x1x16xi32>
    %broadcast_in_dim3A_355 = vector.broadcast %reduce_min3A_286 : i32 to vector<1x1x16xi32>
    %select_n3A_356 = arith.select %eq3A_354, %broadcast_in_dim3A_355, %select_n3A_271 : vector<1x1x16xi1>, vector<1x1x16xi32>
    %reduce_max3A_357 = vector.shape_cast %select_n3A_291 : vector<4x196xf32> to vector<1x4x196xf32>
    %reduce_max3A_358 = arith.constant dense<0xFF800000> : vector<1xf32>
    %reduce_max3A_359 = vector.multi_reduction <maximumf>, %reduce_max3A_357, %reduce_max3A_358 [1, 2] : vector<1x4x196xf32> to vector<1xf32>
    %reduce_max3A_360 = vector.shape_cast %reduce_max3A_359 : vector<1xf32> to vector<1x1x1xf32>
    %reduce_max3A_361 = vector.extract %reduce_max3A_360[0, 0, 0] : f32 from vector<1x1x1xf32>
    %eq3A_362 = vector.broadcast %reduce_max3A_361 : f32 to vector<4x196xf32>
    %eq3A_363 = arith.cmpf oeq, %select_n3A_291, %eq3A_362 : vector<4x196xf32>
    %jit3A_364 = arith.constant 2147483647 : i32
    %broadcast_in_dim3A_365 = vector.broadcast %jit3A_364 : i32 to vector<4x196xi32>
    %select_n3A_366 = arith.select %eq3A_363, %add3A_23, %broadcast_in_dim3A_365 : vector<4x196xi1>, vector<4x196xi32>
    %reduce_min3A_367 = vector.shape_cast %select_n3A_366 : vector<4x196xi32> to vector<1x4x196xi32>
    %reduce_min3A_368 = arith.constant dense<2147483647> : vector<1xi32>
    %reduce_min3A_369 = vector.multi_reduction <minsi>, %reduce_min3A_367, %reduce_min3A_368 [1, 2] : vector<1x4x196xi32> to vector<1xi32>
    %reduce_min3A_370 = vector.shape_cast %reduce_min3A_369 : vector<1xi32> to vector<1x1x1xi32>
    %reduce_min3A_371 = vector.extract %reduce_min3A_370[0, 0, 0] : i32 from vector<1x1x1xi32>
    %eq3A_372 = vector.broadcast %reduce_min3A_371 : i32 to vector<4x196xi32>
    %eq3A_373 = arith.cmpi eq, %add3A_23, %eq3A_372 : vector<4x196xi32>
    %jit3A_374 = arith.constant -3.000000e+38 : f32
    %broadcast_in_dim3A_375 = vector.broadcast %jit3A_374 : f32 to vector<4x196xf32>
    %select_n3A_376 = arith.select %eq3A_373, %broadcast_in_dim3A_375, %select_n3A_291 : vector<4x196xi1>, vector<4x196xf32>
    %jit3A_377 = arith.constant 196 : i32
    %div3A_378 = arith.divsi %reduce_min3A_371, %jit3A_377 : i32
    %sign3A_379 = arith.constant 0 : i32
    %sign3A_380 = arith.cmpi sgt, %reduce_min3A_371, %sign3A_379 : i32
    %sign3A_381 = arith.extui %sign3A_380 : i1 to i32
    %sign3A_382 = arith.constant 0 : i32
    %sign3A_383 = arith.cmpi slt, %reduce_min3A_371, %sign3A_382 : i32
    %sign3A_384 = arith.extui %sign3A_383 : i1 to i32
    %sign3A_385 = arith.subi %sign3A_381, %sign3A_384 : i32
    %sign3A_386 = arith.constant 0 : i32
    %sign3A_387 = arith.cmpi sgt, %jit3A_377, %sign3A_386 : i32
    %sign3A_388 = arith.extui %sign3A_387 : i1 to i32
    %sign3A_389 = arith.constant 0 : i32
    %sign3A_390 = arith.cmpi slt, %jit3A_377, %sign3A_389 : i32
    %sign3A_391 = arith.extui %sign3A_390 : i1 to i32
    %sign3A_392 = arith.subi %sign3A_388, %sign3A_391 : i32
    %ne3A_393 = arith.cmpi ne, %sign3A_385, %sign3A_392 : i32
    %rem3A_394 = arith.remsi %reduce_min3A_371, %jit3A_377 : i32
    %ne3A_395 = arith.constant 0 : i32
    %ne3A_396 = arith.cmpi ne, %rem3A_394, %ne3A_395 : i32
    %and3A_397 = arith.andi %ne3A_393, %ne3A_396 : i1
    %sub3A_398 = arith.constant 1 : i32
    %sub3A_399 = arith.subi %div3A_378, %sub3A_398 : i32
    %select_n3A_400 = arith.select %and3A_397, %sub3A_399, %div3A_378 : i32
    %jit3A_401 = arith.constant 196 : i32
    %eq3A_402 = arith.constant 0 : i32
    %eq3A_403 = arith.cmpi eq, %jit3A_401, %eq3A_402 : i32
    %jit3A_404 = arith.constant 1 : i32
    %select_n3A_405 = arith.select %eq3A_403, %jit3A_404, %jit3A_401 : i32
    %rem3A_406 = arith.remsi %reduce_min3A_371, %select_n3A_405 : i32
    %ne3A_407 = arith.constant 0 : i32
    %ne3A_408 = arith.cmpi ne, %rem3A_406, %ne3A_407 : i32
    %lt3A_409 = arith.constant 0 : i32
    %lt3A_410 = arith.cmpi slt, %rem3A_406, %lt3A_409 : i32
    %lt3A_411 = arith.constant 0 : i32
    %lt3A_412 = arith.cmpi slt, %select_n3A_405, %lt3A_411 : i32
    %ne3A_413 = arith.xori %lt3A_410, %lt3A_412 : i1
    %and3A_414 = arith.andi %ne3A_413, %ne3A_408 : i1
    %add3A_415 = arith.addi %rem3A_406, %select_n3A_405 : i32
    %select_n3A_416 = arith.select %and3A_414, %add3A_415, %rem3A_406 : i32
    %mul3A_417 = arith.constant 512 : i32
    %mul3A_418 = arith.muli %select_n3A_416, %mul3A_417 : i32
    %get3A_419 = arith.constant 0 : index
    %get3A_420 = arith.index_cast %mul3A_418 : i32 to index
    %get3A_421 = vector.load %arg5[%get3A_419, %get3A_420] : memref<4x100352xf32, #tpu.memory_space<vmem>>, vector<4x512xf32>
    %eq3A_422 = vector.broadcast %select_n3A_400 : i32 to vector<4x1xi32>
    %eq3A_423 = arith.cmpi eq, %iota3A_24, %eq3A_422 : vector<4x1xi32>
    %jit3A_424 = arith.constant -3.000000e+38 : f32
    %broadcast_in_dim3A_425 = vector.shape_cast %eq3A_423 : vector<4x1xi1> to vector<4x1xi1>
    %broadcast_in_dim3A_426 = vector.broadcast %broadcast_in_dim3A_425 : vector<4x1xi1> to vector<4x512xi1>
    %broadcast_in_dim3A_427 = vector.broadcast %jit3A_424 : f32 to vector<4x512xf32>
    %select_n3A_428 = arith.select %broadcast_in_dim3A_426, %get3A_421, %broadcast_in_dim3A_427 : vector<4x512xi1>, vector<4x512xf32>
    %reduce_max3A_429 = arith.constant dense<0xFF800000> : vector<512xf32>
    %reduce_max3A_430 = vector.multi_reduction <maximumf>, %select_n3A_428, %reduce_max3A_429 [0] : vector<4x512xf32> to vector<512xf32>
    %swap3A_431 = arith.constant 0 : index
    %swap3A_432 = arith.constant 4 : index
    %swap3A_433 = arith.constant 0 : index
    %swap3A_434 = vector.load %arg3[%swap3A_431, %swap3A_432, %swap3A_433] : memref<1x8x512xf32, #tpu.memory_space<vmem>>, vector<1x1x512xf32>
    %swap3A_435 = vector.shape_cast %swap3A_434 : vector<1x1x512xf32> to vector<512xf32>
    %swap3A_436 = vector.shape_cast %reduce_max3A_430 : vector<512xf32> to vector<1x1x512xf32>
    tpu.vector_store %arg3[%swap3A_431, %swap3A_432, %swap3A_433], %swap3A_436 {strides = array<i32>} : memref<1x8x512xf32, #tpu.memory_space<vmem>>, vector<1x1x512xf32>,
    %eq3A_437 = arith.constant 4 : i32
    %eq3A_438 = vector.broadcast %eq3A_437 : i32 to vector<1x1x16xi32>
    %eq3A_439 = arith.cmpi eq, %iota3A_25, %eq3A_438 : vector<1x1x16xi32>
    %broadcast_in_dim3A_440 = vector.broadcast %reduce_min3A_371 : i32 to vector<1x1x16xi32>
    %select_n3A_441 = arith.select %eq3A_439, %broadcast_in_dim3A_440, %select_n3A_356 : vector<1x1x16xi1>, vector<1x1x16xi32>
    %reduce_max3A_442 = vector.shape_cast %select_n3A_376 : vector<4x196xf32> to vector<1x4x196xf32>
    %reduce_max3A_443 = arith.constant dense<0xFF800000> : vector<1xf32>
    %reduce_max3A_444 = vector.multi_reduction <maximumf>, %reduce_max3A_442, %reduce_max3A_443 [1, 2] : vector<1x4x196xf32> to vector<1xf32>
    %reduce_max3A_445 = vector.shape_cast %reduce_max3A_444 : vector<1xf32> to vector<1x1x1xf32>
    %reduce_max3A_446 = vector.extract %reduce_max3A_445[0, 0, 0] : f32 from vector<1x1x1xf32>
    %eq3A_447 = vector.broadcast %reduce_max3A_446 : f32 to vector<4x196xf32>
    %eq3A_448 = arith.cmpf oeq, %select_n3A_376, %eq3A_447 : vector<4x196xf32>
    %jit3A_449 = arith.constant 2147483647 : i32
    %broadcast_in_dim3A_450 = vector.broadcast %jit3A_449 : i32 to vector<4x196xi32>
    %select_n3A_451 = arith.select %eq3A_448, %add3A_23, %broadcast_in_dim3A_450 : vector<4x196xi1>, vector<4x196xi32>
    %reduce_min3A_452 = vector.shape_cast %select_n3A_451 : vector<4x196xi32> to vector<1x4x196xi32>
    %reduce_min3A_453 = arith.constant dense<2147483647> : vector<1xi32>
    %reduce_min3A_454 = vector.multi_reduction <minsi>, %reduce_min3A_452, %reduce_min3A_453 [1, 2] : vector<1x4x196xi32> to vector<1xi32>
    %reduce_min3A_455 = vector.shape_cast %reduce_min3A_454 : vector<1xi32> to vector<1x1x1xi32>
    %reduce_min3A_456 = vector.extract %reduce_min3A_455[0, 0, 0] : i32 from vector<1x1x1xi32>
    %eq3A_457 = vector.broadcast %reduce_min3A_456 : i32 to vector<4x196xi32>
    %eq3A_458 = arith.cmpi eq, %add3A_23, %eq3A_457 : vector<4x196xi32>
    %jit3A_459 = arith.constant -3.000000e+38 : f32
    %broadcast_in_dim3A_460 = vector.broadcast %jit3A_459 : f32 to vector<4x196xf32>
    %select_n3A_461 = arith.select %eq3A_458, %broadcast_in_dim3A_460, %select_n3A_376 : vector<4x196xi1>, vector<4x196xf32>
    %jit3A_462 = arith.constant 196 : i32
    %div3A_463 = arith.divsi %reduce_min3A_456, %jit3A_462 : i32
    %sign3A_464 = arith.constant 0 : i32
    %sign3A_465 = arith.cmpi sgt, %reduce_min3A_456, %sign3A_464 : i32
    %sign3A_466 = arith.extui %sign3A_465 : i1 to i32
    %sign3A_467 = arith.constant 0 : i32
    %sign3A_468 = arith.cmpi slt, %reduce_min3A_456, %sign3A_467 : i32
    %sign3A_469 = arith.extui %sign3A_468 : i1 to i32
    %sign3A_470 = arith.subi %sign3A_466, %sign3A_469 : i32
    %sign3A_471 = arith.constant 0 : i32
    %sign3A_472 = arith.cmpi sgt, %jit3A_462, %sign3A_471 : i32
    %sign3A_473 = arith.extui %sign3A_472 : i1 to i32
    %sign3A_474 = arith.constant 0 : i32
    %sign3A_475 = arith.cmpi slt, %jit3A_462, %sign3A_474 : i32
    %sign3A_476 = arith.extui %sign3A_475 : i1 to i32
    %sign3A_477 = arith.subi %sign3A_473, %sign3A_476 : i32
    %ne3A_478 = arith.cmpi ne, %sign3A_470, %sign3A_477 : i32
    %rem3A_479 = arith.remsi %reduce_min3A_456, %jit3A_462 : i32
    %ne3A_480 = arith.constant 0 : i32
    %ne3A_481 = arith.cmpi ne, %rem3A_479, %ne3A_480 : i32
    %and3A_482 = arith.andi %ne3A_478, %ne3A_481 : i1
    %sub3A_483 = arith.constant 1 : i32
    %sub3A_484 = arith.subi %div3A_463, %sub3A_483 : i32
    %select_n3A_485 = arith.select %and3A_482, %sub3A_484, %div3A_463 : i32
    %jit3A_486 = arith.constant 196 : i32
    %eq3A_487 = arith.constant 0 : i32
    %eq3A_488 = arith.cmpi eq, %jit3A_486, %eq3A_487 : i32
    %jit3A_489 = arith.constant 1 : i32
    %select_n3A_490 = arith.select %eq3A_488, %jit3A_489, %jit3A_486 : i32
    %rem3A_491 = arith.remsi %reduce_min3A_456, %select_n3A_490 : i32
    %ne3A_492 = arith.constant 0 : i32
    %ne3A_493 = arith.cmpi ne, %rem3A_491, %ne3A_492 : i32
    %lt3A_494 = arith.constant 0 : i32
    %lt3A_495 = arith.cmpi slt, %rem3A_491, %lt3A_494 : i32
    %lt3A_496 = arith.constant 0 : i32
    %lt3A_497 = arith.cmpi slt, %select_n3A_490, %lt3A_496 : i32
    %ne3A_498 = arith.xori %lt3A_495, %lt3A_497 : i1
    %and3A_499 = arith.andi %ne3A_498, %ne3A_493 : i1
    %add3A_500 = arith.addi %rem3A_491, %select_n3A_490 : i32
    %select_n3A_501 = arith.select %and3A_499, %add3A_500, %rem3A_491 : i32
    %mul3A_502 = arith.constant 512 : i32
    %mul3A_503 = arith.muli %select_n3A_501, %mul3A_502 : i32
    %get3A_504 = arith.constant 0 : index
    %get3A_505 = arith.index_cast %mul3A_503 : i32 to index
    %get3A_506 = vector.load %arg5[%get3A_504, %get3A_505] : memref<4x100352xf32, #tpu.memory_space<vmem>>, vector<4x512xf32>
    %eq3A_507 = vector.broadcast %select_n3A_485 : i32 to vector<4x1xi32>
    %eq3A_508 = arith.cmpi eq, %iota3A_24, %eq3A_507 : vector<4x1xi32>
    %jit3A_509 = arith.constant -3.000000e+38 : f32
    %broadcast_in_dim3A_510 = vector.shape_cast %eq3A_508 : vector<4x1xi1> to vector<4x1xi1>
    %broadcast_in_dim3A_511 = vector.broadcast %broadcast_in_dim3A_510 : vector<4x1xi1> to vector<4x512xi1>
    %broadcast_in_dim3A_512 = vector.broadcast %jit3A_509 : f32 to vector<4x512xf32>
    %select_n3A_513 = arith.select %broadcast_in_dim3A_511, %get3A_506, %broadcast_in_dim3A_512 : vector<4x512xi1>, vector<4x512xf32>
    %reduce_max3A_514 = arith.constant dense<0xFF800000> : vector<512xf32>
    %reduce_max3A_515 = vector.multi_reduction <maximumf>, %select_n3A_513, %reduce_max3A_514 [0] : vector<4x512xf32> to vector<512xf32>
    %swap3A_516 = arith.constant 0 : index
    %swap3A_517 = arith.constant 5 : index
    %swap3A_518 = arith.constant 0 : index
    %swap3A_519 = vector.load %arg3[%swap3A_516, %swap3A_517, %swap3A_518] : memref<1x8x512xf32, #tpu.memory_space<vmem>>, vector<1x1x512xf32>
    %swap3A_520 = vector.shape_cast %swap3A_519 : vector<1x1x512xf32> to vector<512xf32>
    %swap3A_521 = vector.shape_cast %reduce_max3A_515 : vector<512xf32> to vector<1x1x512xf32>
    tpu.vector_store %arg3[%swap3A_516, %swap3A_517, %swap3A_518], %swap3A_521 {strides = array<i32>} : memref<1x8x512xf32, #tpu.memory_space<vmem>>, vector<1x1x512xf32>,
    %eq3A_522 = arith.constant 5 : i32
    %eq3A_523 = vector.broadcast %eq3A_522 : i32 to vector<1x1x16xi32>
    %eq3A_524 = arith.cmpi eq, %iota3A_25, %eq3A_523 : vector<1x1x16xi32>
    %broadcast_in_dim3A_525 = vector.broadcast %reduce_min3A_456 : i32 to vector<1x1x16xi32>
    %select_n3A_526 = arith.select %eq3A_524, %broadcast_in_dim3A_525, %select_n3A_441 : vector<1x1x16xi1>, vector<1x1x16xi32>
    %reduce_max3A_527 = vector.shape_cast %select_n3A_461 : vector<4x196xf32> to vector<1x4x196xf32>
    %reduce_max3A_528 = arith.constant dense<0xFF800000> : vector<1xf32>
    %reduce_max3A_529 = vector.multi_reduction <maximumf>, %reduce_max3A_527, %reduce_max3A_528 [1, 2] : vector<1x4x196xf32> to vector<1xf32>
    %reduce_max3A_530 = vector.shape_cast %reduce_max3A_529 : vector<1xf32> to vector<1x1x1xf32>
    %reduce_max3A_531 = vector.extract %reduce_max3A_530[0, 0, 0] : f32 from vector<1x1x1xf32>
    %eq3A_532 = vector.broadcast %reduce_max3A_531 : f32 to vector<4x196xf32>
    %eq3A_533 = arith.cmpf oeq, %select_n3A_461, %eq3A_532 : vector<4x196xf32>
    %jit3A_534 = arith.constant 2147483647 : i32
    %broadcast_in_dim3A_535 = vector.broadcast %jit3A_534 : i32 to vector<4x196xi32>
    %select_n3A_536 = arith.select %eq3A_533, %add3A_23, %broadcast_in_dim3A_535 : vector<4x196xi1>, vector<4x196xi32>
    %reduce_min3A_537 = vector.shape_cast %select_n3A_536 : vector<4x196xi32> to vector<1x4x196xi32>
    %reduce_min3A_538 = arith.constant dense<2147483647> : vector<1xi32>
    %reduce_min3A_539 = vector.multi_reduction <minsi>, %reduce_min3A_537, %reduce_min3A_538 [1, 2] : vector<1x4x196xi32> to vector<1xi32>
    %reduce_min3A_540 = vector.shape_cast %reduce_min3A_539 : vector<1xi32> to vector<1x1x1xi32>
    %reduce_min3A_541 = vector.extract %reduce_min3A_540[0, 0, 0] : i32 from vector<1x1x1xi32>
    %eq3A_542 = vector.broadcast %reduce_min3A_541 : i32 to vector<4x196xi32>
    %eq3A_543 = arith.cmpi eq, %add3A_23, %eq3A_542 : vector<4x196xi32>
    %jit3A_544 = arith.constant -3.000000e+38 : f32
    %broadcast_in_dim3A_545 = vector.broadcast %jit3A_544 : f32 to vector<4x196xf32>
    %select_n3A_546 = arith.select %eq3A_543, %broadcast_in_dim3A_545, %select_n3A_461 : vector<4x196xi1>, vector<4x196xf32>
    %jit3A_547 = arith.constant 196 : i32
    %div3A_548 = arith.divsi %reduce_min3A_541, %jit3A_547 : i32
    %sign3A_549 = arith.constant 0 : i32
    %sign3A_550 = arith.cmpi sgt, %reduce_min3A_541, %sign3A_549 : i32
    %sign3A_551 = arith.extui %sign3A_550 : i1 to i32
    %sign3A_552 = arith.constant 0 : i32
    %sign3A_553 = arith.cmpi slt, %reduce_min3A_541, %sign3A_552 : i32
    %sign3A_554 = arith.extui %sign3A_553 : i1 to i32
    %sign3A_555 = arith.subi %sign3A_551, %sign3A_554 : i32
    %sign3A_556 = arith.constant 0 : i32
    %sign3A_557 = arith.cmpi sgt, %jit3A_547, %sign3A_556 : i32
    %sign3A_558 = arith.extui %sign3A_557 : i1 to i32
    %sign3A_559 = arith.constant 0 : i32
    %sign3A_560 = arith.cmpi slt, %jit3A_547, %sign3A_559 : i32
    %sign3A_561 = arith.extui %sign3A_560 : i1 to i32
    %sign3A_562 = arith.subi %sign3A_558, %sign3A_561 : i32
    %ne3A_563 = arith.cmpi ne, %sign3A_555, %sign3A_562 : i32
    %rem3A_564 = arith.remsi %reduce_min3A_541, %jit3A_547 : i32
    %ne3A_565 = arith.constant 0 : i32
    %ne3A_566 = arith.cmpi ne, %rem3A_564, %ne3A_565 : i32
    %and3A_567 = arith.andi %ne3A_563, %ne3A_566 : i1
    %sub3A_568 = arith.constant 1 : i32
    %sub3A_569 = arith.subi %div3A_548, %sub3A_568 : i32
    %select_n3A_570 = arith.select %and3A_567, %sub3A_569, %div3A_548 : i32
    %jit3A_571 = arith.constant 196 : i32
    %eq3A_572 = arith.constant 0 : i32
    %eq3A_573 = arith.cmpi eq, %jit3A_571, %eq3A_572 : i32
    %jit3A_574 = arith.constant 1 : i32
    %select_n3A_575 = arith.select %eq3A_573, %jit3A_574, %jit3A_571 : i32
    %rem3A_576 = arith.remsi %reduce_min3A_541, %select_n3A_575 : i32
    %ne3A_577 = arith.constant 0 : i32
    %ne3A_578 = arith.cmpi ne, %rem3A_576, %ne3A_577 : i32
    %lt3A_579 = arith.constant 0 : i32
    %lt3A_580 = arith.cmpi slt, %rem3A_576, %lt3A_579 : i32
    %lt3A_581 = arith.constant 0 : i32
    %lt3A_582 = arith.cmpi slt, %select_n3A_575, %lt3A_581 : i32
    %ne3A_583 = arith.xori %lt3A_580, %lt3A_582 : i1
    %and3A_584 = arith.andi %ne3A_583, %ne3A_578 : i1
    %add3A_585 = arith.addi %rem3A_576, %select_n3A_575 : i32
    %select_n3A_586 = arith.select %and3A_584, %add3A_585, %rem3A_576 : i32
    %mul3A_587 = arith.constant 512 : i32
    %mul3A_588 = arith.muli %select_n3A_586, %mul3A_587 : i32
    %get3A_589 = arith.constant 0 : index
    %get3A_590 = arith.index_cast %mul3A_588 : i32 to index
    %get3A_591 = vector.load %arg5[%get3A_589, %get3A_590] : memref<4x100352xf32, #tpu.memory_space<vmem>>, vector<4x512xf32>
    %eq3A_592 = vector.broadcast %select_n3A_570 : i32 to vector<4x1xi32>
    %eq3A_593 = arith.cmpi eq, %iota3A_24, %eq3A_592 : vector<4x1xi32>
    %jit3A_594 = arith.constant -3.000000e+38 : f32
    %broadcast_in_dim3A_595 = vector.shape_cast %eq3A_593 : vector<4x1xi1> to vector<4x1xi1>
    %broadcast_in_dim3A_596 = vector.broadcast %broadcast_in_dim3A_595 : vector<4x1xi1> to vector<4x512xi1>
    %broadcast_in_dim3A_597 = vector.broadcast %jit3A_594 : f32 to vector<4x512xf32>
    %select_n3A_598 = arith.select %broadcast_in_dim3A_596, %get3A_591, %broadcast_in_dim3A_597 : vector<4x512xi1>, vector<4x512xf32>
    %reduce_max3A_599 = arith.constant dense<0xFF800000> : vector<512xf32>
    %reduce_max3A_600 = vector.multi_reduction <maximumf>, %select_n3A_598, %reduce_max3A_599 [0] : vector<4x512xf32> to vector<512xf32>
    %swap3A_601 = arith.constant 0 : index
    %swap3A_602 = arith.constant 6 : index
    %swap3A_603 = arith.constant 0 : index
    %swap3A_604 = vector.load %arg3[%swap3A_601, %swap3A_602, %swap3A_603] : memref<1x8x512xf32, #tpu.memory_space<vmem>>, vector<1x1x512xf32>
    %swap3A_605 = vector.shape_cast %swap3A_604 : vector<1x1x512xf32> to vector<512xf32>
    %swap3A_606 = vector.shape_cast %reduce_max3A_600 : vector<512xf32> to vector<1x1x512xf32>
    tpu.vector_store %arg3[%swap3A_601, %swap3A_602, %swap3A_603], %swap3A_606 {strides = array<i32>} : memref<1x8x512xf32, #tpu.memory_space<vmem>>, vector<1x1x512xf32>,
    %eq3A_607 = arith.constant 6 : i32
    %eq3A_608 = vector.broadcast %eq3A_607 : i32 to vector<1x1x16xi32>
    %eq3A_609 = arith.cmpi eq, %iota3A_25, %eq3A_608 : vector<1x1x16xi32>
    %broadcast_in_dim3A_610 = vector.broadcast %reduce_min3A_541 : i32 to vector<1x1x16xi32>
    %select_n3A_611 = arith.select %eq3A_609, %broadcast_in_dim3A_610, %select_n3A_526 : vector<1x1x16xi1>, vector<1x1x16xi32>
    %reduce_max3A_612 = vector.shape_cast %select_n3A_546 : vector<4x196xf32> to vector<1x4x196xf32>
    %reduce_max3A_613 = arith.constant dense<0xFF800000> : vector<1xf32>
    %reduce_max3A_614 = vector.multi_reduction <maximumf>, %reduce_max3A_612, %reduce_max3A_613 [1, 2] : vector<1x4x196xf32> to vector<1xf32>
    %reduce_max3A_615 = vector.shape_cast %reduce_max3A_614 : vector<1xf32> to vector<1x1x1xf32>
    %reduce_max3A_616 = vector.extract %reduce_max3A_615[0, 0, 0] : f32 from vector<1x1x1xf32>
    %eq3A_617 = vector.broadcast %reduce_max3A_616 : f32 to vector<4x196xf32>
    %eq3A_618 = arith.cmpf oeq, %select_n3A_546, %eq3A_617 : vector<4x196xf32>
    %jit3A_619 = arith.constant 2147483647 : i32
    %broadcast_in_dim3A_620 = vector.broadcast %jit3A_619 : i32 to vector<4x196xi32>
    %select_n3A_621 = arith.select %eq3A_618, %add3A_23, %broadcast_in_dim3A_620 : vector<4x196xi1>, vector<4x196xi32>
    %reduce_min3A_622 = vector.shape_cast %select_n3A_621 : vector<4x196xi32> to vector<1x4x196xi32>
    %reduce_min3A_623 = arith.constant dense<2147483647> : vector<1xi32>
    %reduce_min3A_624 = vector.multi_reduction <minsi>, %reduce_min3A_622, %reduce_min3A_623 [1, 2] : vector<1x4x196xi32> to vector<1xi32>
    %reduce_min3A_625 = vector.shape_cast %reduce_min3A_624 : vector<1xi32> to vector<1x1x1xi32>
    %reduce_min3A_626 = vector.extract %reduce_min3A_625[0, 0, 0] : i32 from vector<1x1x1xi32>
    %jit3A_627 = arith.constant 196 : i32
    %div3A_628 = arith.divsi %reduce_min3A_626, %jit3A_627 : i32
    %sign3A_629 = arith.constant 0 : i32
    %sign3A_630 = arith.cmpi sgt, %reduce_min3A_626, %sign3A_629 : i32
    %sign3A_631 = arith.extui %sign3A_630 : i1 to i32
    %sign3A_632 = arith.constant 0 : i32
    %sign3A_633 = arith.cmpi slt, %reduce_min3A_626, %sign3A_632 : i32
    %sign3A_634 = arith.extui %sign3A_633 : i1 to i32
    %sign3A_635 = arith.subi %sign3A_631, %sign3A_634 : i32
    %sign3A_636 = arith.constant 0 : i32
    %sign3A_637 = arith.cmpi sgt, %jit3A_627, %sign3A_636 : i32
    %sign3A_638 = arith.extui %sign3A_637 : i1 to i32
    %sign3A_639 = arith.constant 0 : i32
    %sign3A_640 = arith.cmpi slt, %jit3A_627, %sign3A_639 : i32
    %sign3A_641 = arith.extui %sign3A_640 : i1 to i32
    %sign3A_642 = arith.subi %sign3A_638, %sign3A_641 : i32
    %ne3A_643 = arith.cmpi ne, %sign3A_635, %sign3A_642 : i32
    %rem3A_644 = arith.remsi %reduce_min3A_626, %jit3A_627 : i32
    %ne3A_645 = arith.constant 0 : i32
    %ne3A_646 = arith.cmpi ne, %rem3A_644, %ne3A_645 : i32
    %and3A_647 = arith.andi %ne3A_643, %ne3A_646 : i1
    %sub3A_648 = arith.constant 1 : i32
    %sub3A_649 = arith.subi %div3A_628, %sub3A_648 : i32
    %select_n3A_650 = arith.select %and3A_647, %sub3A_649, %div3A_628 : i32
    %jit3A_651 = arith.constant 196 : i32
    %eq3A_652 = arith.constant 0 : i32
    %eq3A_653 = arith.cmpi eq, %jit3A_651, %eq3A_652 : i32
    %jit3A_654 = arith.constant 1 : i32
    %select_n3A_655 = arith.select %eq3A_653, %jit3A_654, %jit3A_651 : i32
    %rem3A_656 = arith.remsi %reduce_min3A_626, %select_n3A_655 : i32
    %ne3A_657 = arith.constant 0 : i32
    %ne3A_658 = arith.cmpi ne, %rem3A_656, %ne3A_657 : i32
    %lt3A_659 = arith.constant 0 : i32
    %lt3A_660 = arith.cmpi slt, %rem3A_656, %lt3A_659 : i32
    %lt3A_661 = arith.constant 0 : i32
    %lt3A_662 = arith.cmpi slt, %select_n3A_655, %lt3A_661 : i32
    %ne3A_663 = arith.xori %lt3A_660, %lt3A_662 : i1
    %and3A_664 = arith.andi %ne3A_663, %ne3A_658 : i1
    %add3A_665 = arith.addi %rem3A_656, %select_n3A_655 : i32
    %select_n3A_666 = arith.select %and3A_664, %add3A_665, %rem3A_656 : i32
    %mul3A_667 = arith.constant 512 : i32
    %mul3A_668 = arith.muli %select_n3A_666, %mul3A_667 : i32
    %get3A_669 = arith.constant 0 : index
    %get3A_670 = arith.index_cast %mul3A_668 : i32 to index
    %get3A_671 = vector.load %arg5[%get3A_669, %get3A_670] : memref<4x100352xf32, #tpu.memory_space<vmem>>, vector<4x512xf32>
    %eq3A_672 = vector.broadcast %select_n3A_650 : i32 to vector<4x1xi32>
    %eq3A_673 = arith.cmpi eq, %iota3A_24, %eq3A_672 : vector<4x1xi32>
    %jit3A_674 = arith.constant -3.000000e+38 : f32
    %broadcast_in_dim3A_675 = vector.shape_cast %eq3A_673 : vector<4x1xi1> to vector<4x1xi1>
    %broadcast_in_dim3A_676 = vector.broadcast %broadcast_in_dim3A_675 : vector<4x1xi1> to vector<4x512xi1>
    %broadcast_in_dim3A_677 = vector.broadcast %jit3A_674 : f32 to vector<4x512xf32>
    %select_n3A_678 = arith.select %broadcast_in_dim3A_676, %get3A_671, %broadcast_in_dim3A_677 : vector<4x512xi1>, vector<4x512xf32>
    %reduce_max3A_679 = arith.constant dense<0xFF800000> : vector<512xf32>
    %reduce_max3A_680 = vector.multi_reduction <maximumf>, %select_n3A_678, %reduce_max3A_679 [0] : vector<4x512xf32> to vector<512xf32>
    %swap3A_681 = arith.constant 0 : index
    %swap3A_682 = arith.constant 7 : index
    %swap3A_683 = arith.constant 0 : index
    %swap3A_684 = vector.load %arg3[%swap3A_681, %swap3A_682, %swap3A_683] : memref<1x8x512xf32, #tpu.memory_space<vmem>>, vector<1x1x512xf32>
    %swap3A_685 = vector.shape_cast %swap3A_684 : vector<1x1x512xf32> to vector<512xf32>
    %swap3A_686 = vector.shape_cast %reduce_max3A_680 : vector<512xf32> to vector<1x1x512xf32>
    tpu.vector_store %arg3[%swap3A_681, %swap3A_682, %swap3A_683], %swap3A_686 {strides = array<i32>} : memref<1x8x512xf32, #tpu.memory_space<vmem>>, vector<1x1x512xf32>,
    %eq3A_687 = arith.constant 7 : i32
    %eq3A_688 = vector.broadcast %eq3A_687 : i32 to vector<1x1x16xi32>
    %eq3A_689 = arith.cmpi eq, %iota3A_25, %eq3A_688 : vector<1x1x16xi32>
    %broadcast_in_dim3A_690 = vector.broadcast %reduce_min3A_626 : i32 to vector<1x1x16xi32>
    %select_n3A_691 = arith.select %eq3A_689, %broadcast_in_dim3A_690, %select_n3A_611 : vector<1x1x16xi1>, vector<1x1x16xi32>
    %swap3A_692 = arith.constant 0 : index
    %swap3A_693 = arith.constant 0 : index
    %swap3A_694 = arith.constant 0 : index
    %swap3A_695 = vector.load %arg4[%swap3A_692, %swap3A_693, %swap3A_694] : memref<1x1x16xi32, #tpu.memory_space<vmem>>, vector<1x1x16xi32>
    tpu.vector_store %arg4[%swap3A_692, %swap3A_693, %swap3A_694], %select_n3A_691 {strides = array<i32>} : memref<1x1x16xi32, #tpu.memory_space<vmem>>, vector<1x1x16xi32>,
    return
  }
  func.func @transform_0(%arg0: i32) -> (i32, i32, i32) {
    %c0_i32 = arith.constant 0 : i32
    %c0_i32_0 = arith.constant 0 : i32
    %c0_i32_1 = arith.constant 0 : i32
    return %arg0, %c0_i32, %c0_i32_0 : i32, i32, i32
  }
  func.func @transform_1(%arg0: i32) -> (i32, i32, i32) {
    %c0_i32 = arith.constant 0 : i32
    %c0_i32_0 = arith.constant 0 : i32
    %c0_i32_1 = arith.constant 0 : i32
    return %arg0, %c0_i32, %c0_i32_0 : i32, i32, i32
  }
  func.func @transform_2(%arg0: i32) -> (i32, i32, i32) {
    %c0_i32 = arith.constant 0 : i32
    %c0_i32_0 = arith.constant 0 : i32
    %c0_i32_1 = arith.constant 0 : i32
    return %arg0, %c0_i32, %c0_i32_0 : i32, i32, i32
  }
  func.func @transform_3(%arg0: i32) -> (i32, i32, i32) {
    %c0_i32 = arith.constant 0 : i32
    %c0_i32_0 = arith.constant 0 : i32
    %c0_i32_1 = arith.constant 0 : i32
    return %arg0, %c0_i32, %c0_i32_0 : i32, i32, i32
  }
}

</mosaic_0001>

<sc_bundles>
// kernel: kernel.4.cloned.1.call-start
scs
__scs_entry_jumppad:
0x0: {  	(pc) =	sbr.rel $0x88, $3  }
0x1: {  	(tag) =	ssettag $0x0;
	lr =	simm.s32 $0x1  }
0x2: {  	[smem:$0x3F9E] =	sst lr;
	_ =	strace $0xD0000000  }
0x3: {  	_ = 	snop  }
0x4: {  	_ = 	snop  }
0x5: {  	_ = 	snop  }
0x6: {  	_ = 	snop  }
0x7: {  	_ = 	snop  }
__scs_overlays_trampoline_lowered:
0x8: {  	[smem:$0x3FAD] =	sst s0  }
0x9: {  	[smem:$0x3FAE] =	sst s1  }
0xa: {  	[smem:$0x3FAF] =	sst s2  }
0xb: {  	[smem:$0x3FB0] =	sst s3  }
0xc: {  	[smem:$0x3FB1] =	sst s4  }
0xd: {  	[smem:$0x3FB2] =	sst s5  }
0xe: {  	[smem:$0x3FB3] =	sst s6  }
0xf: {  	[smem:$0x3FB4] =	sst s7  }
0x10: {  	[smem:$0x3FB5] =	sst s8  }
0x11: {  	[smem:$0x3FB6] =	sst s9;
	s0 =	simm.s32 @!p0 $0x0  }
0x12: {  	s1 =	sld [smem:$0x3F9C];
	s0 =	simm.s32 @p0 $0x1  }
0x13: {  	[smem:$0x3FB7] =	sst s0;
	s0 =	simm.s32 @!p1 $0x0  }
0x14: {  	s2 =	sld [smem:$0x3F9B];
	s0 =	simm.s32 @p1 $0x1  }
0x15: {  	[smem:$0x3FB8] =	sst s0;
	s0 =	simm.s32 @!p2 $0x0  }
0x16: {  	s3 =	sld [smem:$0x3FDB];
	s0 =	simm.s32 @p2 $0x1  }
0x17: {  	s4 =	simm.s32 $0x1BF5;
	[smem:$0x3FBA] =	sst s0  }
0x18: {  	s0 =	sld [smem:$0x3F9D];
	_ =	swait.ge [sflag:s4], $0x0  }
0x19: {  	s7 =	sld [smem:$0x3F9E]  }
0x1a: {  	s8 =	sadd.s32 $0xFFFFE003, lr  }
0x1b: {  	s9 =	sadd.s32 $0xFFFFFEF7, lr;
	s5 =	simm.s32 $0xFFFFFFFF;
	p2 =	slt.u32 s8, $0xFFFFF086  }
0x1c: {  	p1 =	slt.u32 s9, $0xF7A;
	s5 =	simm.s32 @!p2 $0x0  }
0x1d: {  	s5 =	simm.s32 @p1 $0x1;
	p0 =	seq.s32 s7, s2  }
0x1e: {  	s7 =	smul.u32 @!p0 $0xF7A, s2;
	p2 =	seq.s32 @!p0 s5, $0x0  }
0x1f: {  	s9 =	smul.u32 $0xF7A, s1;
	s8 =	simm.s32 @!p0 $0x1BF5;
	p2 =	por !p2, p0  }
0x20: {  	[sflag:s8] =	ssyncset.s32 @!p0 $0xFFFFF086;
	s6 =	sadd.s32 @!p0 s3, s7;
	s7 =	simm.s32 @!p0 $0x108  }
0x21: {  	s3 =	sadd.s32 s3, s9;
	s6 =	sadd.s32 @!p0 $0x88, s6;
	s7 =	simm.s32 @p2 $0x1082  }
0x22: {  	[simem:s7], [sflag:s8] =	dma.local @!p0 [hbm:s6], $0xF7A  }
0x23: {  	s9 =	sor.u32 $0xD0000000, s2;
	s6 =	simm.s32 $0x108;
	_ =	swait.ge @!p0 [sflag:s8], $0x0  }
0x24: {  	s3 =	sadd.s32 $0x88, s3;
	s6 =	simm.s32 @!p1 $0x1082;
	[sflag:s4] =	ssyncset.s32 $0xFFFFF086  }
0x25: {  	[simem:s6], [sflag:s4] =	dma.local [hbm:s3], $0xF7A  }
0x26: {  	[smem:$0x3F9E] =	sst s1;
	(tag) =	ssettag s2;
	_ =	strace s9  }
0x27: {  	s1 =	sld [smem:$0x3FAE]  }
0x28: {  	s2 =	sld [smem:$0x3FAF]  }
0x29: {  	s4 =	sld [smem:$0x3FB1]  }
0x2a: {  	p0 =	seq.s32 s5, $0x0;
	s5 =	sld [smem:$0x3FB2]  }
0x2b: {  	s6 =	sld [smem:$0x3FB3]  }
0x2c: {  	s7 =	sld [smem:$0x3FB4]  }
0x2d: {  	s3 =	simm.s32 $0x108;
	s8 =	sld [smem:$0x3FB5]  }
0x2e: {  	s3 =	simm.s32 @!p0 $0x1082;
	s9 =	sld [smem:$0x3FB6]  }
0x2f: {  	lr =	sadd.s32 s0, s3;
	s0 =	sld [smem:$0x3FAD]  }
0x30: {  	s3 =	sld [smem:$0x3FB0]  }
0x31: {  	[smem:$0x3FB9] =	sst s10  }
0x32: {  	s10 =	sld [smem:$0x3FB7];
	_ =	sdelay $0x3  }
0x33: {  	p0 =	seq.s32 s10, $0x1;
	s10 =	sld [smem:$0x3FB9];
	_ =	sdelay $0x3  }
0x34: {  	[smem:$0x3FB9] =	sst s10  }
0x35: {  	s10 =	sld [smem:$0x3FB8];
	_ =	sdelay $0x3  }
0x36: {  	p1 =	seq.s32 s10, $0x1;
	s10 =	sld [smem:$0x3FB9];
	_ =	sdelay $0x3  }
0x37: {  	[smem:$0x3FB9] =	sst s10  }
0x38: {  	s10 =	sld [smem:$0x3FBA]  }
0x39: {  	_ = 	snop;
	(pc) =	sbr.ind lr, $3  }
0x3a: {  	_ = 	snop  }
0x3b: {  	_ = 	snop  }
0x3c: {  	p2 =	seq.s32 s10, $0x1;
	s10 =	sld [smem:$0x3FB9]  }
0x3d: {  	_ =	shalt  }
0x3e: {  	_ =	shalt  }
0x3f: {  	_ =	shalt  }
0x40: {  	_ =	shalt  }
0x41: {  	_ =	shalt  }
0x42: {  	_ =	shalt  }
0x43: {  	_ =	shalt  }
0x44: {  	_ =	shalt  }
0x45: {  	_ =	shalt  }
0x46: {  	_ =	shalt  }
0x47: {  	_ =	shalt  }
0x48: {  	_ =	shalt  }
0x49: {  	_ =	shalt  }
0x4a: {  	_ =	shalt  }
0x4b: {  	_ =	shalt  }
0x4c: {  	_ =	shalt  }
0x4d: {  	_ =	shalt  }
0x4e: {  	_ =	shalt  }
0x4f: {  	_ =	shalt  }
0x50: {  	_ =	shalt  }
0x51: {  	_ =	shalt  }
0x52: {  	_ =	shalt  }
0x53: {  	_ =	shalt  }
0x54: {  	_ =	shalt  }
0x55: {  	_ =	shalt  }
0x56: {  	_ =	shalt  }
0x57: {  	_ =	shalt  }
0x58: {  	_ =	shalt  }
0x59: {  	_ =	shalt  }
0x5a: {  	_ =	shalt  }
0x5b: {  	_ =	shalt  }
0x5c: {  	_ =	shalt  }
0x5d: {  	_ =	shalt  }
0x5e: {  	_ =	shalt  }
0x5f: {  	_ =	shalt  }
0x60: {  	_ =	shalt  }
0x61: {  	_ =	shalt  }
0x62: {  	_ =	shalt  }
0x63: {  	_ =	shalt  }
0x64: {  	_ =	shalt  }
0x65: {  	_ =	shalt  }
0x66: {  	_ =	shalt  }
0x67: {  	_ =	shalt  }
0x68: {  	_ =	shalt  }
0x69: {  	_ =	shalt  }
0x6a: {  	_ =	shalt  }
0x6b: {  	_ =	shalt  }
0x6c: {  	_ =	shalt  }
0x6d: {  	_ =	shalt  }
0x6e: {  	_ =	shalt  }
0x6f: {  	_ =	shalt  }
0x70: {  	_ =	shalt  }
0x71: {  	_ =	shalt  }
0x72: {  	_ =	shalt  }
0x73: {  	_ =	shalt  }
0x74: {  	_ =	shalt  }
0x75: {  	_ =	shalt  }
0x76: {  	_ =	shalt  }
0x77: {  	_ =	shalt  }
0x78: {  	_ =	shalt  }
0x79: {  	_ =	shalt  }
0x7a: {  	_ =	shalt  }
0x7b: {  	_ =	shalt  }
0x7c: {  	_ =	shalt  }
0x7d: {  	_ =	shalt  }
0x7e: {  	_ =	shalt  }
0x7f: {  	_ =	shalt  }
0x80: {  	_ =	shalt  }
0x81: {  	_ =	shalt  }
0x82: {  	_ =	shalt  }
0x83: {  	_ =	shalt  }
0x84: {  	_ =	shalt  }
0x85: {  	_ =	shalt  }
0x86: {  	_ =	shalt  }
0x87: {  	_ =	shalt  }
.Lfunc_end0:
.L_simem_size_0:
called_computation_lowered:
.L_overlay_start_0:
0x88: {  	s2 =	sld [smem:$0x3FD9]  }
0x89: {  	s3 =	sld [smem:$0x3FFE];
	_ =	sdelay $0x1  }
0x8a: {  	s1 =	srdreg.scid  }
0x8b: {  	s0 =	sand.u32 $0x1, s1  }
0x8c: {  	s14 =	sshll.u32 s0, $0xA;
	s2 =	sadd.s32 s3, s2  }
0x8d: {  	s2 =	sadd.s32 s2, s14  }
0x8e: {  	[smem:$0x3FC5] =	sst s2  }
0x8f: {  	_ = 	snop  }
0x90: {  	s2 =	sld [smem:$0x3FD0];
	_ =	sdelay $0x2  }
0x91: {  	s15 =	simm.s32 $0xA;
	s4 =	simm.s32 $0x10  }
0x92: {  	[smem:s4], [sflag:s15] =	dma.local [hbm:s2], $0x1  }
0x93: {  	_ =	swait.eq [sflag:s15], $0x1  }
0x94: {  	s16 =	sld [smem:$0x10];
	[sflag:s15] =	ssyncset.done $0x0  }
0x95: {  	s17 =	sld [smem:$0x11];
	[sflag:s15] =	ssyncadd.s32 $0xFFFFFFFF  }
0x96: {  	s18 =	sld [smem:$0x12];
	(tm) =	ssettm $0x1  }
0x97: {  	s5 =	sld [smem:$0x3FFB];
	_ =	sdelay $0x3  }
0x98: {  	_ =	strace s5  }
0x99: {  	s5 =	sld [smem:$0x3FFC];
	_ =	sdelay $0x3  }
0x9a: {  	_ =	strace s5  }
0x9b: {  	s5 =	sld [smem:$0x3FFD];
	_ =	sdelay $0x3  }
0x9c: {  	_ =	strace s5  }
0x9d: {  	_ =	strace $0x8FFFFFFF  }
0x9e: {  	s19 =	sld [smem:$0x3FDB];
	_ =	sdelay $0x1  }
0x9f: {  	s6 =	simm.s32 $_scs_section_size  }
0xa0: {  	s7 =	simm.s32 $_size__tile_overlayer_lowered;
	s8 =	simm.s32 $_tile_overlayer_lowered  }
0xa1: {  	s22 =	simm.s32 $0x1BFF;
	s21 =	sshll.u32 s8, $0x1;
	s5 =	sadd.s32 s6, s19  }
0xa2: {  	s9 =	simm.s32 $0x0;
	s20 =	sshll.u32 s7, $0x1;
	s7 =	sadd.s32 s21, s5  }
0xa3: {  	[timem:s9], [sflag:s22] =	dma.local [hbm:s7], s20  }
0xa4: {  	_ =	swait.ge [sflag:s22], s20  }
0xa5: {  	s6 =	ssub.s32 $0x0, s20;
	[sflag:s22] =	ssyncset.done $0x0  }
0xa6: {  	[sflag:s22] =	ssyncadd.s32 s6;
	_ =	sdelay $0x1  }
0xa7: {  	s23 =	simm.s32 $0x1B8B  }
0xa8: {  	_ =	swait.ge [sflag:s23], $0x1  }
0xa9: {  	[sflag:s23] =	ssyncset.done $0x0  }
0xaa: {  	s25 =	simm.s32 $0x1B8E;
	s24 =	sld [smem:$0x3FFE];
	[sflag:s23] =	ssyncadd.s32 $0xFFFFFFFF  }
0xab: {  	s26 =	simm.s32 $execute0_lowered;
	[smem:$0x3FD2] =	sst s25  }
0xac: {  	s7 =	sshll.u32 s26, $0x1;
	_ =	strace $0x80000046;
	[dreg:$0x1] =	wrdreg $0xFFFFFFFF  }
0xad: {  	s28 =	simm.s32 $_size_execute0_lowered;
	s5 =	sadd.s32 s5, s7;
	[dreg:$0x0] =	wrdreg $0x0  }
0xae: {  	s7 =	sshll.u32 s28, $0x1;
	[dreg:$0x2] =	wrdreg s5  }
0xaf: {  	[dreg:$0x3] =	wrdreg s7  }
0xb0: {  	[dreg:$0x4] =	wrdreg $0xC0  }
0xb1: {  	_ =	task [dreg:s9], $0x5FFFF  }
0xb2: {  	[dreg:$0x1] =	wrdreg $0xFFFFFFFF  }
0xb3: {  	[dreg:$0x0] =	wrdreg $0x60  }
0xb4: {  	[dreg:$0x2] =	wrdreg s24  }
0xb5: {  	[dreg:$0x3] =	wrdreg s18  }
0xb6: {  	[dreg:$0x4] =	wrdreg s17  }
0xb7: {  	[dreg:$0x5] =	wrdreg s16  }
0xb8: {  	[dreg:$0x6] =	wrdreg $0x9  }
0xb9: {  	_ =	task.clear_ibuf [dreg:s9], $0x7FFFF;
	_ =	strace $0x90000046  }
0xba: {  	s29 =	simm.s32 $0x9;
	_ =	strace $0x80000048  }
0xbb: {  	_ =	swait.ge [sflag:s29], $0x1  }
0xbc: {  	[sflag:s29] =	ssyncadd.s32 $0xFFFFFFFF  }
0xbd: {  	_ =	strace $0x90000048  }
0xbe: {  	_ =	sfence  }
0xbf: {  	s30 =	sld [smem:$0x0];
	_ =	sdelay $0x2  }
0xc0: {  	s31 =	sshll.u32 s1, $0xD;
	s1 =	sshrl.u32 s1, $0x2  }
0xc1: {  	s3 =	sand.u32 $0x4000, s31;
	s1 =	sadd.s32 s1, s30  }
0xc2: {  	s0 =	sor.u32 s3, s0;
	s1 =	sshll.u32 s1, $0x11  }
0xc3: {  	s0 =	sor.u32 s1, s0  }
0xc4: {  	s0 =	sadd.s32 $0x8F2B, s0  }
0xc5: {  	[sflag:s0] =	ssyncadd.remote.s32 $0x1  }
0xc6: {  	_ =	sfence.sel $0xFFFF  }
0xc7: {  	[dreg:$0x0] =	wrdreg $0xFFFFFFFF;
	(pc) =	sbr.abs _section_cstart, $3  }
0xc8: {  	[dreg:$0x1] =	wrdreg $0xFFFFFFFF  }
0xc9: {  	_ =	task.clear_ibuf [dreg:s9], $0x2FFFF;
	_ =	strace $0x9FFFFFFF  }
0xca: {  	(tm) =	ssettm $0x7FFFFFFF  }
0xcb: {  	_ =	shalt  }
tec
execute0_lowered:
.L_overlay_start_1:
0x0: {  	(tag) =	ssettag $0x1  }
0x1: {  	s6 =	rddreg [dreg:$0x0]  }
0x2: {  	s0 =	rddreg [dreg:$0x1]  }
0x3: {  	s1 =	rddreg [dreg:$0x2]  }
0x4: {  	s3 =	rddreg [dreg:$0x3]  }
0x5: {  	s5 =	srdreg.scid;
	s2 =	rddreg [dreg:$0x4];
	s4 =	simm.s32 $0x0  }
0x6: {  	v0 =	vlaneseq.u32;
	s10 =	simm.s32 $0x2;
	s11 =	simm.s32 $0x1;
	s12 =	simm.s32 $0x1010  }
0x7: {  	vm0 =	vmmov $0x1;
	vm7 =	vcmask $0x1B20;
	vm8 =	vcmask $0x320;
	s13 =	simm.s32 $0x1020;
	s14 =	simm.s32 $0x0;
	s7 =	sand.u32 $0x1, s5  }
0x8: {  	vm9 =	vcmask $0x720;
	vm10 =	vcmask $0xB20;
	vm11 =	vcmask $0xF20;
	[smem:$0x7FF] =	sst s4;
	s5 =	stileid.u32;
	s8 =	ssub.s32 $0x2, s7  }
0x9: {  	vm12 =	vcmask $0x1320;
	vm13 =	vcmask $0x1720;
	vm1 =	vcmask $0xB08;
	s6 =	sadd.s32 $0xE00, s6;
	_ =	strace $0x80000047;
	s9 =	sshrl.u32 s8, $0x1  }
0xa: {  	vm2 =	vcmask $0xF0C;
	vm3 =	vcmask $0x1310;
	v1 =	vor.u32 $0x80000000, v0;
	s7 =	sshll.u32 s7, $0x5;
	s31 =	sshll.u32 s5, $0x1;
	s8 =	ssub.s32 s8, s9  }
0xb: {  	vm4 =	vcmask $0x1714;
	vm5 =	vcmask $0x1B18;
	vm6 =	vcmask $0x1F1C;
	[tilespmem:$0x1FFF0] =	vst v1;
	s7 =	sor.u32 s31, s7;
	s9 =	simm.s32 $0x1000;
	s8 =	smax.u32 s8, $0x1  }
.LBB2_1:
0xc: {  	p1 =	por $0x1, $0x1;
	s15 =	simm.s32 $0x0  }
.LBB2_2:
0xd: {  	s15 =	sor.u32 s7, s15  }
0xe: {  	s16 =	sshll.u32 s15, $0x9  }
0xf: {  	s17 =	simm.s32 $0x0;
	s15 =	sshll.u32 s15, $0x1;
	s16 =	sadd.s32 s6, s16  }
0x10: {  	[tilespmem:s17], [sflag:$0x1] =	stream.linear.gather [hbm4b:s16+s17], $0x1000, $0x38;
	[tilespmem:$0x1030] =	vst v63  }
0x11: {  	s31 =	sadd.s32 s0, s15  }
0x12: {  	[tilespmem:s9], [sflag:$0x2] =	stream.linear.gather [hbm4b:s31+s17], $0x10, $0x38;
	[tilespmem:$0x1030] =	vst v63  }
0x13: {  	_ =	swait.ge [sflag:s10], $0x10  }
0x14: {  	[sflag:s10] =	ssyncset.done $0x0  }
0x15: {  	[sflag:s10] =	ssyncadd.s32 $0xFFFFFFF0  }
0x16: {  	_ =	swait.ge [sflag:s11], $0x1000  }
0x17: {  	[sflag:s11] =	ssyncset.done $0x0  }
0x18: {  	[sflag:s11] =	ssyncadd.s32 $0xFFFFF000  }
0x19: {  	v1 =	vld [tilespmem:$0x1000];
	_ =	sdelay $0x4  }
0x1a: {  	v1 =	vxor.u32 $0x80000000, v1  }
0x1b: {  	(xrf1) =	vsort.ascd.msk.u32 $0xffff, v1, v0;
	_ =	sdelay $0xd  }
0x1c: {  	v1, v35, _ =	vpop (xrf1)  }
0x1d: {  	[tilespmem:$0x1FFE0] =	vst v1;
	v1 =	vnsel vm0, $0x7FFFFFFF, v35  }
0x1e: {  	v1 =	vxor.u32 $0x80000000, v1  }
0x1f: {  	(xrf0) =	vmin.scan.msk.u32 $0xffff, v1;
	_ =	sdelay $0x5  }
0x20: {  	v1, _, _ =	vpop (xrf0)  }
0x21: {  	(v2sf) =	vpush v1, $0xF;
	_ =	sdelay $0xe  }
0x22: {  	s17 =	spop (v2sf)  }
0x23: {  	s16 =	sshll.u32 s17, $0xB  }
0x24: {  	s16 =	sshra.s32 s16, $0x2  }
0x25: {  	v1 =	vld [tilespmem:s16+$0x0];
	_ =	sdelay $0x4  }
0x26: {  	[tilespmem:$0x1FB40] =	vst v1;
	v1 =	vld [tilespmem:s16+$0x10];
	_ =	sdelay $0x4  }
0x27: {  	[tilespmem:$0x1FB50] =	vst v1;
	v1 =	vld [tilespmem:s16+$0x20];
	_ =	sdelay $0x4  }
0x28: {  	[tilespmem:$0x1FB80] =	vst v1;
	v1 =	vld [tilespmem:s16+$0x30];
	_ =	sdelay $0x4  }
0x29: {  	[tilespmem:$0x1FBC0] =	vst v1;
	v1 =	vld [tilespmem:s16+$0x40];
	_ =	sdelay $0x4  }
0x2a: {  	[tilespmem:$0x1FBF0] =	vst v1;
	v1 =	vld [tilespmem:s16+$0x50];
	_ =	sdelay $0x3  }
0x2b: {  	vm14 =	vcmask $0x308  }
0x2c: {  	[tilespmem:$0x1FC20] =	vst v1;
	v1 =	vsel vm14, $0x7FFFFFFF, v35  }
0x2d: {  	v1 =	vxor.u32 $0x80000000, v1  }
0x2e: {  	(xrf0) =	vmin.scan.msk.u32 $0xffff, v1;
	v1 =	vld [tilespmem:s16+$0x80];
	_ =	sdelay $0x4  }
0x2f: {  	[tilespmem:$0x1FCB0] =	vst v1;
	v1 =	vld [tilespmem:s16+$0x90];
	_ =	sdelay $0x3  }
0x30: {  	v2 =	vld [tilespmem:s16+$0x60]  }
0x31: {  	[tilespmem:$0x1FCE0] =	vst v1;
	v1 =	vld [tilespmem:s16+$0xA0];
	_ =	sdelay $0x3  }
0x32: {  	[tilespmem:$0x1FC50] =	vst v2;
	v2 =	vld [tilespmem:s16+$0x70]  }
0x33: {  	[tilespmem:$0x1FD10] =	vst v1;
	v1 =	vld [tilespmem:s16+$0xB0];
	_ =	sdelay $0x3  }
0x34: {  	[tilespmem:$0x1FC80] =	vst v2  }
0x35: {  	[tilespmem:$0x1FD40] =	vst v1  }
0x36: {  	v1 =	vld [tilespmem:s16+$0xC0];
	_ =	sdelay $0x4  }
0x37: {  	[tilespmem:$0x1FD60] =	vst v1;
	v1 =	vld [tilespmem:s16+$0xD0];
	_ =	sdelay $0x4  }
0x38: {  	[tilespmem:$0x1FD80] =	vst v1;
	v1, _, _ =	vpop (xrf0)  }
0x39: {  	(v2sf) =	vpush v1, $0xF;
	v1 =	vld [tilespmem:s16+$0xF0];
	_ =	sdelay $0x4  }
0x3a: {  	[tilespmem:$0x1FDC0] =	vst v1;
	v1 =	vld [tilespmem:s16+$0x100];
	_ =	sdelay $0x4  }
0x3b: {  	[tilespmem:$0x1FDE0] =	vst v1;
	v1 =	vld [tilespmem:s16+$0x110];
	_ =	sdelay $0x4  }
0x3c: {  	[tilespmem:$0x1FE00] =	vst v1;
	v1 =	vld [tilespmem:s16+$0x120];
	_ =	sdelay $0x4  }
0x3d: {  	[tilespmem:$0x1FE20] =	vst v1;
	v1 =	vld [tilespmem:s16+$0x130];
	_ =	sdelay $0x4  }
0x3e: {  	[tilespmem:$0x1FE40] =	vst v1;
	v1 =	vld [tilespmem:s16+$0x140];
	_ =	sdelay $0x4  }
0x3f: {  	[tilespmem:$0x1FE60] =	vst v1;
	v1 =	vld [tilespmem:s16+$0x150];
	_ =	sdelay $0x4  }
0x40: {  	[tilespmem:$0x1FE80] =	vst v1;
	v1 =	vld [tilespmem:s16+$0x160];
	_ =	sdelay $0x4  }
0x41: {  	[tilespmem:$0x1FEA0] =	vst v1;
	v1 =	vld [tilespmem:s16+$0x170];
	_ =	sdelay $0x4  }
0x42: {  	[tilespmem:$0x1FEC0] =	vst v1;
	v1 =	vld [tilespmem:s16+$0x180];
	_ =	sdelay $0x4  }
0x43: {  	[tilespmem:$0x1FEE0] =	vst v1;
	v1 =	vld [tilespmem:s16+$0x190];
	_ =	sdelay $0x4  }
0x44: {  	[tilespmem:$0x1FF00] =	vst v1;
	v1 =	vld [tilespmem:s16+$0x1A0];
	_ =	sdelay $0x4  }
0x45: {  	[tilespmem:$0x1FF20] =	vst v1;
	v1 =	vld [tilespmem:s16+$0x1B0];
	_ =	sdelay $0x4  }
0x46: {  	[tilespmem:$0x1FF40] =	vst v1;
	v1 =	vld [tilespmem:s16+$0x1C0];
	_ =	sdelay $0x4  }
0x47: {  	[tilespmem:$0x1FF60] =	vst v1;
	v1 =	vld [tilespmem:s16+$0x1D0];
	_ =	sdelay $0x4  }
0x48: {  	[tilespmem:$0x1FF80] =	vst v1;
	v1 =	vld [tilespmem:s16+$0x1E0];
	_ =	sdelay $0x4  }
0x49: {  	[tilespmem:$0x1FFA0] =	vst v1;
	v1 =	vld [tilespmem:s16+$0x1F0];
	_ =	sdelay $0x1  }
0x4a: {  	s18 =	spop (v2sf)  }
0x4b: {  	s17 =	sshll.u32 s18, $0xB  }
0x4c: {  	s17 =	sshra.s32 s17, $0x2  }
0x4d: {  	[tilespmem:$0x1FFC0] =	vst v1;
	v1 =	vld [tilespmem:s17+$0x0];
	_ =	sdelay $0x4  }
0x4e: {  	[tilespmem:$0x1FB60] =	vst v1;
	v1 =	vld [tilespmem:s17+$0x10];
	_ =	sdelay $0x4  }
0x4f: {  	[tilespmem:$0x1FB70] =	vst v1;
	v1 =	vld [tilespmem:s17+$0x20];
	_ =	sdelay $0x4  }
0x50: {  	[tilespmem:$0x1FBB0] =	vst v1;
	v1 =	vld [tilespmem:s17+$0x30];
	_ =	sdelay $0x4  }
0x51: {  	[tilespmem:$0x1FBE0] =	vst v1;
	v1 =	vld [tilespmem:s17+$0x40];
	_ =	sdelay $0x4  }
0x52: {  	[tilespmem:$0x1FC10] =	vst v1;
	v1 =	vld [tilespmem:s17+$0x50];
	_ =	sdelay $0x3  }
0x53: {  	vm14 =	vcmask $0x70C  }
0x54: {  	[tilespmem:$0x1FC40] =	vst v1;
	v1 =	vsel vm14, $0x7FFFFFFF, v35  }
0x55: {  	v1 =	vxor.u32 $0x80000000, v1  }
0x56: {  	(xrf0) =	vmin.scan.msk.u32 $0xffff, v1;
	v1 =	vld [tilespmem:s17+$0x80];
	_ =	sdelay $0x4  }
0x57: {  	[tilespmem:$0x1FCD0] =	vst v1;
	v1 =	vld [tilespmem:s17+$0x90];
	_ =	sdelay $0x4  }
0x58: {  	[tilespmem:$0x1FD00] =	vst v1;
	v1 =	vld [tilespmem:s17+$0xA0];
	_ =	sdelay $0x4  }
0x59: {  	[tilespmem:$0x1FD30] =	vst v1;
	v1 =	vld [tilespmem:s17+$0xB0];
	_ =	sdelay $0x4  }
0x5a: {  	[tilespmem:$0x1FD50] =	vst v1;
	v1 =	vld [tilespmem:s17+$0xC0];
	_ =	sdelay $0x4  }
0x5b: {  	[tilespmem:$0x1FD70] =	vst v1;
	v1 =	vld [tilespmem:s17+$0xD0];
	_ =	sdelay $0x4  }
0x5c: {  	[tilespmem:$0x1FD90] =	vst v1;
	v1, _, _ =	vpop (xrf0)  }
0x5d: {  	(v2sf) =	vpush v1, $0xF;
	v1 =	vld [tilespmem:s17+$0xF0];
	_ =	sdelay $0x3  }
0x5e: {  	vm14 =	vcmask $0xB10  }
0x5f: {  	[tilespmem:$0x1FDD0] =	vst v1;
	v1 =	vsel vm14, $0x7FFFFFFF, v35  }
0x60: {  	v1 =	vxor.u32 $0x80000000, v1  }
0x61: {  	(xrf0) =	vmin.scan.msk.u32 $0xffff, v1;
	v1 =	vld [tilespmem:s17+$0x120];
	_ =	sdelay $0x4  }
0x62: {  	[tilespmem:$0x1FE30] =	vst v1;
	v1 =	vld [tilespmem:s17+$0x130];
	_ =	sdelay $0x4  }
0x63: {  	[tilespmem:$0x1FE50] =	vst v1;
	v1 =	vld [tilespmem:s17+$0x140];
	_ =	sdelay $0x4  }
0x64: {  	[tilespmem:$0x1FE70] =	vst v1;
	v1 =	vld [tilespmem:s17+$0x150];
	_ =	sdelay $0x4  }
0x65: {  	[tilespmem:$0x1FE90] =	vst v1;
	v1 =	vld [tilespmem:s17+$0x160];
	_ =	sdelay $0x4  }
0x66: {  	[tilespmem:$0x1FEB0] =	vst v1;
	v1 =	vld [tilespmem:s17+$0x170];
	_ =	sdelay $0x4  }
0x67: {  	[tilespmem:$0x1FED0] =	vst v1;
	v1, _, _ =	vpop (xrf0)  }
0x68: {  	(v2sf) =	vpush v1, $0xF;
	v1 =	vld [tilespmem:s17+$0x190];
	_ =	sdelay $0x4  }
0x69: {  	[tilespmem:$0x1FF10] =	vst v1;
	v1 =	vld [tilespmem:s17+$0x1A0];
	_ =	sdelay $0x4  }
0x6a: {  	[tilespmem:$0x1FF30] =	vst v1;
	v1 =	vld [tilespmem:s17+$0x1B0];
	_ =	sdelay $0x4  }
0x6b: {  	[tilespmem:$0x1FF50] =	vst v1;
	v1 =	vld [tilespmem:s17+$0x1C0];
	_ =	sdelay $0x4  }
0x6c: {  	[tilespmem:$0x1FF70] =	vst v1;
	v1 =	vld [tilespmem:s17+$0x1D0];
	_ =	sdelay $0x4  }
0x6d: {  	[tilespmem:$0x1FF90] =	vst v1;
	v1 =	vld [tilespmem:s17+$0x1E0];
	_ =	sdelay $0x4  }
0x6e: {  	[tilespmem:$0x1FFB0] =	vst v1;
	v1 =	vld [tilespmem:s17+$0x1F0];
	_ =	sdelay $0x1  }
0x6f: {  	s19 =	spop (v2sf)  }
0x70: {  	v2 =	vld [tilespmem:s16+$0xE0];
	s16 =	sshll.u32 s19, $0xB  }
0x71: {  	s16 =	sshra.s32 s16, $0x2  }
0x72: {  	[tilespmem:$0x1FFD0] =	vst v1;
	v1 =	vld [tilespmem:s16+$0x0];
	_ =	sdelay $0x4  }
0x73: {  	[tilespmem:$0x1FB90] =	vst v1;
	v1 =	vld [tilespmem:s16+$0x10];
	_ =	sdelay $0x4  }
0x74: {  	[tilespmem:$0x1FBA0] =	vst v1;
	v1 =	vld [tilespmem:s16+$0x20];
	_ =	sdelay $0x4  }
0x75: {  	[tilespmem:$0x1FBD0] =	vst v1;
	v1 =	vld [tilespmem:s16+$0x30];
	_ =	sdelay $0x4  }
0x76: {  	[tilespmem:$0x1FC00] =	vst v1;
	v1 =	vld [tilespmem:s16+$0x40];
	_ =	sdelay $0x3  }
0x77: {  	[tilespmem:$0x1FDA0] =	vst v2;
	v2 =	vld [tilespmem:s17+$0x60]  }
0x78: {  	[tilespmem:$0x1FC30] =	vst v1;
	v1 =	vld [tilespmem:s16+$0x50];
	_ =	sdelay $0x3  }
0x79: {  	[tilespmem:$0x1FC70] =	vst v2;
	v2 =	vld [tilespmem:s17+$0x70]  }
0x7a: {  	[tilespmem:$0x1FC60] =	vst v1;
	v1 =	vld [tilespmem:s16+$0x60];
	_ =	sdelay $0x3  }
0x7b: {  	[tilespmem:$0x1FCA0] =	vst v2;
	v2 =	vld [tilespmem:s17+$0xE0]  }
0x7c: {  	[tilespmem:$0x1FC90] =	vst v1;
	v1 =	vld [tilespmem:s16+$0x70];
	_ =	sdelay $0x3  }
0x7d: {  	[tilespmem:$0x1FDB0] =	vst v2;
	v2 =	vld [tilespmem:s17+$0x100]  }
0x7e: {  	[tilespmem:$0x1FCC0] =	vst v1;
	v1 =	vld [tilespmem:s16+$0x80];
	_ =	sdelay $0x3  }
0x7f: {  	[tilespmem:$0x1FDF0] =	vst v2;
	v2 =	vld [tilespmem:s17+$0x110]  }
0x80: {  	[tilespmem:$0x1FCF0] =	vst v1;
	v1 =	vld [tilespmem:s16+$0x90];
	_ =	sdelay $0x3  }
0x81: {  	[tilespmem:$0x1FE10] =	vst v2;
	vm14 =	vcmask $0xF14;
	s20 =	spop (v2sf)  }
0x82: {  	v2 =	vld [tilespmem:s17+$0x180];
	s17 =	sshll.u32 s20, $0xB;
	[tilespmem:$0x1FD20] =	vst v1;
	v1 =	vsel vm14, $0x7FFFFFFF, v35  }
0x83: {  	s17 =	sshra.s32 s17, $0x2;
	v1 =	vxor.u32 $0x80000000, v1  }
0x84: {  	(xrf0) =	vmin.scan.msk.u32 $0xffff, v1;
	v1 =	vld [tilespmem:s17+$0x50];
	_ =	sdelay $0x4  }
0x85: {  	[tilespmem:$0x1F960] =	vst v1;
	v1 =	vld [tilespmem:s17+$0x60];
	_ =	sdelay $0x4  }
0x86: {  	[tilespmem:$0x1F970] =	vst v1;
	v1 =	vld [tilespmem:s17+$0x70];
	_ =	sdelay $0x4  }
0x87: {  	[tilespmem:$0x1F980] =	vst v1;
	v1 =	vld [tilespmem:s17+$0x80];
	_ =	sdelay $0x4  }
0x88: {  	[tilespmem:$0x1F990] =	vst v1;
	v1 =	vld [tilespmem:s17+$0x90];
	_ =	sdelay $0x4  }
0x89: {  	[tilespmem:$0x1F9A0] =	vst v1;
	v1, _, _ =	vpop (xrf0)  }
0x8a: {  	(v2sf) =	vpush v1, $0xF;
	v1 =	vld [tilespmem:s17+$0xA0];
	_ =	sdelay $0x4  }
0x8b: {  	[tilespmem:$0x1F9B0] =	vst v1;
	v1 =	vld [tilespmem:s17+$0xB0];
	_ =	sdelay $0x4  }
0x8c: {  	[tilespmem:$0x1F9C0] =	vst v1;
	v1 =	vld [tilespmem:s17+$0xC0];
	_ =	sdelay $0x4  }
0x8d: {  	[tilespmem:$0x1F9D0] =	vst v1;
	v1 =	vld [tilespmem:s17+$0xD0];
	_ =	sdelay $0x4  }
0x8e: {  	[tilespmem:$0x1F9E0] =	vst v1;
	v1 =	vld [tilespmem:s17+$0xE0];
	_ =	sdelay $0x4  }
0x8f: {  	[tilespmem:$0x1F9F0] =	vst v1;
	v1 =	vld [tilespmem:s17+$0xF0];
	_ =	sdelay $0x4  }
0x90: {  	[tilespmem:$0x1FA00] =	vst v1;
	v1 =	vld [tilespmem:s17+$0x100];
	_ =	sdelay $0x4  }
0x91: {  	[tilespmem:$0x1FA10] =	vst v1;
	v1 =	vld [tilespmem:s17+$0x110];
	_ =	sdelay $0x4  }
0x92: {  	[tilespmem:$0x1FA20] =	vst v1;
	v1 =	vld [tilespmem:s17+$0x120];
	_ =	sdelay $0x4  }
0x93: {  	[tilespmem:$0x1FA30] =	vst v1;
	v1 =	vld [tilespmem:s17+$0x130];
	_ =	sdelay $0x4  }
0x94: {  	[tilespmem:$0x1FA40] =	vst v1;
	v1 =	vld [tilespmem:s17+$0x140];
	_ =	sdelay $0x4  }
0x95: {  	[tilespmem:$0x1FA60] =	vst v1;
	v1 =	vld [tilespmem:s17+$0x150];
	_ =	sdelay $0x4  }
0x96: {  	[tilespmem:$0x1FA80] =	vst v1;
	v1 =	vld [tilespmem:s17+$0x160];
	_ =	sdelay $0x4  }
0x97: {  	[tilespmem:$0x1FAA0] =	vst v1;
	v1 =	vld [tilespmem:s17+$0x170];
	_ =	sdelay $0x4  }
0x98: {  	[tilespmem:$0x1FAC0] =	vst v1;
	v1 =	vld [tilespmem:s17+$0x180];
	_ =	sdelay $0x4  }
0x99: {  	[tilespmem:$0x1FAE0] =	vst v1;
	v1 =	vld [tilespmem:s17+$0x190];
	_ =	sdelay $0x4  }
0x9a: {  	[tilespmem:$0x1FB00] =	vst v1;
	v1 =	vld [tilespmem:s17+$0x1A0];
	_ =	sdelay $0x4  }
0x9b: {  	[tilespmem:$0x1FB20] =	vst v1;
	v1 =	vld [tilespmem:s17+$0x1B0];
	_ =	sdelay $0x1  }
0x9c: {  	v61 =	vld [tilespmem:s17+$0x0]  }
0x9d: {  	v59 =	vld [tilespmem:s17+$0x10]  }
0x9e: {  	v58 =	vld [tilespmem:s17+$0x20];
	vm14 =	vcmask $0x1318;
	s18 =	spop (v2sf)  }
0x9f: {  	v56 =	vld [tilespmem:s17+$0x30];
	s18 =	sshll.u32 s18, $0xB;
	[tilespmem:$0x1FB30] =	vst v1;
	v1 =	vsel vm14, $0x7FFFFFFF, v35  }
0xa0: {  	v54 =	vld [tilespmem:s17+$0x40];
	s18 =	sshra.s32 s18, $0x2;
	vm14 =	vcmask $0x171C;
	v1 =	vxor.u32 $0x80000000, v1  }
0xa1: {  	v38 =	vld [tilespmem:s18+$0x0];
	(xrf0) =	vmin.scan.msk.u32 $0xffff, v1;
	v1 =	vsel vm14, $0x7FFFFFFF, v35  }
0xa2: {  	v39 =	vld [tilespmem:s18+$0x10];
	v1 =	vxor.u32 $0x80000000, v1  }
0xa3: {  	v40 =	vld [tilespmem:s18+$0x20];
	(xrf0) =	vmin.scan.msk.u32 $0xffff, v1  }
0xa4: {  	v41 =	vld [tilespmem:s18+$0x30]  }
0xa5: {  	v42 =	vld [tilespmem:s18+$0x40]  }
0xa6: {  	v43 =	vld [tilespmem:s18+$0x50]  }
0xa7: {  	v44 =	vld [tilespmem:s18+$0x60];
	v1, _, _ =	vpop (xrf0)  }
0xa8: {  	v45 =	vld [tilespmem:s18+$0x70];
	(v2sf) =	vpush v1, $0xF  }
0xa9: {  	v46 =	vld [tilespmem:s18+$0x80];
	v1, _, _ =	vpop (xrf0)  }
0xaa: {  	(v2sf) =	vpush v1, $0xF;
	v1 =	vld [tilespmem:s18+$0x150]  }
0xab: {  	v47 =	vld [tilespmem:s18+$0x90]  }
0xac: {  	v48 =	vld [tilespmem:s18+$0xA0]  }
0xad: {  	v49 =	vld [tilespmem:s18+$0xB0]  }
0xae: {  	v50 =	vld [tilespmem:s18+$0xC0]  }
0xaf: {  	[tilespmem:$0x1FA50] =	vst v1;
	v1 =	vld [tilespmem:s18+$0x160]  }
0xb0: {  	v51 =	vld [tilespmem:s18+$0xD0]  }
0xb1: {  	v52 =	vld [tilespmem:s18+$0xE0]  }
0xb2: {  	v53 =	vld [tilespmem:s18+$0xF0]  }
0xb3: {  	v63 =	vld [tilespmem:s18+$0x100]  }
0xb4: {  	[tilespmem:$0x1FA70] =	vst v1;
	v1 =	vld [tilespmem:s18+$0x170]  }
0xb5: {  	v62 =	vld [tilespmem:s18+$0x110]  }
0xb6: {  	v60 =	vld [tilespmem:s18+$0x120]  }
0xb7: {  	v57 =	vld [tilespmem:s18+$0x130];
	s19 =	spop (v2sf)  }
0xb8: {  	v55 =	vld [tilespmem:s18+$0x140];
	s19 =	sshll.u32 s19, $0xB  }
0xb9: {  	[tilespmem:$0x1FA90] =	vst v1;
	v1 =	vld [tilespmem:s18+$0x180];
	s20 =	sshra.s32 s19, $0x2;
	s21 =	spop (v2sf)  }
0xba: {  	s19 =	sshll.u32 s21, $0xB;
	v36 =	vld [tilespmem:s20+$0x0]  }
0xbb: {  	v37 =	vld [tilespmem:s20+$0x10];
	s19 =	sshra.s32 s19, $0x2  }
0xbc: {  	v33 =	vld [tilespmem:s19+$0x0]  }
0xbd: {  	v22 =	vsel vm7, $0x7FFFFFFF, v35;
	v7 =	vld [tilespmem:s19+$0x10]  }
0xbe: {  	v22 =	vxor.u32 $0x80000000, v22;
	v8 =	vld [tilespmem:s19+$0x20]  }
0xbf: {  	(xrf0) =	vmin.scan.msk.u32 $0xffff, v22;
	v22 =	vld [tilespmem:s19+$0x30]  }
0xc0: {  	v9 =	vld [tilespmem:s19+$0x40]  }
0xc1: {  	v10 =	vld [tilespmem:s19+$0x50]  }
0xc2: {  	v11 =	vld [tilespmem:s19+$0x60]  }
0xc3: {  	v12 =	vld [tilespmem:s19+$0x70]  }
0xc4: {  	v13 =	vld [tilespmem:s19+$0x80]  }
0xc5: {  	v29, _, _ =	vpop (xrf0);
	v14 =	vld [tilespmem:s19+$0x90]  }
0xc6: {  	(v2sf) =	vpush v29, $0xF;
	v29 =	vld [tilespmem:s19+$0xA0]  }
0xc7: {  	v15 =	vld [tilespmem:s19+$0xB0]  }
0xc8: {  	v16 =	vld [tilespmem:s19+$0xC0]  }
0xc9: {  	v17 =	vld [tilespmem:s19+$0xD0]  }
0xca: {  	v18 =	vld [tilespmem:s19+$0xE0]  }
0xcb: {  	v19 =	vld [tilespmem:s19+$0xF0]  }
0xcc: {  	[tilespmem:$0x1FAB0] =	vst v1;
	v1 =	vld [tilespmem:s18+$0x190]  }
0xcd: {  	v20 =	vld [tilespmem:s19+$0x100]  }
0xce: {  	v21 =	vld [tilespmem:s19+$0x110]  }
0xcf: {  	v23 =	vld [tilespmem:s19+$0x120]  }
0xd0: {  	v24 =	vld [tilespmem:s19+$0x130]  }
0xd1: {  	[tilespmem:$0x1FAD0] =	vst v1;
	v1 =	vld [tilespmem:s18+$0x1A0]  }
0xd2: {  	v25 =	vld [tilespmem:s19+$0x140]  }
0xd3: {  	v26 =	vld [tilespmem:s19+$0x150]  }
0xd4: {  	v27 =	vld [tilespmem:s19+$0x160]  }
0xd5: {  	v28 =	vld [tilespmem:s19+$0x170]  }
0xd6: {  	[tilespmem:$0x1FAF0] =	vst v1;
	v1 =	vld [tilespmem:s18+$0x1B0]  }
0xd7: {  	v30 =	vld [tilespmem:s19+$0x180]  }
0xd8: {  	v31 =	vld [tilespmem:s19+$0x190];
	s21 =	spop (v2sf)  }
0xd9: {  	v32 =	vld [tilespmem:s19+$0x1A0];
	s21 =	sshll.u32 s21, $0xB  }
0xda: {  	v34 =	vld [tilespmem:s19+$0x1B0];
	s21 =	sshra.s32 s21, $0x2  }
0xdb: {  	[tilespmem:$0x1FB10] =	vst v1;
	v1 =	vld [tilespmem:s21+$0x0]  }
0xdc: {  	[tilespmem:$0x1FEF0] =	vst v2;
	v2 =	vld [tilespmem:s21+$0x10]  }
0xdd: {  	v3 =	vld [tilespmem:s21+$0x20]  }
0xde: {  	v4 =	vld [tilespmem:s21+$0x30]  }
0xdf: {  	v5 =	vld [tilespmem:s21+$0x40]  }
0xe0: {  	v6 =	vld [tilespmem:s21+$0x50];
	v1 =	vmax.f32 v1, $-3.000000010e+38  }
0xe1: {  	v1 =	vmax.f32 v1, v2;
	v2 =	vmax.f32 v33, $-3.000000010e+38;
	v33 =	vld [tilespmem:s21+$0x60]  }
0xe2: {  	v1 =	vmax.f32 v1, v3;
	v3 =	vld [tilespmem:s21+$0x70]  }
0xe3: {  	v2 =	vmax.f32 v2, v7;
	v7 =	vld [tilespmem:s21+$0xB0]  }
0xe4: {  	v1 =	vmax.f32 v1, v4;
	v4 =	vld [tilespmem:s21+$0x80]  }
0xe5: {  	v2 =	vmax.f32 v2, v8;
	v8 =	vld [tilespmem:s20+$0x70]  }
0xe6: {  	v1 =	vmax.f32 v1, v5;
	v5 =	vld [tilespmem:s21+$0x90]  }
0xe7: {  	v2 =	vmax.f32 v2, v22;
	v1 =	vmax.f32 v1, v6;
	v6 =	vld [tilespmem:s21+$0xA0]  }
0xe8: {  	v22 =	vld [tilespmem:$0x1FBD0];
	v2 =	vmax.f32 v2, v9;
	v1 =	vmax.f32 v1, v33  }
0xe9: {  	v2 =	vmax.f32 v2, v10;
	v1 =	vmax.f32 v1, v3;
	v3 =	vld [tilespmem:s21+$0xC0]  }
0xea: {  	v2 =	vmax.f32 v2, v11;
	v1 =	vmax.f32 v1, v4;
	v4 =	vld [tilespmem:s21+$0xD0]  }
0xeb: {  	v2 =	vmax.f32 v2, v12;
	v1 =	vmax.f32 v1, v5;
	v5 =	vld [tilespmem:s21+$0xE0]  }
0xec: {  	v2 =	vmax.f32 v2, v13;
	v1 =	vmax.f32 v1, v6;
	v6 =	vld [tilespmem:s21+$0xF0]  }
0xed: {  	v2 =	vmax.f32 v2, v14;
	v1 =	vmax.f32 v1, v7;
	v7 =	vld [tilespmem:s21+$0x100]  }
0xee: {  	v2 =	vmax.f32 v2, v29;
	v29 =	vld [tilespmem:s16+$0x180]  }
0xef: {  	v1 =	vmax.f32 v1, v3;
	v3 =	vld [tilespmem:s21+$0x110]  }
0xf0: {  	v2 =	vmax.f32 v2, v15;
	v15 =	vld [tilespmem:$0x1FC00]  }
0xf1: {  	v1 =	vmax.f32 v1, v4;
	v4 =	vld [tilespmem:s21+$0x120]  }
0xf2: {  	v2 =	vmax.f32 v2, v16;
	v16 =	vld [tilespmem:$0x1FC30]  }
0xf3: {  	v1 =	vmax.f32 v1, v5;
	v5 =	vld [tilespmem:s21+$0x130]  }
0xf4: {  	v2 =	vmax.f32 v2, v17;
	v17 =	vld [tilespmem:$0x1FC60]  }
0xf5: {  	v1 =	vmax.f32 v1, v6;
	v6 =	vld [tilespmem:s21+$0x140]  }
0xf6: {  	v2 =	vmax.f32 v2, v18;
	v18 =	vld [tilespmem:$0x1FC90]  }
0xf7: {  	v1 =	vmax.f32 v1, v7;
	v7 =	vld [tilespmem:s21+$0x150]  }
0xf8: {  	v2 =	vmax.f32 v2, v19;
	v19 =	vld [tilespmem:$0x1FCC0]  }
0xf9: {  	v1 =	vmax.f32 v1, v3;
	v3 =	vld [tilespmem:s21+$0x160]  }
0xfa: {  	v2 =	vmax.f32 v2, v20;
	v20 =	vld [tilespmem:$0x1FCF0]  }
0xfb: {  	v1 =	vmax.f32 v1, v4;
	v4 =	vld [tilespmem:s21+$0x170]  }
0xfc: {  	v2 =	vmax.f32 v2, v21;
	v1 =	vmax.f32 v1, v5;
	v5 =	vld [tilespmem:s21+$0x180]  }
0xfd: {  	v2 =	vmax.f32 v2, v23;
	v23 =	vld [tilespmem:$0x1FBE0]  }
0xfe: {  	v1 =	vmax.f32 v1, v6;
	v6 =	vld [tilespmem:s21+$0x190]  }
0xff: {  	v2 =	vmax.f32 v2, v24;
	v24 =	vld [tilespmem:$0x1FBF0]  }
0x100: {  	v1 =	vmax.f32 v1, v7;
	v7 =	vld [tilespmem:s21+$0x1A0]  }
0x101: {  	v2 =	vmax.f32 v2, v25;
	v25 =	vld [tilespmem:s16+$0x110]  }
0x102: {  	v1 =	vmax.f32 v1, v3;
	v3 =	vld [tilespmem:s21+$0x1B0]  }
0x103: {  	v2 =	vmax.f32 v2, v26;
	v26 =	vld [tilespmem:$0x1FD20]  }
0x104: {  	v1 =	vmax.f32 v1, v4;
	v4 =	vld [tilespmem:s21+$0x1C0]  }
0x105: {  	v2 =	vmax.f32 v2, v27;
	v27 =	vld [tilespmem:$0x1FD30]  }
0x106: {  	v1 =	vmax.f32 v1, v5;
	v5 =	vld [tilespmem:s19+$0x1C0]  }
0x107: {  	v2 =	vmax.f32 v2, v28;
	v28 =	vld [tilespmem:$0x1FD40]  }
0x108: {  	v1 =	vmax.f32 v1, v6;
	v6 =	vld [tilespmem:s20+$0x20]  }
0x109: {  	v2 =	vmax.f32 v2, v30;
	v30 =	vld [tilespmem:$0x1FD50]  }
0x10a: {  	v1 =	vmax.f32 v1, v7;
	v7 =	vld [tilespmem:s20+$0x30]  }
0x10b: {  	v2 =	vmax.f32 v2, v31;
	v31 =	vld [tilespmem:$0x1FD60]  }
0x10c: {  	v1 =	vmax.f32 v1, v3;
	v3 =	vld [tilespmem:s20+$0x40]  }
0x10d: {  	v2 =	vmax.f32 v2, v32;
	v32 =	vld [tilespmem:s16+$0x190]  }
0x10e: {  	v33 =	vmax.f32 v1, v4;
	v4 =	vld [tilespmem:s20+$0x50]  }
0x10f: {  	v1 =	vmax.f32 v2, v34;
	v34 =	vld [tilespmem:$0x1FDB0]  }
0x110: {  	v2 =	vmax.f32 v36, $-3.000000010e+38;
	v36 =	vmax.f32 v1, v5;
	v5 =	vld [tilespmem:s20+$0x60]  }
0x111: {  	v1 =	vmax.f32 v2, v37;
	v37 =	vld [tilespmem:$0x1FDC0]  }
0x112: {  	v2 =	vmax.f32 v38, $-3.000000010e+38;
	v38 =	vld [tilespmem:s16+$0x1C0]  }
0x113: {  	v1 =	vmax.f32 v1, v6;
	v6 =	vmax.f32 v61, $-3.000000010e+38;
	v61 =	vld [tilespmem:$0x1FBB0]  }
0x114: {  	v2 =	vmax.f32 v2, v39;
	v39 =	vld [tilespmem:$0x1FDD0]  }
0x115: {  	v1 =	vmax.f32 v1, v7;
	v7 =	vld [tilespmem:s20+$0x80]  }
0x116: {  	v6 =	vmax.f32 v6, v59;
	v59 =	vld [tilespmem:s16+$0xF0]  }
0x117: {  	v2 =	vmax.f32 v2, v40;
	v40 =	vld [tilespmem:$0x1FDE0]  }
0x118: {  	v1 =	vmax.f32 v1, v3;
	v3 =	vmax.f32 v6, v58;
	v6 =	vld [tilespmem:s20+$0x90]  }
0x119: {  	v58 =	vld [tilespmem:$0x1FB90]  }
0x11a: {  	v2 =	vmax.f32 v2, v41;
	v41 =	vld [tilespmem:s16+$0x1D0]  }
0x11b: {  	v1 =	vmax.f32 v1, v4;
	v4 =	vld [tilespmem:s20+$0xA0]  }
0x11c: {  	v3 =	vmax.f32 v3, v56;
	v56 =	vld [tilespmem:$0x1FB70]  }
0x11d: {  	v2 =	vmax.f32 v2, v42;
	v42 =	vld [tilespmem:$0x1FDF0]  }
0x11e: {  	v1 =	vmax.f32 v1, v5;
	v5 =	vld [tilespmem:s20+$0xB0]  }
0x11f: {  	v3 =	vmax.f32 v3, v54;
	v54 =	vld [tilespmem:s16+$0xD0]  }
0x120: {  	v2 =	vmax.f32 v2, v43;
	v43 =	vld [tilespmem:$0x1FE00]  }
0x121: {  	v1 =	vmax.f32 v1, v8;
	v8 =	vld [tilespmem:$0x1F960]  }
0x122: {  	v2 =	vmax.f32 v2, v44;
	v44 =	vld [tilespmem:s16+$0x1E0]  }
0x123: {  	v1 =	vmax.f32 v1, v7;
	v7 =	vld [tilespmem:$0x1F970]  }
0x124: {  	v2 =	vmax.f32 v2, v45;
	v45 =	vld [tilespmem:$0x1FE10]  }
0x125: {  	v1 =	vmax.f32 v1, v6;
	v6 =	vld [tilespmem:$0x1F980]  }
0x126: {  	v2 =	vmax.f32 v2, v46;
	v46 =	vld [tilespmem:$0x1FE20]  }
0x127: {  	v11 =	vmax.f32 v58, $-3.000000010e+38;
	v58 =	vld [tilespmem:$0x1FFA0]  }
0x128: {  	v1 =	vmax.f32 v1, v4;
	v4 =	vld [tilespmem:$0x1F990]  }
0x129: {  	v2 =	vmax.f32 v2, v47;
	v47 =	vld [tilespmem:s16+$0x1F0]  }
0x12a: {  	v1 =	vmax.f32 v1, v5;
	v5 =	vld [tilespmem:$0x1F9A0]  }
0x12b: {  	v2 =	vmax.f32 v2, v48;
	v48 =	vld [tilespmem:$0x1FE30]  }
0x12c: {  	v3 =	vmax.f32 v3, v8;
	v8 =	vld [tilespmem:s20+$0xC0]  }
0x12d: {  	v2 =	vmax.f32 v2, v49;
	v49 =	vld [tilespmem:$0x1FE40]  }
0x12e: {  	v3 =	vmax.f32 v3, v7;
	v7 =	vld [tilespmem:s20+$0xD0]  }
0x12f: {  	v2 =	vmax.f32 v2, v50;
	v50 =	vld [tilespmem:s17+$0x1D0]  }
0x130: {  	v3 =	vmax.f32 v3, v6;
	v6 =	vld [tilespmem:s20+$0xE0]  }
0x131: {  	v2 =	vmax.f32 v2, v51;
	v51 =	vld [tilespmem:$0x1FF10]  }
0x132: {  	v3 =	vmax.f32 v3, v4;
	v4 =	vld [tilespmem:s20+$0xF0]  }
0x133: {  	v2 =	vmax.f32 v2, v52;
	v52 =	vld [tilespmem:$0x1FF20]  }
0x134: {  	v3 =	vmax.f32 v3, v5;
	v5 =	vld [tilespmem:s20+$0x100]  }
0x135: {  	v2 =	vmax.f32 v2, v53;
	v53 =	vld [tilespmem:s20+$0x1E0]  }
0x136: {  	v1 =	vmax.f32 v1, v8;
	v8 =	vld [tilespmem:$0x1F9B0]  }
0x137: {  	v2 =	vmax.f32 v2, v63;
	v63 =	vld [tilespmem:s16+$0x100]  }
0x138: {  	v1 =	vmax.f32 v1, v7;
	v7 =	vld [tilespmem:$0x1F9C0]  }
0x139: {  	v2 =	vmax.f32 v2, v62;
	v62 =	vld [tilespmem:$0x1FBC0]  }
0x13a: {  	v1 =	vmax.f32 v1, v6;
	v6 =	vld [tilespmem:$0x1F9D0]  }
0x13b: {  	v2 =	vmax.f32 v2, v60;
	v60 =	vld [tilespmem:$0x1FBA0]  }
0x13c: {  	v1 =	vmax.f32 v1, v4;
	v4 =	vld [tilespmem:$0x1F9E0]  }
0x13d: {  	v2 =	vmax.f32 v2, v57;
	v57 =	vld [tilespmem:$0x1FB80]  }
0x13e: {  	v3 =	vmax.f32 v3, v8;
	v8 =	vld [tilespmem:s20+$0x110]  }
0x13f: {  	v3 =	vmax.f32 v3, v7;
	v7 =	vld [tilespmem:s20+$0x120]  }
0x140: {  	v1 =	vmax.f32 v1, v5;
	v5 =	vld [tilespmem:$0x1F9F0]  }
0x141: {  	v2 =	vmax.f32 v2, v55;
	v55 =	vld [tilespmem:s16+$0xE0]  }
0x142: {  	v3 =	vmax.f32 v3, v6;
	v6 =	vld [tilespmem:s20+$0x130]  }
0x143: {  	v1 =	vmax.f32 v1, v8;
	v8 =	vld [tilespmem:$0x1FA00]  }
0x144: {  	v1 =	vmax.f32 v1, v7;
	v7 =	vld [tilespmem:$0x1FA10]  }
0x145: {  	v11 =	vmax.f32 v11, v60;
	v60 =	vld [tilespmem:$0x1FFB0]  }
0x146: {  	v3 =	vmax.f32 v3, v4;
	v4 =	vld [tilespmem:s20+$0x140]  }
0x147: {  	v3 =	vmax.f32 v3, v5;
	v5 =	vld [tilespmem:s20+$0x150]  }
0x148: {  	v3 =	vmax.f32 v3, v8;
	v8 =	vld [tilespmem:s20+$0x160]  }
0x149: {  	v3 =	vmax.f32 v3, v7;
	v7 =	vld [tilespmem:s20+$0x170]  }
0x14a: {  	v11 =	vmax.f32 v11, v22;
	v1 =	vmax.f32 v1, v6;
	v6 =	vld [tilespmem:$0x1FA20]  }
0x14b: {  	v11 =	vmax.f32 v11, v15;
	v15 =	vld [tilespmem:$0x1FC10];
	v1 =	vmax.f32 v1, v4  }
0x14c: {  	v11 =	vmax.f32 v11, v16;
	v16 =	vld [tilespmem:$0x1FC40];
	v1 =	vmax.f32 v1, v5  }
0x14d: {  	v1 =	vmax.f32 v1, v8;
	v8 =	vld [tilespmem:$0x1FA50]  }
0x14e: {  	v1 =	vmax.f32 v1, v7;
	v7 =	vld [tilespmem:$0x1FA70]  }
0x14f: {  	v3 =	vmax.f32 v3, v6;
	v6 =	vld [tilespmem:s20+$0x180]  }
0x150: {  	v4 =	vld [tilespmem:$0x1FA30]  }
0x151: {  	v5 =	vld [tilespmem:$0x1FA40]  }
0x152: {  	v2 =	vmax.f32 v2, v8;
	v8 =	vld [tilespmem:$0x1FA60]  }
0x153: {  	v2 =	vmax.f32 v2, v7;
	v7 =	vld [tilespmem:$0x1FA80]  }
0x154: {  	v1 =	vmax.f32 v1, v6;
	v6 =	vld [tilespmem:$0x1FA90]  }
0x155: {  	v3 =	vmax.f32 v3, v4;
	v4 =	vld [tilespmem:s20+$0x190]  }
0x156: {  	v3 =	vmax.f32 v3, v5;
	v5 =	vld [tilespmem:s20+$0x1A0]  }
0x157: {  	v3 =	vmax.f32 v3, v8;
	v8 =	vld [tilespmem:s20+$0x1B0]  }
0x158: {  	v3 =	vmax.f32 v3, v7;
	v7 =	vld [tilespmem:s20+$0x1C0]  }
0x159: {  	v2 =	vmax.f32 v2, v6;
	v6 =	vld [tilespmem:$0x1FAA0]  }
0x15a: {  	v1 =	vmax.f32 v1, v4;
	v4 =	vld [tilespmem:$0x1FAB0]  }
0x15b: {  	v1 =	vmax.f32 v1, v5;
	v5 =	vld [tilespmem:$0x1FAD0]  }
0x15c: {  	v1 =	vmax.f32 v1, v8;
	v8 =	vld [tilespmem:$0x1FAF0]  }
0x15d: {  	v1 =	vmax.f32 v1, v7;
	v7 =	vld [tilespmem:$0x1FB10]  }
0x15e: {  	v3 =	vmax.f32 v3, v6;
	v6 =	vld [tilespmem:s18+$0x1C0]  }
0x15f: {  	v2 =	vmax.f32 v2, v4;
	v4 =	vld [tilespmem:$0x1FAC0]  }
0x160: {  	v2 =	vmax.f32 v2, v5;
	v5 =	vld [tilespmem:$0x1FAE0]  }
0x161: {  	v2 =	vmax.f32 v2, v8;
	v8 =	vld [tilespmem:$0x1FB00]  }
0x162: {  	v2 =	vmax.f32 v2, v7;
	v7 =	vld [tilespmem:$0x1FB20]  }
0x163: {  	v2 =	vmax.f32 v2, v6;
	v6 =	vld [tilespmem:$0x1FB30]  }
0x164: {  	v3 =	vmax.f32 v3, v4;
	v4 =	vld [tilespmem:s17+$0x1C0]  }
0x165: {  	v11 =	vmax.f32 v11, v17;
	v17 =	vld [tilespmem:$0x1FC70];
	v3 =	vmax.f32 v3, v5  }
0x166: {  	v11 =	vmax.f32 v11, v18;
	v18 =	vld [tilespmem:$0x1FCA0];
	v3 =	vmax.f32 v3, v8  }
0x167: {  	v5 =	vld [tilespmem:s16+$0xA0];
	v3 =	vmax.f32 v3, v7  }
0x168: {  	v3 =	vmax.f32 v3, v6;
	v6 =	vld [tilespmem:$0x1FB40]  }
0x169: {  	v3 =	vmax.f32 v3, v4;
	v4 =	vld [tilespmem:$0x1FB50]  }
0x16a: {  	v8 =	vld [tilespmem:s16+$0xB0]  }
0x16b: {  	v11 =	vmax.f32 v11, v19;
	v7 =	vld [tilespmem:s16+$0xC0]  }
0x16c: {  	v19 =	vld [tilespmem:$0x1FCD0];
	v11 =	vmax.f32 v11, v20  }
0x16d: {  	v20 =	vld [tilespmem:$0x1FD00];
	v11 =	vmax.f32 v11, v26;
	v6 =	vmax.f32 v6, $-3.000000010e+38  }
0x16e: {  	v5 =	vmax.f32 v11, v5;
	v4 =	vmax.f32 v6, v4;
	v6 =	vld [tilespmem:$0x1FB60]  }
0x16f: {  	v5 =	vmax.f32 v5, v8;
	v8 =	vld [tilespmem:$0x1FD70]  }
0x170: {  	v5 =	vmax.f32 v5, v7;
	v7 =	vld [tilespmem:$0x1FD90]  }
0x171: {  	v5 =	vmax.f32 v5, v54;
	v54 =	vld [tilespmem:$0x1FF30]  }
0x172: {  	v5 =	vmax.f32 v5, v55;
	v55 =	vld [tilespmem:$0x1FF40]  }
0x173: {  	v4 =	vmax.f32 v4, v57;
	v57 =	vld [tilespmem:$0x1FF90];
	v6 =	vmax.f32 v6, $-3.000000010e+38  }
0x174: {  	v5 =	vmax.f32 v5, v59;
	v59 =	vld [tilespmem:s19+$0x1F0];
	v6 =	vmax.f32 v6, v56  }
0x175: {  	v4 =	vmax.f32 v4, v62;
	v62 =	vld [tilespmem:s21+$0x1D0];
	v6 =	vmax.f32 v6, v61  }
0x176: {  	v5 =	vmax.f32 v5, v63;
	v63 =	vld [tilespmem:$0x1FFD0];
	v6 =	vmax.f32 v6, v23  }
0x177: {  	v6 =	vmax.f32 v6, v15;
	v15 =	vld [tilespmem:$0x1FC20]  }
0x178: {  	v6 =	vmax.f32 v6, v16;
	v16 =	vld [tilespmem:$0x1FC50]  }
0x179: {  	v6 =	vmax.f32 v6, v17;
	v17 =	vld [tilespmem:$0x1FC80]  }
0x17a: {  	v6 =	vmax.f32 v6, v18;
	v18 =	vld [tilespmem:$0x1FCB0]  }
0x17b: {  	v4 =	vmax.f32 v4, v24;
	v6 =	vmax.f32 v6, v19;
	v19 =	vld [tilespmem:$0x1FCE0]  }
0x17c: {  	v4 =	vmax.f32 v4, v15;
	v15 =	vld [tilespmem:s16+$0x120]  }
0x17d: {  	v6 =	vmax.f32 v6, v20;
	v20 =	vld [tilespmem:$0x1FD10]  }
0x17e: {  	v4 =	vmax.f32 v4, v16;
	v16 =	vld [tilespmem:s16+$0x130]  }
0x17f: {  	v6 =	vmax.f32 v6, v27;
	v4 =	vmax.f32 v4, v17;
	v17 =	vld [tilespmem:s16+$0x140]  }
0x180: {  	v6 =	vmax.f32 v6, v30;
	v4 =	vmax.f32 v4, v18;
	v18 =	vld [tilespmem:s16+$0x150]  }
0x181: {  	v6 =	vmax.f32 v6, v8;
	v8 =	vld [tilespmem:$0x1FD80]  }
0x182: {  	v4 =	vmax.f32 v4, v19;
	v19 =	vld [tilespmem:s16+$0x160]  }
0x183: {  	v6 =	vmax.f32 v6, v7;
	v7 =	vld [tilespmem:$0x1FDA0]  }
0x184: {  	v5 =	vmax.f32 v5, v25;
	v4 =	vmax.f32 v4, v20;
	v20 =	vld [tilespmem:s16+$0x170]  }
0x185: {  	v5 =	vmax.f32 v5, v15;
	v15 =	vld [tilespmem:$0x1FE50]  }
0x186: {  	v4 =	vmax.f32 v4, v28;
	v5 =	vmax.f32 v5, v16;
	v16 =	vld [tilespmem:$0x1FE70]  }
0x187: {  	v6 =	vmax.f32 v6, v34;
	v4 =	vmax.f32 v4, v31;
	v5 =	vmax.f32 v5, v17;
	v17 =	vld [tilespmem:$0x1FE90]  }
0x188: {  	v6 =	vmax.f32 v6, v39;
	v4 =	vmax.f32 v4, v8;
	v8 =	vld [tilespmem:s16+$0x1A0]  }
0x189: {  	v6 =	vmax.f32 v6, v42;
	v5 =	vmax.f32 v5, v18;
	v18 =	vld [tilespmem:$0x1FEB0]  }
0x18a: {  	v6 =	vmax.f32 v6, v45;
	v4 =	vmax.f32 v4, v7;
	v7 =	vld [tilespmem:s16+$0x1B0]  }
0x18b: {  	v6 =	vmax.f32 v6, v48;
	v5 =	vmax.f32 v5, v19;
	v19 =	vld [tilespmem:$0x1FED0]  }
0x18c: {  	v6 =	vmax.f32 v6, v15;
	v15 =	vld [tilespmem:$0x1FE60]  }
0x18d: {  	v5 =	vmax.f32 v5, v20;
	v20 =	vld [tilespmem:$0x1FEF0]  }
0x18e: {  	v6 =	vmax.f32 v6, v16;
	v16 =	vld [tilespmem:$0x1FE80]  }
0x18f: {  	v4 =	vmax.f32 v4, v37;
	v5 =	vmax.f32 v5, v29;
	v6 =	vmax.f32 v6, v17;
	v17 =	vld [tilespmem:$0x1FEA0]  }
0x190: {  	v4 =	vmax.f32 v4, v40;
	v5 =	vmax.f32 v5, v32;
	v6 =	vmax.f32 v6, v18;
	v18 =	vld [tilespmem:$0x1FEC0]  }
0x191: {  	v4 =	vmax.f32 v4, v43;
	v5 =	vmax.f32 v5, v8;
	v8 =	vld [tilespmem:$0x1FF50]  }
0x192: {  	v4 =	vmax.f32 v4, v46;
	v6 =	vmax.f32 v6, v19;
	v19 =	vld [tilespmem:$0x1FEE0]  }
0x193: {  	v4 =	vmax.f32 v4, v49;
	v5 =	vmax.f32 v5, v7;
	v7 =	vld [tilespmem:$0x1FF70]  }
0x194: {  	v4 =	vmax.f32 v4, v15;
	v6 =	vmax.f32 v6, v20;
	v20 =	vld [tilespmem:$0x1FF00]  }
0x195: {  	v61 =	vld [tilespmem:$0x1FFC0];
	v4 =	vmax.f32 v4, v16;
	v6 =	vmax.f32 v6, v51  }
0x196: {  	v15 =	vld [tilespmem:s17+$0x1E0];
	v4 =	vmax.f32 v4, v17;
	v6 =	vmax.f32 v6, v54  }
0x197: {  	v4 =	vmax.f32 v4, v18;
	v6 =	vmax.f32 v6, v8;
	v8 =	vld [tilespmem:$0x1FF60]  }
0x198: {  	v4 =	vmax.f32 v4, v19;
	v6 =	vmax.f32 v6, v7;
	v7 =	vld [tilespmem:$0x1FF80]  }
0x199: {  	v16 =	vld [tilespmem:s17+$0x1F0];
	v4 =	vmax.f32 v4, v20  }
0x19a: {  	v17 =	vld [tilespmem:s18+$0x1D0];
	v4 =	vmax.f32 v4, v52  }
0x19b: {  	v18 =	vld [tilespmem:s18+$0x1E0];
	v4 =	vmax.f32 v4, v55  }
0x19c: {  	v19 =	vld [tilespmem:s18+$0x1F0];
	v4 =	vmax.f32 v4, v8  }
0x19d: {  	v20 =	vld [tilespmem:s20+$0x1D0];
	v4 =	vmax.f32 v4, v7  }
0x19e: {  	v8 =	vld [tilespmem:s19+$0x1D0];
	v4 =	vmax.f32 v4, v58  }
0x19f: {  	v5 =	vmax.f32 v5, v38;
	v6 =	vmax.f32 v6, v57;
	v7 =	vld [tilespmem:s19+$0x1E0];
	v4 =	vmax.f32 v4, v61  }
0x1a0: {  	v3 =	vmax.f32 v3, v50;
	v5 =	vmax.f32 v5, v41;
	v6 =	vmax.f32 v6, v60;
	(xrf0) =	vmax.scan.msk.f32 $0xffff, v4;
	v4 =	vld [tilespmem:s21+$0x1E0]  }
0x1a1: {  	v56 =	vld [tilespmem:s20+$0x1F0];
	v5 =	vmax.f32 v5, v44;
	v6 =	vmax.f32 v6, v63;
	v2 =	vmax.f32 v2, v17  }
0x1a2: {  	v5 =	vmax.f32 v5, v47;
	v3 =	vmax.f32 v3, v15;
	v2 =	vmax.f32 v2, v18;
	(xrf0) =	vmax.scan.msk.f32 $0xffff, v6;
	v6 =	vld [tilespmem:s21+$0x1F0]  }
0x1a3: {  	v3 =	vmax.f32 v3, v16;
	v2 =	vmax.f32 v2, v19;
	(xrf0) =	vmax.scan.msk.f32 $0xffff, v5  }
0x1a4: {  	v1 =	vmax.f32 v1, v20;
	v5 =	vmax.f32 v36, v8;
	(xrf0) =	vmax.scan.msk.f32 $0xffff, v3;
	v3 =	vmax.f32 v33, v62  }
0x1a5: {  	v1 =	vmax.f32 v1, v53;
	v5 =	vmax.f32 v5, v7;
	(xrf0) =	vmax.scan.msk.f32 $0xffff, v2;
	v2 =	vmax.f32 v3, v4  }
0x1a6: {  	v1 =	vmax.f32 v1, v56;
	v3 =	vmax.f32 v5, v59  }
0x1a7: {  	(xrf0) =	vmax.scan.msk.f32 $0xffff, v1;
	v1 =	vmax.f32 v2, v6  }
0x1a8: {  	v2, _, _ =	vpop (xrf0);
	(xrf0) =	vmax.scan.msk.f32 $0xffff, v3  }
0x1a9: {  	v2 =	vbroadcast v2, $0xF;
	v3, _, _ =	vpop (xrf0);
	(xrf0) =	vmax.scan.msk.f32 $0xffff, v1  }
0x1aa: {  	v1, _, _ =	vpop (xrf0);
	v3 =	vbroadcast v3, $0xF  }
0x1ab: {  	v4, _, _ =	vpop (xrf0);
	v2 =	vnsel vm0, $0xFF61B1E6, v2;
	v1 =	vbroadcast v1, $0xF  }
0x1ac: {  	v5, _, _ =	vpop (xrf0);
	v2 =	vsel vm8, v2, v3;
	v3 =	vbroadcast v4, $0xF  }
0x1ad: {  	v4, _, _ =	vpop (xrf0);
	v1 =	vsel vm9, v2, v1;
	v2 =	vbroadcast v5, $0xF  }
0x1ae: {  	v5, _, _ =	vpop (xrf0);
	v1 =	vsel vm10, v1, v3;
	v3 =	vbroadcast v4, $0xF  }
0x1af: {  	v1 =	vsel vm11, v1, v2;
	v2 =	vbroadcast v5, $0xF;
	v4, _, _ =	vpop (xrf0)  }
0x1b0: {  	v1 =	vsel vm12, v1, v3;
	v3 =	vbroadcast v4, $0xF  }
0x1b1: {  	v1 =	vsel vm13, v1, v2  }
0x1b2: {  	v1 =	vsel vm7, v1, v3  }
0x1b3: {  	(xrf0) =	vmax.scan.msk.f32 $0xffff, v1;
	_ =	sdelay $0x4  }
0x1b4: {  	v16 =	vld [tilespmem:$0x1FFF0]  }
0x1b5: {  	v2, _, _ =	vpop (xrf0)  }
0x1b6: {  	v4 =	vbroadcast v2, $0xF;
	_ =	sdelay $0x1  }
0x1b7: {  	vm14 =	veq.f32 v1, v4  }
0x1b8: {  	v2 =	vnsel vm14, $0xFFFFFFFF, v16  }
0x1b9: {  	(xrf0) =	vmin.scan.msk.u32 $0xffff, v2;
	_ =	sdelay $0x5  }
0x1ba: {  	v2, _, _ =	vpop (xrf0)  }
0x1bb: {  	(v2sf) =	vpush v2, $0xF;
	_ =	sdelay $0xd  }
0x1bc: {  	v18 =	vld [tilespmem:$0x1FFE0]  }
0x1bd: {  	s22 =	spop (v2sf)  }
0x1be: {  	s16 =	sxor.u32 $0x80000000, s22  }
0x1bf: {  	v2 =	vmov s16  }
0x1c0: {  	vm14 =	veq.s32 v2, v0  }
0x1c1: {  	v2 =	vnsel vm14, $0xFFFFFFFF, v18  }
0x1c2: {  	(xrf0) =	vmin.scan.msk.u32 $0xffff, v2;
	_ =	sdelay $0x5  }
0x1c3: {  	v2, _, _ =	vpop (xrf0)  }
0x1c4: {  	(v2sf) =	vpush v2, $0xF  }
0x1c5: {  	v5 =	vxor.u32 $0x80000000, v35  }
0x1c6: {  	v2 =	vnsel vm14, $0xFFFFFFFF, v5  }
0x1c7: {  	(xrf0) =	vmin.scan.msk.u32 $0xffff, v2;
	_ =	sdelay $0x5  }
0x1c8: {  	v2, _, _ =	vpop (xrf0)  }
0x1c9: {  	(v2sf) =	vpush v2, $0xF;
	_ =	sdelay $0x4  }
0x1ca: {  	s23 =	spop (v2sf)  }
0x1cb: {  	s24 =	sxor.u32 $0x80000000, s23  }
0x1cc: {  	s25 =	smulhi.u32 $0x5397829D, s24;
	s26 =	sshra.s32 s24, $0x1F  }
0x1cd: {  	s19 =	smul.u32 $0x5397829D, s26;
	_ =	sdelay $0x1  }
0x1ce: {  	s18 =	sadd.s32 s19, s25  }
0x1cf: {  	s19 =	sshrl.u32 s18, $0x1F;
	s18 =	sshra.s32 s18, $0x6  }
0x1d0: {  	s18 =	sadd.s32 s19, s18  }
0x1d1: {  	s19 =	smul.u32 $0xFFFFFF3C, s18  }
0x1d2: {  	p2 =	sgt.s32 s23, $0xFFFFFFFF;
	s16 =	ssub.s32 $0x0, s24  }
0x1d3: {  	p0 =	slt.s32 s24, $0x1;
	p6 =	sne.s32 s19, s16;
	s16 =	spop (v2sf)  }
0x1d4: {  	p0 =	por p2, p0;
	s28 =	sshll.u32 s16, $0xB  }
0x1d5: {  	p0 =	por !p0, !p6;
	s29 =	sshra.s32 s28, $0x2  }
0x1d6: {  	s19 =	simm.s32 $0x1;
	p0 =	por !p0, !p0;
	v2 =	vmov s29  }
0x1d7: {  	s19 =	simm.s32 @!p0 $0x0  }
0x1d8: {  	s18 =	ssub.s32 s18, s19  }
0x1d9: {  	s30 =	smul.u32 $0x7FFF3C, s18  }
0x1da: {  	s31 =	simm.s32 $0x0  }
0x1db: {  	s18 =	smul.u32 $0x186A0, s18;
	s17 =	sadd.s32 s23, s30;
	v6 =	vld.idx.msk [tilespmem:v2+s31+$0x0 ss:$0x1], $0xffff  }
0x1dc: {  	s17 =	sshll.u32 s17, $0x9  }
0x1dd: {  	s18 =	sadd.s32 s18, s17  }
0x1de: {  	v3 =	vimm.s32 $0x7FFFFFFF;
	p0 =	por p1, p1;
	s17 =	simm.s32 $0x40;
	s19 =	smov.u32 s18  }
.LBB2_3:
0x1df: {  	s20 =	sshra.s32 s17, $0x2;
	p1 =	sne.s32 s17, $0x7C0;
	s17 =	sadd.s32 $0x40, s17  }
.Ltmp0:
0x1e0: {  	v7 =	vor.u32 s19, v0;
	vm15 =	veq.f32 v6, v4;
	v6 =	vld.idx.msk [tilespmem:v2+s20+$0x0 ss:$0x1], $0xffff;
	(pc) =	sbr.rel @p1 .LBB2_3-.Ltmp0, $4  }
0x1e1: {  	v7 =	vnsel vm15, $0x7FFFFFFF, v7  }
0x1e2: {  	vm15 =	vlt.s32 v3, v7  }
0x1e3: {  	v3 =	vsel vm15, v3, v7  }
0x1e4: {  	s19 =	sadd.s32 $0x10, s19  }
0x1e5: {  	v2 =	vor.u32 s19, v0;
	vm15 =	veq.f32 v6, v4  }
0x1e6: {  	v2 =	vnsel vm15, $0x7FFFFFFF, v2  }
0x1e7: {  	vm15 =	vlt.s32 v3, v2  }
0x1e8: {  	v2 =	vsel vm15, v3, v2  }
0x1e9: {  	v2 =	vxor.u32 $0x80000000, v2  }
0x1ea: {  	(xrf0) =	vmin.scan.msk.u32 $0xffff, v2;
	_ =	sdelay $0x5  }
0x1eb: {  	v2, _, _ =	vpop (xrf0)  }
0x1ec: {  	(v2sf) =	vpush v2, $0xF;
	_ =	sdelay $0xe  }
0x1ed: {  	s17 =	sshll.u32 s16, $0x9;
	s22 =	spop (v2sf)  }
0x1ee: {  	s18 =	ssub.s32 s17, s18;
	s16 =	sxor.u32 $0x80000000, s22  }
0x1ef: {  	s18 =	sadd.s32 s16, s18  }
0x1f0: {  	v2 =	vmov s18;
	_ =	sdelay $0x3  }
0x1f1: {  	s23 =	simm.s32 $0x0;
	v17 =	vimm.f32 $-3.000000010e+38  }
0x1f2: {  	[tilespmem:v2+s23+$0x0] =	vst.idx.msk $0x1, v17  }
0x1f3: {  	v2 =	vld [tilespmem:s17+$0x0]  }
0x1f4: {  	v3 =	vld [tilespmem:s17+$0x10]  }
0x1f5: {  	v6 =	vld [tilespmem:s17+$0x20]  }
0x1f6: {  	v7 =	vld [tilespmem:s17+$0x30]  }
0x1f7: {  	v8 =	vld [tilespmem:s17+$0x40]  }
0x1f8: {  	v9 =	vld [tilespmem:s17+$0x50];
	v2 =	vmax.f32 v2, $-3.000000010e+38  }
0x1f9: {  	v2 =	vmax.f32 v2, v3;
	v3 =	vld [tilespmem:s17+$0x60]  }
0x1fa: {  	v2 =	vmax.f32 v2, v6;
	v6 =	vld [tilespmem:s17+$0x70]  }
0x1fb: {  	v2 =	vmax.f32 v2, v7;
	v7 =	vld [tilespmem:s17+$0x80]  }
0x1fc: {  	v2 =	vmax.f32 v2, v8;
	v8 =	vld [tilespmem:s17+$0x90]  }
0x1fd: {  	v59 =	vld [tilespmem:s17+$0xA0];
	v2 =	vmax.f32 v2, v9  }
0x1fe: {  	v2 =	vmax.f32 v2, v3;
	v3 =	vld [tilespmem:s17+$0xB0]  }
0x1ff: {  	v2 =	vmax.f32 v2, v6;
	v6 =	vld [tilespmem:s17+$0xC0]  }
0x200: {  	v2 =	vmax.f32 v2, v7;
	v7 =	vld [tilespmem:s17+$0xD0]  }
0x201: {  	v2 =	vmax.f32 v2, v8;
	v8 =	vld [tilespmem:s17+$0xE0]  }
0x202: {  	v60 =	vld [tilespmem:s17+$0xF0];
	v2 =	vmax.f32 v2, v59  }
0x203: {  	v2 =	vmax.f32 v2, v3;
	v3 =	vld [tilespmem:s17+$0x100]  }
0x204: {  	v2 =	vmax.f32 v2, v6;
	v6 =	vld [tilespmem:s17+$0x110]  }
0x205: {  	v2 =	vmax.f32 v2, v7;
	v7 =	vld [tilespmem:s17+$0x120]  }
0x206: {  	v2 =	vmax.f32 v2, v8;
	v8 =	vld [tilespmem:s17+$0x130]  }
0x207: {  	v61 =	vld [tilespmem:s17+$0x140];
	v2 =	vmax.f32 v2, v60  }
0x208: {  	v2 =	vmax.f32 v2, v3;
	v3 =	vld [tilespmem:s17+$0x150]  }
0x209: {  	v2 =	vmax.f32 v2, v6;
	v6 =	vld [tilespmem:s17+$0x160]  }
0x20a: {  	v2 =	vmax.f32 v2, v7;
	v7 =	vld [tilespmem:s17+$0x170]  }
0x20b: {  	v2 =	vmax.f32 v2, v8;
	v8 =	vld [tilespmem:s17+$0x180]  }
0x20c: {  	v62 =	vld [tilespmem:s17+$0x190];
	v2 =	vmax.f32 v2, v61  }
0x20d: {  	v2 =	vmax.f32 v2, v3;
	v3 =	vld [tilespmem:s17+$0x1A0]  }
0x20e: {  	v2 =	vmax.f32 v2, v6;
	v6 =	vld [tilespmem:s17+$0x1B0]  }
0x20f: {  	v2 =	vmax.f32 v2, v7;
	v7 =	vld [tilespmem:s17+$0x1C0]  }
0x210: {  	v2 =	vmax.f32 v2, v8;
	v8 =	vld [tilespmem:s17+$0x1D0]  }
0x211: {  	v63 =	vld [tilespmem:s17+$0x1E0];
	v2 =	vmax.f32 v2, v62  }
0x212: {  	v2 =	vmax.f32 v2, v3;
	v3 =	vld [tilespmem:s17+$0x1F0]  }
0x213: {  	v2 =	vmax.f32 v2, v6  }
0x214: {  	v2 =	vmax.f32 v2, v7  }
0x215: {  	v2 =	vmax.f32 v2, v8  }
0x216: {  	v2 =	vmax.f32 v2, v63  }
0x217: {  	v2 =	vmax.f32 v2, v3  }
0x218: {  	(xrf0) =	vmax.scan.msk.f32 $0xffff, v2;
	_ =	sdelay $0x5  }
0x219: {  	v2, _, _ =	vpop (xrf0)  }
0x21a: {  	v2 =	vbroadcast v2, $0xF;
	_ =	sdelay $0x1  }
0x21b: {  	v1 =	vsel vm14, v2, v1  }
0x21c: {  	(xrf0) =	vmax.scan.msk.f32 $0xffff, v1;
	_ =	sdelay $0x5  }
0x21d: {  	v2, _, _ =	vpop (xrf0)  }
0x21e: {  	v6 =	vbroadcast v2, $0xF;
	_ =	sdelay $0x1  }
0x21f: {  	vm14 =	veq.f32 v1, v6  }
0x220: {  	v2 =	vnsel vm14, $0xFFFFFFFF, v16  }
0x221: {  	(xrf0) =	vmin.scan.msk.u32 $0xffff, v2;
	_ =	sdelay $0x5  }
0x222: {  	v2, _, _ =	vpop (xrf0)  }
0x223: {  	(v2sf) =	vpush v2, $0xF;
	_ =	sdelay $0xe  }
0x224: {  	s24 =	spop (v2sf)  }
0x225: {  	s17 =	sxor.u32 $0x80000000, s24  }
0x226: {  	v2 =	vmov s17  }
0x227: {  	vm14 =	veq.s32 v2, v0  }
0x228: {  	v2 =	vnsel vm14, $0xFFFFFFFF, v18  }
0x229: {  	(xrf0) =	vmin.scan.msk.u32 $0xffff, v2;
	_ =	sdelay $0x5  }
0x22a: {  	v2, _, _ =	vpop (xrf0)  }
0x22b: {  	(v2sf) =	vpush v2, $0xF;
	_ =	sdelay $0x1  }
0x22c: {  	v2 =	vnsel vm14, $0xFFFFFFFF, v5  }
0x22d: {  	(xrf0) =	vmin.scan.msk.u32 $0xffff, v2;
	_ =	sdelay $0x5  }
0x22e: {  	v2, _, _ =	vpop (xrf0)  }
0x22f: {  	(v2sf) =	vpush v2, $0xF;
	_ =	sdelay $0x4  }
0x230: {  	s25 =	spop (v2sf)  }
0x231: {  	s26 =	sxor.u32 $0x80000000, s25  }
0x232: {  	s28 =	smulhi.u32 $0x5397829D, s26;
	s20 =	sshra.s32 s26, $0x1F  }
0x233: {  	s20 =	smul.u32 $0x5397829D, s20;
	_ =	sdelay $0x1  }
0x234: {  	s19 =	sadd.s32 s20, s28  }
0x235: {  	s20 =	sshrl.u32 s19, $0x1F;
	s19 =	sshra.s32 s19, $0x6  }
0x236: {  	s19 =	sadd.s32 s20, s19  }
0x237: {  	s20 =	smul.u32 $0xFFFFFF3C, s19  }
0x238: {  	p2 =	sgt.s32 s25, $0xFFFFFFFF;
	s17 =	ssub.s32 $0x0, s26  }
0x239: {  	p1 =	slt.s32 s26, $0x1;
	p6 =	sne.s32 s20, s17;
	s17 =	spop (v2sf)  }
0x23a: {  	p1 =	por p2, p1;
	s21 =	sshll.u32 s17, $0xB  }
0x23b: {  	p1 =	por !p1, !p6;
	s29 =	sshra.s32 s21, $0x2  }
0x23c: {  	s20 =	simm.s32 $0x1;
	p1 =	por !p1, !p1;
	v2 =	vmov s29  }
0x23d: {  	s20 =	simm.s32 @!p1 $0x0  }
0x23e: {  	s19 =	ssub.s32 s19, s20  }
0x23f: {  	s30 =	smul.u32 $0x7FFF3C, s19  }
0x240: {  	s31 =	simm.s32 $0x0  }
0x241: {  	s19 =	smul.u32 $0x186A0, s19;
	s18 =	sadd.s32 s25, s30;
	v7 =	vld.idx.msk [tilespmem:v2+s31+$0x0 ss:$0x1], $0xffff  }
0x242: {  	s18 =	sshll.u32 s18, $0x9  }
0x243: {  	s19 =	sadd.s32 s19, s18  }
0x244: {  	v3 =	vimm.s32 $0x7FFFFFFF;
	s18 =	simm.s32 $0x40;
	s20 =	smov.u32 s19  }
.LBB2_5:
0x245: {  	s21 =	sshra.s32 s18, $0x2;
	p1 =	sne.s32 s18, $0x7C0;
	s18 =	sadd.s32 $0x40, s18  }
.Ltmp1:
0x246: {  	v8 =	vor.u32 s20, v0;
	vm15 =	veq.f32 v7, v6;
	v7 =	vld.idx.msk [tilespmem:v2+s21+$0x0 ss:$0x1], $0xffff;
	(pc) =	sbr.rel @p1 .LBB2_5-.Ltmp1, $4  }
0x247: {  	v8 =	vnsel vm15, $0x7FFFFFFF, v8  }
0x248: {  	vm15 =	vlt.s32 v3, v8  }
0x249: {  	v3 =	vsel vm15, v3, v8  }
0x24a: {  	s20 =	sadd.s32 $0x10, s20  }
0x24b: {  	v2 =	vor.u32 s20, v0;
	vm15 =	veq.f32 v7, v6  }
0x24c: {  	v2 =	vnsel vm15, $0x7FFFFFFF, v2  }
0x24d: {  	vm15 =	vlt.s32 v3, v2  }
0x24e: {  	v2 =	vsel vm15, v3, v2  }
0x24f: {  	v2 =	vxor.u32 $0x80000000, v2  }
0x250: {  	(xrf0) =	vmin.scan.msk.u32 $0xffff, v2;
	_ =	sdelay $0x5  }
0x251: {  	v2, _, _ =	vpop (xrf0)  }
0x252: {  	(v2sf) =	vpush v2, $0xF;
	_ =	sdelay $0xe  }
0x253: {  	s18 =	sshll.u32 s17, $0x9;
	s22 =	spop (v2sf)  }
0x254: {  	s19 =	ssub.s32 s18, s19;
	s17 =	sxor.u32 $0x80000000, s22  }
0x255: {  	s19 =	sadd.s32 s17, s19  }
0x256: {  	v2 =	vmov s19;
	_ =	sdelay $0x3  }
0x257: {  	s23 =	simm.s32 $0x0  }
0x258: {  	[tilespmem:v2+s23+$0x0] =	vst.idx.msk $0x1, v17  }
0x259: {  	v2 =	vld [tilespmem:s18+$0x0]  }
0x25a: {  	v3 =	vld [tilespmem:s18+$0x10]  }
0x25b: {  	v7 =	vld [tilespmem:s18+$0x20]  }
0x25c: {  	v8 =	vld [tilespmem:s18+$0x30]  }
0x25d: {  	v9 =	vld [tilespmem:s18+$0x40]  }
0x25e: {  	v10 =	vld [tilespmem:s18+$0x50];
	v2 =	vmax.f32 v2, $-3.000000010e+38  }
0x25f: {  	v2 =	vmax.f32 v2, v3;
	v3 =	vld [tilespmem:s18+$0x60]  }
0x260: {  	v2 =	vmax.f32 v2, v7;
	v7 =	vld [tilespmem:s18+$0x70]  }
0x261: {  	v2 =	vmax.f32 v2, v8;
	v8 =	vld [tilespmem:s18+$0x80]  }
0x262: {  	v2 =	vmax.f32 v2, v9;
	v9 =	vld [tilespmem:s18+$0x90]  }
0x263: {  	v2 =	vmax.f32 v2, v10;
	v10 =	vld [tilespmem:s18+$0xA0]  }
0x264: {  	v2 =	vmax.f32 v2, v3;
	v3 =	vld [tilespmem:s18+$0xB0]  }
0x265: {  	v2 =	vmax.f32 v2, v7;
	v7 =	vld [tilespmem:s18+$0xC0]  }
0x266: {  	v2 =	vmax.f32 v2, v8;
	v8 =	vld [tilespmem:s18+$0xD0]  }
0x267: {  	v2 =	vmax.f32 v2, v9;
	v9 =	vld [tilespmem:s18+$0xE0]  }
0x268: {  	v2 =	vmax.f32 v2, v10;
	v10 =	vld [tilespmem:s18+$0xF0]  }
0x269: {  	v2 =	vmax.f32 v2, v3;
	v3 =	vld [tilespmem:s18+$0x100]  }
0x26a: {  	v2 =	vmax.f32 v2, v7;
	v7 =	vld [tilespmem:s18+$0x110]  }
0x26b: {  	v2 =	vmax.f32 v2, v8;
	v8 =	vld [tilespmem:s18+$0x120]  }
0x26c: {  	v2 =	vmax.f32 v2, v9;
	v9 =	vld [tilespmem:s18+$0x130]  }
0x26d: {  	v2 =	vmax.f32 v2, v10;
	v10 =	vld [tilespmem:s18+$0x140]  }
0x26e: {  	v2 =	vmax.f32 v2, v3;
	v3 =	vld [tilespmem:s18+$0x150]  }
0x26f: {  	v2 =	vmax.f32 v2, v7;
	v7 =	vld [tilespmem:s18+$0x160]  }
0x270: {  	v2 =	vmax.f32 v2, v8;
	v8 =	vld [tilespmem:s18+$0x170]  }
0x271: {  	v2 =	vmax.f32 v2, v9;
	v9 =	vld [tilespmem:s18+$0x180]  }
0x272: {  	v2 =	vmax.f32 v2, v10;
	v10 =	vld [tilespmem:s18+$0x190]  }
0x273: {  	v2 =	vmax.f32 v2, v3;
	v3 =	vld [tilespmem:s18+$0x1A0]  }
0x274: {  	v2 =	vmax.f32 v2, v7;
	v7 =	vld [tilespmem:s18+$0x1B0]  }
0x275: {  	v2 =	vmax.f32 v2, v8;
	v8 =	vld [tilespmem:s18+$0x1C0]  }
0x276: {  	v2 =	vmax.f32 v2, v9;
	v9 =	vld [tilespmem:s18+$0x1D0]  }
0x277: {  	v2 =	vmax.f32 v2, v10;
	v10 =	vld [tilespmem:s18+$0x1E0]  }
0x278: {  	v2 =	vmax.f32 v2, v3;
	v3 =	vld [tilespmem:s18+$0x1F0]  }
0x279: {  	v2 =	vmax.f32 v2, v7  }
0x27a: {  	v2 =	vmax.f32 v2, v8  }
0x27b: {  	v2 =	vmax.f32 v2, v9  }
0x27c: {  	v2 =	vmax.f32 v2, v10  }
0x27d: {  	v2 =	vmax.f32 v2, v3  }
0x27e: {  	(xrf0) =	vmax.scan.msk.f32 $0xffff, v2;
	_ =	sdelay $0x5  }
0x27f: {  	v2, _, _ =	vpop (xrf0)  }
0x280: {  	v2 =	vbroadcast v2, $0xF;
	_ =	sdelay $0x1  }
0x281: {  	v1 =	vsel vm14, v2, v1  }
0x282: {  	(xrf0) =	vmax.scan.msk.f32 $0xffff, v1;
	_ =	sdelay $0x5  }
0x283: {  	v2, _, _ =	vpop (xrf0)  }
0x284: {  	v7 =	vbroadcast v2, $0xF;
	_ =	sdelay $0x1  }
0x285: {  	vm14 =	veq.f32 v1, v7  }
0x286: {  	v2 =	vnsel vm14, $0xFFFFFFFF, v16  }
0x287: {  	(xrf0) =	vmin.scan.msk.u32 $0xffff, v2;
	_ =	sdelay $0x5  }
0x288: {  	v2, _, _ =	vpop (xrf0)  }
0x289: {  	(v2sf) =	vpush v2, $0xF;
	_ =	sdelay $0xe  }
0x28a: {  	s24 =	spop (v2sf)  }
0x28b: {  	s18 =	sxor.u32 $0x80000000, s24  }
0x28c: {  	v2 =	vmov s18  }
0x28d: {  	vm14 =	veq.s32 v2, v0  }
0x28e: {  	v2 =	vnsel vm14, $0xFFFFFFFF, v18  }
0x28f: {  	(xrf0) =	vmin.scan.msk.u32 $0xffff, v2;
	_ =	sdelay $0x5  }
0x290: {  	v2, _, _ =	vpop (xrf0)  }
0x291: {  	(v2sf) =	vpush v2, $0xF;
	_ =	sdelay $0x1  }
0x292: {  	v2 =	vnsel vm14, $0xFFFFFFFF, v5  }
0x293: {  	(xrf0) =	vmin.scan.msk.u32 $0xffff, v2;
	_ =	sdelay $0x5  }
0x294: {  	v2, _, _ =	vpop (xrf0)  }
0x295: {  	(v2sf) =	vpush v2, $0xF;
	_ =	sdelay $0x4  }
0x296: {  	s25 =	spop (v2sf)  }
0x297: {  	s26 =	sxor.u32 $0x80000000, s25  }
0x298: {  	s28 =	smulhi.u32 $0x5397829D, s26;
	s21 =	sshra.s32 s26, $0x1F  }
0x299: {  	s21 =	smul.u32 $0x5397829D, s21;
	_ =	sdelay $0x1  }
0x29a: {  	s20 =	sadd.s32 s21, s28  }
0x29b: {  	s21 =	sshrl.u32 s20, $0x1F;
	s20 =	sshra.s32 s20, $0x6  }
0x29c: {  	s20 =	sadd.s32 s21, s20  }
0x29d: {  	s21 =	smul.u32 $0xFFFFFF3C, s20  }
0x29e: {  	p2 =	sgt.s32 s25, $0xFFFFFFFF;
	s18 =	ssub.s32 $0x0, s26  }
0x29f: {  	p1 =	slt.s32 s26, $0x1;
	p6 =	sne.s32 s21, s18;
	s18 =	spop (v2sf)  }
0x2a0: {  	p1 =	por p2, p1;
	s22 =	sshll.u32 s18, $0xB  }
0x2a1: {  	p1 =	por !p1, !p6;
	s29 =	sshra.s32 s22, $0x2  }
0x2a2: {  	s21 =	simm.s32 $0x1;
	p1 =	por !p1, !p1;
	v2 =	vmov s29  }
0x2a3: {  	s21 =	simm.s32 @!p1 $0x0  }
0x2a4: {  	s20 =	ssub.s32 s20, s21  }
0x2a5: {  	s30 =	smul.u32 $0x7FFF3C, s20  }
0x2a6: {  	s31 =	simm.s32 $0x0  }
0x2a7: {  	s20 =	smul.u32 $0x186A0, s20;
	s19 =	sadd.s32 s25, s30;
	v8 =	vld.idx.msk [tilespmem:v2+s31+$0x0 ss:$0x1], $0xffff  }
0x2a8: {  	s19 =	sshll.u32 s19, $0x9  }
0x2a9: {  	s20 =	sadd.s32 s20, s19  }
0x2aa: {  	v3 =	vimm.s32 $0x7FFFFFFF;
	s19 =	simm.s32 $0x40;
	s21 =	smov.u32 s20  }
.LBB2_7:
0x2ab: {  	s22 =	sshra.s32 s19, $0x2;
	p1 =	sne.s32 s19, $0x7C0;
	s19 =	sadd.s32 $0x40, s19  }
.Ltmp2:
0x2ac: {  	v9 =	vor.u32 s21, v0;
	vm15 =	veq.f32 v8, v7;
	v8 =	vld.idx.msk [tilespmem:v2+s22+$0x0 ss:$0x1], $0xffff;
	(pc) =	sbr.rel @p1 .LBB2_7-.Ltmp2, $4  }
0x2ad: {  	v9 =	vnsel vm15, $0x7FFFFFFF, v9  }
0x2ae: {  	vm15 =	vlt.s32 v3, v9  }
0x2af: {  	v3 =	vsel vm15, v3, v9  }
0x2b0: {  	s21 =	sadd.s32 $0x10, s21  }
0x2b1: {  	v2 =	vor.u32 s21, v0;
	vm15 =	veq.f32 v8, v7  }
0x2b2: {  	v2 =	vnsel vm15, $0x7FFFFFFF, v2  }
0x2b3: {  	vm15 =	vlt.s32 v3, v2  }
0x2b4: {  	v2 =	vsel vm15, v3, v2  }
0x2b5: {  	v2 =	vxor.u32 $0x80000000, v2  }
0x2b6: {  	(xrf0) =	vmin.scan.msk.u32 $0xffff, v2;
	_ =	sdelay $0x5  }
0x2b7: {  	v2, _, _ =	vpop (xrf0)  }
0x2b8: {  	(v2sf) =	vpush v2, $0xF;
	_ =	sdelay $0xe  }
0x2b9: {  	s19 =	sshll.u32 s18, $0x9;
	s22 =	spop (v2sf)  }
0x2ba: {  	s20 =	ssub.s32 s19, s20;
	s18 =	sxor.u32 $0x80000000, s22  }
0x2bb: {  	s20 =	sadd.s32 s18, s20  }
0x2bc: {  	v2 =	vmov s20;
	_ =	sdelay $0x3  }
0x2bd: {  	s23 =	simm.s32 $0x0  }
0x2be: {  	[tilespmem:v2+s23+$0x0] =	vst.idx.msk $0x1, v17  }
0x2bf: {  	v2 =	vld [tilespmem:s19+$0x0]  }
0x2c0: {  	v3 =	vld [tilespmem:s19+$0x10]  }
0x2c1: {  	v8 =	vld [tilespmem:s19+$0x20]  }
0x2c2: {  	v9 =	vld [tilespmem:s19+$0x30]  }
0x2c3: {  	v10 =	vld [tilespmem:s19+$0x40]  }
0x2c4: {  	v11 =	vld [tilespmem:s19+$0x50];
	v2 =	vmax.f32 v2, $-3.000000010e+38  }
0x2c5: {  	v2 =	vmax.f32 v2, v3;
	v3 =	vld [tilespmem:s19+$0x60]  }
0x2c6: {  	v2 =	vmax.f32 v2, v8;
	v8 =	vld [tilespmem:s19+$0x70]  }
0x2c7: {  	v2 =	vmax.f32 v2, v9;
	v9 =	vld [tilespmem:s19+$0x80]  }
0x2c8: {  	v2 =	vmax.f32 v2, v10;
	v10 =	vld [tilespmem:s19+$0x90]  }
0x2c9: {  	v2 =	vmax.f32 v2, v11;
	v11 =	vld [tilespmem:s19+$0xA0]  }
0x2ca: {  	v2 =	vmax.f32 v2, v3;
	v3 =	vld [tilespmem:s19+$0xB0]  }
0x2cb: {  	v2 =	vmax.f32 v2, v8;
	v8 =	vld [tilespmem:s19+$0xC0]  }
0x2cc: {  	v2 =	vmax.f32 v2, v9;
	v9 =	vld [tilespmem:s19+$0xD0]  }
0x2cd: {  	v2 =	vmax.f32 v2, v10;
	v10 =	vld [tilespmem:s19+$0xE0]  }
0x2ce: {  	v2 =	vmax.f32 v2, v11;
	v11 =	vld [tilespmem:s19+$0xF0]  }
0x2cf: {  	v2 =	vmax.f32 v2, v3;
	v3 =	vld [tilespmem:s19+$0x100]  }
0x2d0: {  	v2 =	vmax.f32 v2, v8;
	v8 =	vld [tilespmem:s19+$0x110]  }
0x2d1: {  	v2 =	vmax.f32 v2, v9;
	v9 =	vld [tilespmem:s19+$0x120]  }
0x2d2: {  	v2 =	vmax.f32 v2, v10;
	v10 =	vld [tilespmem:s19+$0x130]  }
0x2d3: {  	v2 =	vmax.f32 v2, v11;
	v11 =	vld [tilespmem:s19+$0x140]  }
0x2d4: {  	v2 =	vmax.f32 v2, v3;
	v3 =	vld [tilespmem:s19+$0x150]  }
0x2d5: {  	v2 =	vmax.f32 v2, v8;
	v8 =	vld [tilespmem:s19+$0x160]  }
0x2d6: {  	v2 =	vmax.f32 v2, v9;
	v9 =	vld [tilespmem:s19+$0x170]  }
0x2d7: {  	v2 =	vmax.f32 v2, v10;
	v10 =	vld [tilespmem:s19+$0x180]  }
0x2d8: {  	v2 =	vmax.f32 v2, v11;
	v11 =	vld [tilespmem:s19+$0x190]  }
0x2d9: {  	v2 =	vmax.f32 v2, v3;
	v3 =	vld [tilespmem:s19+$0x1A0]  }
0x2da: {  	v2 =	vmax.f32 v2, v8;
	v8 =	vld [tilespmem:s19+$0x1B0]  }
0x2db: {  	v2 =	vmax.f32 v2, v9;
	v9 =	vld [tilespmem:s19+$0x1C0]  }
0x2dc: {  	v2 =	vmax.f32 v2, v10;
	v10 =	vld [tilespmem:s19+$0x1D0]  }
0x2dd: {  	v2 =	vmax.f32 v2, v11;
	v11 =	vld [tilespmem:s19+$0x1E0]  }
0x2de: {  	v2 =	vmax.f32 v2, v3;
	v3 =	vld [tilespmem:s19+$0x1F0]  }
0x2df: {  	v2 =	vmax.f32 v2, v8  }
0x2e0: {  	v2 =	vmax.f32 v2, v9  }
0x2e1: {  	v2 =	vmax.f32 v2, v10  }
0x2e2: {  	v2 =	vmax.f32 v2, v11  }
0x2e3: {  	v2 =	vmax.f32 v2, v3  }
0x2e4: {  	(xrf0) =	vmax.scan.msk.f32 $0xffff, v2;
	_ =	sdelay $0x5  }
0x2e5: {  	v2, _, _ =	vpop (xrf0)  }
0x2e6: {  	v2 =	vbroadcast v2, $0xF;
	_ =	sdelay $0x1  }
0x2e7: {  	v1 =	vsel vm14, v2, v1  }
0x2e8: {  	(xrf0) =	vmax.scan.msk.f32 $0xffff, v1;
	_ =	sdelay $0x5  }
0x2e9: {  	v2, _, _ =	vpop (xrf0)  }
0x2ea: {  	v8 =	vbroadcast v2, $0xF;
	_ =	sdelay $0x1  }
0x2eb: {  	vm14 =	veq.f32 v1, v8  }
0x2ec: {  	v2 =	vnsel vm14, $0xFFFFFFFF, v16  }
0x2ed: {  	(xrf0) =	vmin.scan.msk.u32 $0xffff, v2;
	_ =	sdelay $0x5  }
0x2ee: {  	v2, _, _ =	vpop (xrf0)  }
0x2ef: {  	(v2sf) =	vpush v2, $0xF;
	_ =	sdelay $0xe  }
0x2f0: {  	s24 =	spop (v2sf)  }
0x2f1: {  	s19 =	sxor.u32 $0x80000000, s24  }
0x2f2: {  	v2 =	vmov s19  }
0x2f3: {  	vm14 =	veq.s32 v2, v0  }
0x2f4: {  	v2 =	vnsel vm14, $0xFFFFFFFF, v18  }
0x2f5: {  	(xrf0) =	vmin.scan.msk.u32 $0xffff, v2;
	_ =	sdelay $0x5  }
0x2f6: {  	v2, _, _ =	vpop (xrf0)  }
0x2f7: {  	(v2sf) =	vpush v2, $0xF;
	_ =	sdelay $0x1  }
0x2f8: {  	v2 =	vnsel vm14, $0xFFFFFFFF, v5  }
0x2f9: {  	(xrf0) =	vmin.scan.msk.u32 $0xffff, v2;
	_ =	sdelay $0x5  }
0x2fa: {  	v2, _, _ =	vpop (xrf0)  }
0x2fb: {  	(v2sf) =	vpush v2, $0xF;
	_ =	sdelay $0x4  }
0x2fc: {  	s25 =	spop (v2sf)  }
0x2fd: {  	s26 =	sxor.u32 $0x80000000, s25  }
0x2fe: {  	s28 =	smulhi.u32 $0x5397829D, s26;
	s22 =	sshra.s32 s26, $0x1F  }
0x2ff: {  	s22 =	smul.u32 $0x5397829D, s22;
	_ =	sdelay $0x1  }
0x300: {  	s21 =	sadd.s32 s22, s28  }
0x301: {  	s22 =	sshrl.u32 s21, $0x1F;
	s21 =	sshra.s32 s21, $0x6  }
0x302: {  	s21 =	sadd.s32 s22, s21  }
0x303: {  	s22 =	smul.u32 $0xFFFFFF3C, s21  }
0x304: {  	p2 =	sgt.s32 s25, $0xFFFFFFFF;
	s19 =	ssub.s32 $0x0, s26  }
0x305: {  	p1 =	slt.s32 s26, $0x1;
	p6 =	sne.s32 s22, s19;
	s19 =	spop (v2sf)  }
0x306: {  	p1 =	por p2, p1;
	s23 =	sshll.u32 s19, $0xB  }
0x307: {  	p1 =	por !p1, !p6;
	s29 =	sshra.s32 s23, $0x2  }
0x308: {  	s22 =	simm.s32 $0x1;
	p1 =	por !p1, !p1;
	v2 =	vmov s29  }
0x309: {  	s22 =	simm.s32 @!p1 $0x0  }
0x30a: {  	s21 =	ssub.s32 s21, s22  }
0x30b: {  	s30 =	smul.u32 $0x7FFF3C, s21  }
0x30c: {  	s31 =	simm.s32 $0x0  }
0x30d: {  	s21 =	smul.u32 $0x186A0, s21;
	s20 =	sadd.s32 s25, s30;
	v9 =	vld.idx.msk [tilespmem:v2+s31+$0x0 ss:$0x1], $0xffff  }
0x30e: {  	s20 =	sshll.u32 s20, $0x9  }
0x30f: {  	s21 =	sadd.s32 s21, s20  }
0x310: {  	v3 =	vimm.s32 $0x7FFFFFFF;
	s20 =	simm.s32 $0x40;
	s22 =	smov.u32 s21  }
.LBB2_9:
0x311: {  	s23 =	sshra.s32 s20, $0x2;
	p1 =	sne.s32 s20, $0x7C0;
	s20 =	sadd.s32 $0x40, s20  }
.Ltmp3:
0x312: {  	v10 =	vor.u32 s22, v0;
	vm15 =	veq.f32 v9, v8;
	v9 =	vld.idx.msk [tilespmem:v2+s23+$0x0 ss:$0x1], $0xffff;
	(pc) =	sbr.rel @p1 .LBB2_9-.Ltmp3, $4  }
0x313: {  	v10 =	vnsel vm15, $0x7FFFFFFF, v10  }
0x314: {  	vm15 =	vlt.s32 v3, v10  }
0x315: {  	v3 =	vsel vm15, v3, v10  }
0x316: {  	s22 =	sadd.s32 $0x10, s22  }
0x317: {  	v2 =	vor.u32 s22, v0;
	vm15 =	veq.f32 v9, v8  }
0x318: {  	v2 =	vnsel vm15, $0x7FFFFFFF, v2  }
0x319: {  	vm15 =	vlt.s32 v3, v2  }
0x31a: {  	v2 =	vsel vm15, v3, v2  }
0x31b: {  	v2 =	vxor.u32 $0x80000000, v2  }
0x31c: {  	(xrf0) =	vmin.scan.msk.u32 $0xffff, v2;
	_ =	sdelay $0x5  }
0x31d: {  	v2, _, _ =	vpop (xrf0)  }
0x31e: {  	(v2sf) =	vpush v2, $0xF;
	_ =	sdelay $0xe  }
0x31f: {  	s20 =	sshll.u32 s19, $0x9;
	s31 =	spop (v2sf)  }
0x320: {  	s21 =	ssub.s32 s20, s21;
	s19 =	sxor.u32 $0x80000000, s31  }
0x321: {  	s21 =	sadd.s32 s19, s21  }
0x322: {  	v2 =	vmov s21;
	_ =	sdelay $0x3  }
0x323: {  	s23 =	simm.s32 $0x0  }
0x324: {  	[tilespmem:v2+s23+$0x0] =	vst.idx.msk $0x1, v17  }
0x325: {  	v2 =	vld [tilespmem:s20+$0x0]  }
0x326: {  	v3 =	vld [tilespmem:s20+$0x10]  }
0x327: {  	v9 =	vld [tilespmem:s20+$0x20]  }
0x328: {  	v10 =	vld [tilespmem:s20+$0x30]  }
0x329: {  	v11 =	vld [tilespmem:s20+$0x40]  }
0x32a: {  	v12 =	vld [tilespmem:s20+$0x50];
	v2 =	vmax.f32 v2, $-3.000000010e+38  }
0x32b: {  	v2 =	vmax.f32 v2, v3;
	v3 =	vld [tilespmem:s20+$0x60]  }
0x32c: {  	v2 =	vmax.f32 v2, v9;
	v9 =	vld [tilespmem:s20+$0x70]  }
0x32d: {  	v2 =	vmax.f32 v2, v10;
	v10 =	vld [tilespmem:s20+$0x80]  }
0x32e: {  	v2 =	vmax.f32 v2, v11;
	v11 =	vld [tilespmem:s20+$0x90]  }
0x32f: {  	v59 =	vld [tilespmem:s20+$0xA0];
	v2 =	vmax.f32 v2, v12  }
0x330: {  	v2 =	vmax.f32 v2, v3;
	v3 =	vld [tilespmem:s20+$0xB0]  }
0x331: {  	v2 =	vmax.f32 v2, v9;
	v9 =	vld [tilespmem:s20+$0xC0]  }
0x332: {  	v2 =	vmax.f32 v2, v10;
	v10 =	vld [tilespmem:s20+$0xD0]  }
0x333: {  	v2 =	vmax.f32 v2, v11;
	v11 =	vld [tilespmem:s20+$0xE0]  }
0x334: {  	v60 =	vld [tilespmem:s20+$0xF0];
	v2 =	vmax.f32 v2, v59  }
0x335: {  	v2 =	vmax.f32 v2, v3;
	v3 =	vld [tilespmem:s20+$0x100]  }
0x336: {  	v2 =	vmax.f32 v2, v9;
	v9 =	vld [tilespmem:s20+$0x110]  }
0x337: {  	v2 =	vmax.f32 v2, v10;
	v10 =	vld [tilespmem:s20+$0x120]  }
0x338: {  	v2 =	vmax.f32 v2, v11;
	v11 =	vld [tilespmem:s20+$0x130]  }
0x339: {  	v61 =	vld [tilespmem:s20+$0x140];
	v2 =	vmax.f32 v2, v60  }
0x33a: {  	v2 =	vmax.f32 v2, v3;
	v3 =	vld [tilespmem:s20+$0x150]  }
0x33b: {  	v2 =	vmax.f32 v2, v9;
	v9 =	vld [tilespmem:s20+$0x160]  }
0x33c: {  	v2 =	vmax.f32 v2, v10;
	v10 =	vld [tilespmem:s20+$0x170]  }
0x33d: {  	v2 =	vmax.f32 v2, v11;
	v11 =	vld [tilespmem:s20+$0x180]  }
0x33e: {  	v62 =	vld [tilespmem:s20+$0x190];
	v2 =	vmax.f32 v2, v61  }
0x33f: {  	v2 =	vmax.f32 v2, v3;
	v3 =	vld [tilespmem:s20+$0x1A0]  }
0x340: {  	v2 =	vmax.f32 v2, v9;
	v9 =	vld [tilespmem:s20+$0x1B0]  }
0x341: {  	v2 =	vmax.f32 v2, v10;
	v10 =	vld [tilespmem:s20+$0x1C0]  }
0x342: {  	v2 =	vmax.f32 v2, v11;
	v11 =	vld [tilespmem:s20+$0x1D0]  }
0x343: {  	v63 =	vld [tilespmem:s20+$0x1E0];
	v2 =	vmax.f32 v2, v62  }
0x344: {  	v2 =	vmax.f32 v2, v3;
	v3 =	vld [tilespmem:s20+$0x1F0]  }
0x345: {  	v2 =	vmax.f32 v2, v9  }
0x346: {  	v2 =	vmax.f32 v2, v10  }
0x347: {  	v2 =	vmax.f32 v2, v11  }
0x348: {  	v2 =	vmax.f32 v2, v63  }
0x349: {  	v2 =	vmax.f32 v2, v3  }
0x34a: {  	(xrf0) =	vmax.scan.msk.f32 $0xffff, v2;
	_ =	sdelay $0x5  }
0x34b: {  	v2, _, _ =	vpop (xrf0)  }
0x34c: {  	v2 =	vbroadcast v2, $0xF;
	_ =	sdelay $0x1  }
0x34d: {  	v1 =	vsel vm14, v2, v1  }
0x34e: {  	(xrf0) =	vmax.scan.msk.f32 $0xffff, v1;
	_ =	sdelay $0x5  }
0x34f: {  	v2, _, _ =	vpop (xrf0)  }
0x350: {  	v9 =	vbroadcast v2, $0xF;
	_ =	sdelay $0x1  }
0x351: {  	vm14 =	veq.f32 v1, v9  }
0x352: {  	v2 =	vnsel vm14, $0xFFFFFFFF, v16  }
0x353: {  	(xrf0) =	vmin.scan.msk.u32 $0xffff, v2;
	_ =	sdelay $0x5  }
0x354: {  	v2, _, _ =	vpop (xrf0)  }
0x355: {  	(v2sf) =	vpush v2, $0xF;
	_ =	sdelay $0xe  }
0x356: {  	s24 =	spop (v2sf)  }
0x357: {  	s20 =	sxor.u32 $0x80000000, s24  }
0x358: {  	v2 =	vmov s20  }
0x359: {  	vm14 =	veq.s32 v2, v0  }
0x35a: {  	v2 =	vnsel vm14, $0xFFFFFFFF, v18  }
0x35b: {  	(xrf0) =	vmin.scan.msk.u32 $0xffff, v2;
	_ =	sdelay $0x5  }
0x35c: {  	v2, _, _ =	vpop (xrf0)  }
0x35d: {  	(v2sf) =	vpush v2, $0xF;
	_ =	sdelay $0x1  }
0x35e: {  	v2 =	vnsel vm14, $0xFFFFFFFF, v5  }
0x35f: {  	(xrf0) =	vmin.scan.msk.u32 $0xffff, v2;
	_ =	sdelay $0x5  }
0x360: {  	v2, _, _ =	vpop (xrf0)  }
0x361: {  	(v2sf) =	vpush v2, $0xF;
	_ =	sdelay $0x4  }
0x362: {  	s25 =	spop (v2sf)  }
0x363: {  	s26 =	sxor.u32 $0x80000000, s25  }
0x364: {  	s28 =	smulhi.u32 $0x5397829D, s26;
	s23 =	sshra.s32 s26, $0x1F  }
0x365: {  	s23 =	smul.u32 $0x5397829D, s23;
	_ =	sdelay $0x1  }
0x366: {  	s22 =	sadd.s32 s23, s28  }
0x367: {  	s23 =	sshrl.u32 s22, $0x1F;
	s22 =	sshra.s32 s22, $0x6  }
0x368: {  	s22 =	sadd.s32 s23, s22  }
0x369: {  	s23 =	smul.u32 $0xFFFFFF3C, s22  }
0x36a: {  	p2 =	sgt.s32 s25, $0xFFFFFFFF;
	s20 =	ssub.s32 $0x0, s26  }
0x36b: {  	p1 =	slt.s32 s26, $0x1;
	p6 =	sne.s32 s23, s20;
	s20 =	spop (v2sf)  }
0x36c: {  	p1 =	por p2, p1;
	s24 =	sshll.u32 s20, $0xB  }
0x36d: {  	p1 =	por !p1, !p6;
	s29 =	sshra.s32 s24, $0x2  }
0x36e: {  	s23 =	simm.s32 $0x1;
	p1 =	por !p1, !p1;
	v2 =	vmov s29  }
0x36f: {  	s23 =	simm.s32 @!p1 $0x0  }
0x370: {  	s22 =	ssub.s32 s22, s23  }
0x371: {  	s30 =	smul.u32 $0x7FFF3C, s22  }
0x372: {  	s31 =	simm.s32 $0x0  }
0x373: {  	s22 =	smul.u32 $0x186A0, s22;
	s21 =	sadd.s32 s25, s30;
	v10 =	vld.idx.msk [tilespmem:v2+s31+$0x0 ss:$0x1], $0xffff  }
0x374: {  	s21 =	sshll.u32 s21, $0x9  }
0x375: {  	s22 =	sadd.s32 s22, s21  }
0x376: {  	v3 =	vimm.s32 $0x7FFFFFFF;
	s21 =	simm.s32 $0x40;
	s23 =	smov.u32 s22  }
.LBB2_11:
0x377: {  	s24 =	sshra.s32 s21, $0x2;
	p1 =	sne.s32 s21, $0x7C0;
	s21 =	sadd.s32 $0x40, s21  }
.Ltmp4:
0x378: {  	v11 =	vor.u32 s23, v0;
	vm15 =	veq.f32 v10, v9;
	v10 =	vld.idx.msk [tilespmem:v2+s24+$0x0 ss:$0x1], $0xffff;
	(pc) =	sbr.rel @p1 .LBB2_11-.Ltmp4, $4  }
0x379: {  	v11 =	vnsel vm15, $0x7FFFFFFF, v11  }
0x37a: {  	vm15 =	vlt.s32 v3, v11  }
0x37b: {  	v3 =	vsel vm15, v3, v11  }
0x37c: {  	s23 =	sadd.s32 $0x10, s23  }
0x37d: {  	v2 =	vor.u32 s23, v0;
	vm15 =	veq.f32 v10, v9  }
0x37e: {  	v2 =	vnsel vm15, $0x7FFFFFFF, v2  }
0x37f: {  	vm15 =	vlt.s32 v3, v2  }
0x380: {  	v2 =	vsel vm15, v3, v2  }
0x381: {  	v2 =	vxor.u32 $0x80000000, v2  }
0x382: {  	(xrf0) =	vmin.scan.msk.u32 $0xffff, v2;
	_ =	sdelay $0x5  }
0x383: {  	v2, _, _ =	vpop (xrf0)  }
0x384: {  	(v2sf) =	vpush v2, $0xF;
	_ =	sdelay $0xe  }
0x385: {  	s21 =	sshll.u32 s20, $0x9;
	s28 =	spop (v2sf)  }
0x386: {  	s22 =	ssub.s32 s21, s22;
	s20 =	sxor.u32 $0x80000000, s28  }
0x387: {  	s22 =	sadd.s32 s20, s22  }
0x388: {  	v2 =	vmov s22;
	_ =	sdelay $0x3  }
0x389: {  	s29 =	simm.s32 $0x0  }
0x38a: {  	[tilespmem:v2+s29+$0x0] =	vst.idx.msk $0x1, v17  }
0x38b: {  	v2 =	vld [tilespmem:s21+$0x0]  }
0x38c: {  	v3 =	vld [tilespmem:s21+$0x10]  }
0x38d: {  	v10 =	vld [tilespmem:s21+$0x20]  }
0x38e: {  	v11 =	vld [tilespmem:s21+$0x30]  }
0x38f: {  	v12 =	vld [tilespmem:s21+$0x40]  }
0x390: {  	v13 =	vld [tilespmem:s21+$0x50];
	v2 =	vmax.f32 v2, $-3.000000010e+38  }
0x391: {  	v2 =	vmax.f32 v2, v3;
	v3 =	vld [tilespmem:s21+$0x60]  }
0x392: {  	v2 =	vmax.f32 v2, v10;
	v10 =	vld [tilespmem:s21+$0x70]  }
0x393: {  	v2 =	vmax.f32 v2, v11;
	v11 =	vld [tilespmem:s21+$0x80]  }
0x394: {  	v54 =	vld [tilespmem:s21+$0x90];
	v2 =	vmax.f32 v2, v12  }
0x395: {  	v55 =	vld [tilespmem:s21+$0xA0];
	v2 =	vmax.f32 v2, v13  }
0x396: {  	v2 =	vmax.f32 v2, v3;
	v3 =	vld [tilespmem:s21+$0xB0]  }
0x397: {  	v2 =	vmax.f32 v2, v10;
	v10 =	vld [tilespmem:s21+$0xC0]  }
0x398: {  	v2 =	vmax.f32 v2, v11;
	v11 =	vld [tilespmem:s21+$0xD0]  }
0x399: {  	v56 =	vld [tilespmem:s21+$0xE0];
	v2 =	vmax.f32 v2, v54  }
0x39a: {  	v57 =	vld [tilespmem:s21+$0xF0];
	v2 =	vmax.f32 v2, v55  }
0x39b: {  	v2 =	vmax.f32 v2, v3;
	v3 =	vld [tilespmem:s21+$0x100]  }
0x39c: {  	v2 =	vmax.f32 v2, v10;
	v10 =	vld [tilespmem:s21+$0x110]  }
0x39d: {  	v2 =	vmax.f32 v2, v11;
	v11 =	vld [tilespmem:s21+$0x120]  }
0x39e: {  	v58 =	vld [tilespmem:s21+$0x130];
	v2 =	vmax.f32 v2, v56  }
0x39f: {  	v59 =	vld [tilespmem:s21+$0x140];
	v2 =	vmax.f32 v2, v57  }
0x3a0: {  	v2 =	vmax.f32 v2, v3;
	v3 =	vld [tilespmem:s21+$0x150]  }
0x3a1: {  	v2 =	vmax.f32 v2, v10;
	v10 =	vld [tilespmem:s21+$0x160]  }
0x3a2: {  	v2 =	vmax.f32 v2, v11;
	v11 =	vld [tilespmem:s21+$0x170]  }
0x3a3: {  	v60 =	vld [tilespmem:s21+$0x180];
	v2 =	vmax.f32 v2, v58  }
0x3a4: {  	v61 =	vld [tilespmem:s21+$0x190];
	v2 =	vmax.f32 v2, v59  }
0x3a5: {  	v2 =	vmax.f32 v2, v3;
	v3 =	vld [tilespmem:s21+$0x1A0]  }
0x3a6: {  	v2 =	vmax.f32 v2, v10;
	v10 =	vld [tilespmem:s21+$0x1B0]  }
0x3a7: {  	v2 =	vmax.f32 v2, v11;
	v11 =	vld [tilespmem:s21+$0x1C0]  }
0x3a8: {  	v62 =	vld [tilespmem:s21+$0x1D0];
	v2 =	vmax.f32 v2, v60  }
0x3a9: {  	v63 =	vld [tilespmem:s21+$0x1E0];
	v2 =	vmax.f32 v2, v61  }
0x3aa: {  	v2 =	vmax.f32 v2, v3;
	v3 =	vld [tilespmem:s21+$0x1F0]  }
0x3ab: {  	v2 =	vmax.f32 v2, v10  }
0x3ac: {  	v2 =	vmax.f32 v2, v11  }
0x3ad: {  	v2 =	vmax.f32 v2, v62  }
0x3ae: {  	v2 =	vmax.f32 v2, v63  }
0x3af: {  	v2 =	vmax.f32 v2, v3  }
0x3b0: {  	(xrf0) =	vmax.scan.msk.f32 $0xffff, v2;
	_ =	sdelay $0x5  }
0x3b1: {  	v2, _, _ =	vpop (xrf0)  }
0x3b2: {  	v2 =	vbroadcast v2, $0xF;
	_ =	sdelay $0x1  }
0x3b3: {  	v1 =	vsel vm14, v2, v1  }
0x3b4: {  	(xrf0) =	vmax.scan.msk.f32 $0xffff, v1;
	_ =	sdelay $0x5  }
0x3b5: {  	v2, _, _ =	vpop (xrf0)  }
0x3b6: {  	v10 =	vbroadcast v2, $0xF;
	_ =	sdelay $0x1  }
0x3b7: {  	vm14 =	veq.f32 v1, v10  }
0x3b8: {  	v2 =	vnsel vm14, $0xFFFFFFFF, v16  }
0x3b9: {  	(xrf0) =	vmin.scan.msk.u32 $0xffff, v2;
	_ =	sdelay $0x5  }
0x3ba: {  	v2, _, _ =	vpop (xrf0)  }
0x3bb: {  	(v2sf) =	vpush v2, $0xF;
	_ =	sdelay $0xe  }
0x3bc: {  	s30 =	spop (v2sf)  }
0x3bd: {  	s21 =	sxor.u32 $0x80000000, s30  }
0x3be: {  	v2 =	vmov s21  }
0x3bf: {  	vm14 =	veq.s32 v2, v0  }
0x3c0: {  	v2 =	vnsel vm14, $0xFFFFFFFF, v18  }
0x3c1: {  	(xrf0) =	vmin.scan.msk.u32 $0xffff, v2;
	_ =	sdelay $0x5  }
0x3c2: {  	v2, _, _ =	vpop (xrf0)  }
0x3c3: {  	(v2sf) =	vpush v2, $0xF;
	_ =	sdelay $0x1  }
0x3c4: {  	v2 =	vnsel vm14, $0xFFFFFFFF, v5  }
0x3c5: {  	(xrf0) =	vmin.scan.msk.u32 $0xffff, v2;
	_ =	sdelay $0x5  }
0x3c6: {  	v2, _, _ =	vpop (xrf0)  }
0x3c7: {  	(v2sf) =	vpush v2, $0xF;
	_ =	sdelay $0x4  }
0x3c8: {  	s31 =	spop (v2sf)  }
0x3c9: {  	s26 =	sxor.u32 $0x80000000, s31  }
0x3ca: {  	s28 =	smulhi.u32 $0x5397829D, s26;
	s24 =	sshra.s32 s26, $0x1F  }
0x3cb: {  	s24 =	smul.u32 $0x5397829D, s24;
	_ =	sdelay $0x1  }
0x3cc: {  	s23 =	sadd.s32 s24, s28  }
0x3cd: {  	s24 =	sshrl.u32 s23, $0x1F;
	s23 =	sshra.s32 s23, $0x6  }
0x3ce: {  	s23 =	sadd.s32 s24, s23  }
0x3cf: {  	s24 =	smul.u32 $0xFFFFFF3C, s23  }
0x3d0: {  	p2 =	sgt.s32 s31, $0xFFFFFFFF;
	p1 =	slt.s32 s26, $0x1;
	s21 =	ssub.s32 $0x0, s26  }
0x3d1: {  	p1 =	por p2, p1;
	p6 =	sne.s32 s24, s21;
	s21 =	spop (v2sf)  }
0x3d2: {  	p1 =	por !p1, !p6;
	s25 =	sshll.u32 s21, $0xB  }
0x3d3: {  	s24 =	simm.s32 $0x1;
	p1 =	por !p1, !p1;
	s29 =	sshra.s32 s25, $0x2  }
0x3d4: {  	s24 =	simm.s32 @!p1 $0x0;
	v2 =	vmov s29  }
0x3d5: {  	s23 =	ssub.s32 s23, s24  }
0x3d6: {  	s30 =	smul.u32 $0x7FFF3C, s23;
	_ =	sdelay $0x1  }
0x3d7: {  	s22 =	sadd.s32 s31, s30;
	s31 =	simm.s32 $0x0  }
0x3d8: {  	s23 =	smul.u32 $0x186A0, s23;
	v11 =	vld.idx.msk [tilespmem:v2+s31+$0x0 ss:$0x1], $0xffff  }
0x3d9: {  	s22 =	sshll.u32 s22, $0x9  }
0x3da: {  	s23 =	sadd.s32 s23, s22  }
0x3db: {  	v3 =	vimm.s32 $0x7FFFFFFF;
	s22 =	simm.s32 $0x40;
	s24 =	smov.u32 s23  }
.LBB2_13:
0x3dc: {  	s25 =	sshra.s32 s22, $0x2;
	p1 =	sne.s32 s22, $0x7C0;
	s22 =	sadd.s32 $0x40, s22  }
.Ltmp5:
0x3dd: {  	v12 =	vor.u32 s24, v0;
	vm15 =	veq.f32 v11, v10;
	v11 =	vld.idx.msk [tilespmem:v2+s25+$0x0 ss:$0x1], $0xffff;
	(pc) =	sbr.rel @p1 .LBB2_13-.Ltmp5, $4  }
0x3de: {  	v12 =	vnsel vm15, $0x7FFFFFFF, v12  }
0x3df: {  	vm15 =	vlt.s32 v3, v12  }
0x3e0: {  	v3 =	vsel vm15, v3, v12  }
0x3e1: {  	s24 =	sadd.s32 $0x10, s24  }
0x3e2: {  	v2 =	vor.u32 s24, v0;
	vm15 =	veq.f32 v11, v10  }
0x3e3: {  	v2 =	vnsel vm15, $0x7FFFFFFF, v2  }
0x3e4: {  	vm15 =	vlt.s32 v3, v2  }
0x3e5: {  	v2 =	vsel vm15, v3, v2  }
0x3e6: {  	v2 =	vxor.u32 $0x80000000, v2  }
0x3e7: {  	(xrf0) =	vmin.scan.msk.u32 $0xffff, v2;
	_ =	sdelay $0x5  }
0x3e8: {  	v2, _, _ =	vpop (xrf0)  }
0x3e9: {  	(v2sf) =	vpush v2, $0xF;
	_ =	sdelay $0xe  }
0x3ea: {  	s22 =	sshll.u32 s21, $0x9;
	s28 =	spop (v2sf)  }
0x3eb: {  	s23 =	ssub.s32 s22, s23;
	s21 =	sxor.u32 $0x80000000, s28  }
0x3ec: {  	s23 =	sadd.s32 s21, s23  }
0x3ed: {  	v2 =	vmov s23;
	_ =	sdelay $0x3  }
0x3ee: {  	s29 =	simm.s32 $0x0  }
0x3ef: {  	[tilespmem:v2+s29+$0x0] =	vst.idx.msk $0x1, v17  }
0x3f0: {  	v2 =	vld [tilespmem:s22+$0x0]  }
0x3f1: {  	v3 =	vld [tilespmem:s22+$0x10]  }
0x3f2: {  	v11 =	vld [tilespmem:s22+$0x20]  }
0x3f3: {  	v12 =	vld [tilespmem:s22+$0x30]  }
0x3f4: {  	v13 =	vld [tilespmem:s22+$0x40]  }
0x3f5: {  	v14 =	vld [tilespmem:s22+$0x50];
	v2 =	vmax.f32 v2, $-3.000000010e+38  }
0x3f6: {  	v2 =	vmax.f32 v2, v3;
	v3 =	vld [tilespmem:s22+$0x60]  }
0x3f7: {  	v2 =	vmax.f32 v2, v11;
	v11 =	vld [tilespmem:s22+$0x70]  }
0x3f8: {  	v2 =	vmax.f32 v2, v12;
	v12 =	vld [tilespmem:s22+$0x80]  }
0x3f9: {  	v2 =	vmax.f32 v2, v13;
	v13 =	vld [tilespmem:s22+$0x90]  }
0x3fa: {  	v2 =	vmax.f32 v2, v14;
	v14 =	vld [tilespmem:s22+$0xA0]  }
0x3fb: {  	v2 =	vmax.f32 v2, v3;
	v3 =	vld [tilespmem:s22+$0xB0]  }
0x3fc: {  	v2 =	vmax.f32 v2, v11;
	v11 =	vld [tilespmem:s22+$0xC0]  }
0x3fd: {  	v2 =	vmax.f32 v2, v12;
	v12 =	vld [tilespmem:s22+$0xD0]  }
0x3fe: {  	v2 =	vmax.f32 v2, v13;
	v13 =	vld [tilespmem:s22+$0xE0]  }
0x3ff: {  	v2 =	vmax.f32 v2, v14;
	v14 =	vld [tilespmem:s22+$0xF0]  }
0x400: {  	v2 =	vmax.f32 v2, v3;
	v3 =	vld [tilespmem:s22+$0x100]  }
0x401: {  	v2 =	vmax.f32 v2, v11;
	v11 =	vld [tilespmem:s22+$0x110]  }
0x402: {  	v2 =	vmax.f32 v2, v12;
	v12 =	vld [tilespmem:s22+$0x120]  }
0x403: {  	v2 =	vmax.f32 v2, v13;
	v13 =	vld [tilespmem:s22+$0x130]  }
0x404: {  	v2 =	vmax.f32 v2, v14;
	v14 =	vld [tilespmem:s22+$0x140]  }
0x405: {  	v2 =	vmax.f32 v2, v3;
	v3 =	vld [tilespmem:s22+$0x150]  }
0x406: {  	v2 =	vmax.f32 v2, v11;
	v11 =	vld [tilespmem:s22+$0x160]  }
0x407: {  	v2 =	vmax.f32 v2, v12;
	v12 =	vld [tilespmem:s22+$0x170]  }
0x408: {  	v2 =	vmax.f32 v2, v13;
	v13 =	vld [tilespmem:s22+$0x180]  }
0x409: {  	v2 =	vmax.f32 v2, v14;
	v14 =	vld [tilespmem:s22+$0x190]  }
0x40a: {  	v2 =	vmax.f32 v2, v3;
	v3 =	vld [tilespmem:s22+$0x1A0]  }
0x40b: {  	v2 =	vmax.f32 v2, v11;
	v11 =	vld [tilespmem:s22+$0x1B0]  }
0x40c: {  	v2 =	vmax.f32 v2, v12;
	v12 =	vld [tilespmem:s22+$0x1C0]  }
0x40d: {  	v2 =	vmax.f32 v2, v13;
	v13 =	vld [tilespmem:s22+$0x1D0]  }
0x40e: {  	v2 =	vmax.f32 v2, v14;
	v14 =	vld [tilespmem:s22+$0x1E0]  }
0x40f: {  	v2 =	vmax.f32 v2, v3;
	v3 =	vld [tilespmem:s22+$0x1F0]  }
0x410: {  	v2 =	vmax.f32 v2, v11  }
0x411: {  	v2 =	vmax.f32 v2, v12  }
0x412: {  	v2 =	vmax.f32 v2, v13  }
0x413: {  	v2 =	vmax.f32 v2, v14  }
0x414: {  	v2 =	vmax.f32 v2, v3  }
0x415: {  	(xrf0) =	vmax.scan.msk.f32 $0xffff, v2;
	_ =	sdelay $0x5  }
0x416: {  	v2, _, _ =	vpop (xrf0)  }
0x417: {  	v2 =	vbroadcast v2, $0xF;
	_ =	sdelay $0x1  }
0x418: {  	v2 =	vsel vm14, v2, v1  }
0x419: {  	(xrf0) =	vmax.scan.msk.f32 $0xffff, v2;
	_ =	sdelay $0x5  }
0x41a: {  	v1, _, _ =	vpop (xrf0)  }
0x41b: {  	v1 =	vbroadcast v1, $0xF;
	_ =	sdelay $0x1  }
0x41c: {  	vm14 =	veq.f32 v2, v1  }
0x41d: {  	v3 =	vnsel vm14, $0xFFFFFFFF, v16  }
0x41e: {  	(xrf0) =	vmin.scan.msk.u32 $0xffff, v3;
	_ =	sdelay $0x5  }
0x41f: {  	v3, _, _ =	vpop (xrf0)  }
0x420: {  	(v2sf) =	vpush v3, $0xF;
	_ =	sdelay $0xe  }
0x421: {  	s30 =	spop (v2sf)  }
0x422: {  	s22 =	sxor.u32 $0x80000000, s30  }
0x423: {  	v3 =	vmov s22  }
0x424: {  	vm14 =	veq.s32 v3, v0  }
0x425: {  	v3 =	vnsel vm14, $0xFFFFFFFF, v18  }
0x426: {  	(xrf0) =	vmin.scan.msk.u32 $0xffff, v3;
	_ =	sdelay $0x5  }
0x427: {  	v3, _, _ =	vpop (xrf0)  }
0x428: {  	(v2sf) =	vpush v3, $0xF;
	_ =	sdelay $0x1  }
0x429: {  	v3 =	vnsel vm14, $0xFFFFFFFF, v5  }
0x42a: {  	(xrf0) =	vmin.scan.msk.u32 $0xffff, v3;
	_ =	sdelay $0x5  }
0x42b: {  	v3, _, _ =	vpop (xrf0)  }
0x42c: {  	(v2sf) =	vpush v3, $0xF;
	_ =	sdelay $0x4  }
0x42d: {  	s31 =	spop (v2sf)  }
0x42e: {  	s26 =	sxor.u32 $0x80000000, s31  }
0x42f: {  	s28 =	smulhi.u32 $0x5397829D, s26;
	s25 =	sshra.s32 s26, $0x1F  }
0x430: {  	s25 =	smul.u32 $0x5397829D, s25;
	_ =	sdelay $0x1  }
0x431: {  	s24 =	sadd.s32 s25, s28  }
0x432: {  	s25 =	sshrl.u32 s24, $0x1F;
	s24 =	sshra.s32 s24, $0x6  }
0x433: {  	s24 =	sadd.s32 s25, s24  }
0x434: {  	s25 =	smul.u32 $0xFFFFFF3C, s24  }
0x435: {  	p2 =	sgt.s32 s31, $0xFFFFFFFF;
	p1 =	slt.s32 s26, $0x1;
	s22 =	ssub.s32 $0x0, s26  }
0x436: {  	p1 =	por p2, p1;
	p6 =	sne.s32 s25, s22;
	s22 =	spop (v2sf)  }
0x437: {  	p1 =	por !p1, !p6;
	s26 =	sshll.u32 s22, $0xB  }
0x438: {  	s25 =	simm.s32 $0x1;
	p1 =	por !p1, !p1;
	s29 =	sshra.s32 s26, $0x2  }
0x439: {  	s25 =	simm.s32 @!p1 $0x0;
	v3 =	vmov s29  }
0x43a: {  	s24 =	ssub.s32 s24, s25  }
0x43b: {  	s30 =	smul.u32 $0x7FFF3C, s24;
	_ =	sdelay $0x1  }
0x43c: {  	s23 =	sadd.s32 s31, s30;
	s31 =	simm.s32 $0x0  }
0x43d: {  	s24 =	smul.u32 $0x186A0, s24;
	v12 =	vld.idx.msk [tilespmem:v3+s31+$0x0 ss:$0x1], $0xffff  }
0x43e: {  	s23 =	sshll.u32 s23, $0x9  }
0x43f: {  	s24 =	sadd.s32 s24, s23  }
0x440: {  	v11 =	vimm.s32 $0x7FFFFFFF;
	s23 =	simm.s32 $0x40;
	s25 =	smov.u32 s24  }
.LBB2_15:
0x441: {  	s26 =	sshra.s32 s23, $0x2;
	p1 =	sne.s32 s23, $0x7C0;
	s23 =	sadd.s32 $0x40, s23  }
.Ltmp6:
0x442: {  	v13 =	vor.u32 s25, v0;
	vm15 =	veq.f32 v12, v1;
	v12 =	vld.idx.msk [tilespmem:v3+s26+$0x0 ss:$0x1], $0xffff;
	(pc) =	sbr.rel @p1 .LBB2_15-.Ltmp6, $4  }
0x443: {  	v13 =	vnsel vm15, $0x7FFFFFFF, v13  }
0x444: {  	vm15 =	vlt.s32 v11, v13  }
0x445: {  	v11 =	vsel vm15, v11, v13  }
0x446: {  	s25 =	sadd.s32 $0x10, s25  }
0x447: {  	v3 =	vor.u32 s25, v0;
	vm15 =	veq.f32 v12, v1  }
0x448: {  	v3 =	vnsel vm15, $0x7FFFFFFF, v3  }
0x449: {  	vm15 =	vlt.s32 v11, v3  }
0x44a: {  	v3 =	vsel vm15, v11, v3  }
0x44b: {  	v3 =	vxor.u32 $0x80000000, v3  }
0x44c: {  	(xrf0) =	vmin.scan.msk.u32 $0xffff, v3;
	_ =	sdelay $0x5  }
0x44d: {  	v3, _, _ =	vpop (xrf0)  }
0x44e: {  	(v2sf) =	vpush v3, $0xF;
	_ =	sdelay $0xe  }
0x44f: {  	s23 =	sshll.u32 s22, $0x9;
	s28 =	spop (v2sf)  }
0x450: {  	s24 =	ssub.s32 s23, s24;
	s22 =	sxor.u32 $0x80000000, s28  }
0x451: {  	s24 =	sadd.s32 s22, s24  }
0x452: {  	v3 =	vmov s24;
	_ =	sdelay $0x3  }
0x453: {  	s29 =	simm.s32 $0x0  }
0x454: {  	[tilespmem:v3+s29+$0x0] =	vst.idx.msk $0x1, v17  }
0x455: {  	v3 =	vld [tilespmem:s23+$0x0]  }
0x456: {  	v11 =	vld [tilespmem:s23+$0x10]  }
0x457: {  	v48 =	vld [tilespmem:s23+$0x20]  }
0x458: {  	v13 =	vld [tilespmem:s23+$0x30]  }
0x459: {  	v14 =	vld [tilespmem:s23+$0x40]  }
0x45a: {  	v15 =	vld [tilespmem:s23+$0x50];
	v3 =	vmax.f32 v3, $-3.000000010e+38  }
0x45b: {  	v3 =	vmax.f32 v3, v11;
	v11 =	vld [tilespmem:s23+$0x60]  }
0x45c: {  	v49 =	vld [tilespmem:s23+$0x70];
	v3 =	vmax.f32 v3, v48  }
0x45d: {  	v50 =	vld [tilespmem:s23+$0x80];
	v3 =	vmax.f32 v3, v13  }
0x45e: {  	v51 =	vld [tilespmem:s23+$0x90];
	v3 =	vmax.f32 v3, v14  }
0x45f: {  	v3 =	vmax.f32 v3, v15;
	v15 =	vld [tilespmem:s23+$0xA0]  }
0x460: {  	v3 =	vmax.f32 v3, v11;
	v11 =	vld [tilespmem:s23+$0xB0]  }
0x461: {  	v52 =	vld [tilespmem:s23+$0xC0];
	v3 =	vmax.f32 v3, v49  }
0x462: {  	v53 =	vld [tilespmem:s23+$0xD0];
	v3 =	vmax.f32 v3, v50  }
0x463: {  	v54 =	vld [tilespmem:s23+$0xE0];
	v3 =	vmax.f32 v3, v51  }
0x464: {  	v3 =	vmax.f32 v3, v15;
	v15 =	vld [tilespmem:s23+$0xF0]  }
0x465: {  	v3 =	vmax.f32 v3, v11;
	v11 =	vld [tilespmem:s23+$0x100]  }
0x466: {  	v55 =	vld [tilespmem:s23+$0x110];
	v3 =	vmax.f32 v3, v52  }
0x467: {  	v56 =	vld [tilespmem:s23+$0x120];
	v3 =	vmax.f32 v3, v53  }
0x468: {  	v57 =	vld [tilespmem:s23+$0x130];
	v3 =	vmax.f32 v3, v54  }
0x469: {  	v3 =	vmax.f32 v3, v15;
	v15 =	vld [tilespmem:s23+$0x140]  }
0x46a: {  	v3 =	vmax.f32 v3, v11;
	v11 =	vld [tilespmem:s23+$0x150]  }
0x46b: {  	v58 =	vld [tilespmem:s23+$0x160];
	v3 =	vmax.f32 v3, v55  }
0x46c: {  	v59 =	vld [tilespmem:s23+$0x170];
	v3 =	vmax.f32 v3, v56  }
0x46d: {  	v60 =	vld [tilespmem:s23+$0x180];
	v3 =	vmax.f32 v3, v57  }
0x46e: {  	v3 =	vmax.f32 v3, v15;
	v15 =	vld [tilespmem:s23+$0x190]  }
0x46f: {  	v3 =	vmax.f32 v3, v11;
	v11 =	vld [tilespmem:s23+$0x1A0]  }
0x470: {  	v61 =	vld [tilespmem:s23+$0x1B0];
	v3 =	vmax.f32 v3, v58  }
0x471: {  	v62 =	vld [tilespmem:s23+$0x1C0];
	v3 =	vmax.f32 v3, v59  }
0x472: {  	v63 =	vld [tilespmem:s23+$0x1D0];
	v3 =	vmax.f32 v3, v60  }
0x473: {  	v3 =	vmax.f32 v3, v15;
	v15 =	vld [tilespmem:s23+$0x1E0]  }
0x474: {  	v3 =	vmax.f32 v3, v11;
	v11 =	vld [tilespmem:s23+$0x1F0]  }
0x475: {  	v3 =	vmax.f32 v3, v61  }
0x476: {  	v3 =	vmax.f32 v3, v62  }
0x477: {  	v3 =	vmax.f32 v3, v63  }
0x478: {  	v3 =	vmax.f32 v3, v15  }
0x479: {  	v3 =	vmax.f32 v3, v11  }
0x47a: {  	(xrf0) =	vmax.scan.msk.f32 $0xffff, v3;
	_ =	sdelay $0x5  }
0x47b: {  	v3, _, _ =	vpop (xrf0)  }
0x47c: {  	v3 =	vbroadcast v3, $0xF;
	_ =	sdelay $0x1  }
0x47d: {  	v3 =	vsel vm14, v3, v2  }
0x47e: {  	(xrf0) =	vmax.scan.msk.f32 $0xffff, v3;
	_ =	sdelay $0x5  }
0x47f: {  	v2, _, _ =	vpop (xrf0)  }
0x480: {  	v2 =	vbroadcast v2, $0xF;
	_ =	sdelay $0x1  }
0x481: {  	vm14 =	veq.f32 v3, v2  }
0x482: {  	v3 =	vnsel vm14, $0xFFFFFFFF, v16  }
0x483: {  	(xrf0) =	vmin.scan.msk.u32 $0xffff, v3;
	_ =	sdelay $0x5  }
0x484: {  	v3, _, _ =	vpop (xrf0)  }
0x485: {  	(v2sf) =	vpush v3, $0xF;
	_ =	sdelay $0xe  }
0x486: {  	s30 =	spop (v2sf)  }
0x487: {  	s23 =	sxor.u32 $0x80000000, s30  }
0x488: {  	v3 =	vmov s23  }
0x489: {  	vm14 =	veq.s32 v3, v0  }
0x48a: {  	v3 =	vnsel vm14, $0xFFFFFFFF, v18  }
0x48b: {  	(xrf0) =	vmin.scan.msk.u32 $0xffff, v3;
	_ =	sdelay $0x5  }
0x48c: {  	v3, _, _ =	vpop (xrf0)  }
0x48d: {  	(v2sf) =	vpush v3, $0xF;
	_ =	sdelay $0x1  }
0x48e: {  	v3 =	vnsel vm14, $0xFFFFFFFF, v5  }
0x48f: {  	(xrf0) =	vmin.scan.msk.u32 $0xffff, v3;
	_ =	sdelay $0x5  }
0x490: {  	v3, _, _ =	vpop (xrf0)  }
0x491: {  	(v2sf) =	vpush v3, $0xF;
	_ =	sdelay $0x4  }
0x492: {  	s24 =	spop (v2sf)  }
0x493: {  	s31 =	sxor.u32 $0x80000000, s24  }
0x494: {  	s28 =	smulhi.u32 $0x5397829D, s31;
	s26 =	sshra.s32 s31, $0x1F  }
0x495: {  	s26 =	smul.u32 $0x5397829D, s26;
	_ =	sdelay $0x1  }
0x496: {  	s25 =	sadd.s32 s26, s28  }
0x497: {  	s26 =	sshrl.u32 s25, $0x1F;
	s25 =	sshra.s32 s25, $0x6  }
0x498: {  	s25 =	sadd.s32 s26, s25  }
0x499: {  	s26 =	smul.u32 $0xFFFFFF3C, s25  }
0x49a: {  	p2 =	sgt.s32 s24, $0xFFFFFFFF;
	s23 =	ssub.s32 $0x0, s31  }
0x49b: {  	p1 =	slt.s32 s31, $0x1;
	p6 =	sne.s32 s26, s23;
	s23 =	spop (v2sf)  }
0x49c: {  	p1 =	por p2, p1;
	s28 =	sshll.u32 s23, $0xB  }
0x49d: {  	p1 =	por !p1, !p6;
	s29 =	sshra.s32 s28, $0x2  }
0x49e: {  	s26 =	simm.s32 $0x1;
	p1 =	por !p1, !p1;
	v3 =	vmov s29  }
0x49f: {  	s26 =	simm.s32 @!p1 $0x0  }
0x4a0: {  	s25 =	ssub.s32 s25, s26  }
0x4a1: {  	s30 =	smul.u32 $0x7FFF3C, s25  }
0x4a2: {  	s31 =	simm.s32 $0x0  }
0x4a3: {  	s25 =	smul.u32 $0x186A0, s25;
	s24 =	sadd.s32 s24, s30;
	v11 =	vld.idx.msk [tilespmem:v3+s31+$0x0 ss:$0x1], $0xffff  }
0x4a4: {  	s24 =	sshll.u32 s24, $0x9  }
0x4a5: {  	s24 =	sadd.s32 s25, s24  }
0x4a6: {  	v5 =	vimm.s32 $0x7FFFFFFF;
	s25 =	simm.s32 $0x40;
	s26 =	smov.u32 s24  }
.LBB2_17:
0x4a7: {  	s28 =	sshra.s32 s25, $0x2;
	p1 =	sne.s32 s25, $0x7C0;
	s25 =	sadd.s32 $0x40, s25  }
.Ltmp7:
0x4a8: {  	v12 =	vor.u32 s26, v0;
	vm14 =	veq.f32 v11, v2;
	v11 =	vld.idx.msk [tilespmem:v3+s28+$0x0 ss:$0x1], $0xffff;
	(pc) =	sbr.rel @p1 .LBB2_17-.Ltmp7, $4  }
0x4a9: {  	v12 =	vnsel vm14, $0x7FFFFFFF, v12  }
0x4aa: {  	vm14 =	vlt.s32 v5, v12  }
0x4ab: {  	v5 =	vsel vm14, v5, v12  }
0x4ac: {  	s26 =	sadd.s32 $0x10, s26  }
0x4ad: {  	v3 =	vor.u32 s26, v0;
	vm14 =	veq.f32 v11, v2  }
0x4ae: {  	v3 =	vnsel vm14, $0x7FFFFFFF, v3  }
0x4af: {  	vm14 =	vlt.s32 v5, v3  }
0x4b0: {  	v3 =	vsel vm14, v5, v3  }
0x4b1: {  	v3 =	vxor.u32 $0x80000000, v3  }
0x4b2: {  	(xrf0) =	vmin.scan.msk.u32 $0xffff, v3;
	_ =	sdelay $0x5  }
0x4b3: {  	v3, _, _ =	vpop (xrf0)  }
0x4b4: {  	(v2sf) =	vpush v3, $0xF;
	_ =	sdelay $0xe  }
0x4b5: {  	s23 =	sshll.u32 s23, $0x9;
	s25 =	spop (v2sf)  }
0x4b6: {  	v62 =	vmov s16;
	s23 =	ssub.s32 s23, s24;
	vm14 =	vcmask $0x300;
	v3 =	vnsel vm0, $0x0, v4;
	s25 =	sxor.u32 $0x80000000, s25  }
0x4b7: {  	v4 =	vnsel vm14, $0x0, v62;
	vm14 =	vcmask $0x704;
	v3 =	vsel vm8, v3, v6;
	s29 =	sadd.s32 s25, s23  }
0x4b8: {  	v4 =	vsel vm14, s17, v4;
	v3 =	vsel vm9, v3, v7;
	v63 =	vmov s29  }
0x4b9: {  	v4 =	vsel vm1, s18, v4;
	v3 =	vsel vm10, v3, v8  }
0x4ba: {  	v4 =	vsel vm2, s19, v4;
	v3 =	vsel vm11, v3, v9  }
0x4bb: {  	v4 =	vsel vm3, s20, v4;
	v3 =	vsel vm12, v3, v10  }
0x4bc: {  	v1 =	vsel vm13, v3, v1;
	v3 =	vsel vm4, s21, v4  }
0x4bd: {  	v1 =	vsel vm7, v1, v2;
	v2 =	vsel vm5, s22, v3;
	[tilespmem:v63+s4+$0x0] =	vst.idx.msk $0x1, v17  }
0x4be: {  	v2 =	vsel vm6, s25, v2;
	[tilespmem:$0x1010] =	vst v1  }
0x4bf: {  	s30 =	sadd.s32 s1, s15;
	[tilespmem:$0x1020] =	vst v2  }
0x4c0: {  	[hbm4b:s30+s4] =	stream.linear.scatter [tilespmem:s12], [sflag:$0x2], $0x10, $0x38;
	[tilespmem:$0x1030] =	vst v63  }
0x4c1: {  	_ =	swait.ge [sflag:s10], $0x10  }
0x4c2: {  	[sflag:s10] =	ssyncset.done $0x0  }
.Ltmp8:
0x4c3: {  	s31 =	sadd.s32 s3, s15;
	[sflag:s10] =	ssyncadd.s32 $0xFFFFFFF0;
	(pc) =	sbr.rel @p0 .LBB2_2-.Ltmp8, $4  }
0x4c4: {  	[hbm4b:s31+s4] =	stream.linear.scatter [tilespmem:s13], [sflag:$0x2], $0x10, $0x38;
	[tilespmem:$0x1030] =	vst v63  }
0x4c5: {  	_ =	swait.ge [sflag:s10], $0x10  }
0x4c6: {  	[sflag:s10] =	ssyncset.done $0x0  }
0x4c7: {  	s15 =	simm.s32 $0x1;
	p1 =	por $0x0, $0x0;
	[sflag:s10] =	ssyncadd.s32 $0xFFFFFFF0  }
0x4c8: {  	s14 =	sadd.s32 $0x1, s14  }
0x4c9: {  	p0 =	sne.s32 s14, s8  }
.Ltmp9:
0x4ca: {  	_ = 	snop;
	(pc) =	sbr.rel @p0 .LBB2_1-.Ltmp9, $1  }
0x4cb: {  	_ =	sdelay $0x3  }
0x4cc: {  	_ =	sfence.sel $0x180000  }
0x4cd: {  	[bflag:$0x0] =	sbarrier.arrive $0xFFFF  }
0x4ce: {  	p0 =	sne.s32 s5, $0x0;
	_ =	strace $0x90000047  }
0x4cf: {  	s0 =	sadd.s32 @!p0 $0x100000, s2;
	[bflag:$0x2] =	sbarrier.arrive $0xFFFF  }
0x4d0: {  	[sflag:s0] =	ssyncadd.tile.s32 @!p0 $0x1;
	_ =	shalt  }
.Lfunc_end2:
_tile_overlayer_lowered:
.L_overlay_start_2:
0x4d1: {  	(tag) =	ssettag $0x2  }
0x4d2: {  	s0 =	rddreg [dreg:$0x0];
	s2 =	stileid.u32  }
0x4d3: {  	s1 =	rddreg [dreg:$0x1];
	p0 =	sne.s32 s2, $0x0  }
0x4d4: {  	s3 =	rddreg [dreg:$0x2];
	[bflag:$0x3] =	sbarrier.arrive $0xFFFF;
	s2 =	simm.s32 @!p0 $0x1C02  }
0x4d5: {  	[timem:s3], [sflag:s2] =	dma.local @!p0 [hbm:s0], s1  }
0x4d6: {  	s0 =	simm.s32 @!p0 $0x2  }
0x4d7: {  	_ =	swait.ge @!p0 [sflag:s0], s1  }
0x4d8: {  	s1 =	ssub.s32 @!p0 $0x0, s1;
	[sflag:s0] =	ssyncset.done @!p0 $0x0  }
0x4d9: {  	[sflag:s0] =	ssyncadd.s32 @!p0 s1  }
0x4da: {  	[bflag:$0x3] =	sbarrier.arrive $0xFFFF  }
0x4db: {  	_ =	shalt  }

</sc_bundles>
